<compile_context>
chip_gen: v7x
topology: tpu7x:2x2x1
jax: 0.10.2.dev20260603
libtpu: 0.0.44.dev20260713+nightly
codegen_flags: <defaults>
</compile_context>

<pallas_src>
import functools

import jax
import jax.numpy as jnp
from jax import lax
from jax.experimental import pallas as pl
from jax.experimental.pallas import tpu as pltpu
from jax.experimental.pallas import tpu_sc as plsc


@functools.lru_cache(maxsize=None)
def _make_sc_kernel(n_i: int, n_j: int, n_rows: int, d: int, tab_len: int):
    info = plsc.get_sparse_core_info()
    nc, ns = info.num_cores, info.num_subcores
    nw = nc * ns
    jw_n, iw_n = 8, 4
    assert nw == jw_n * iw_n
    assert n_j % jw_n == 0 and n_i % iw_n == 0
    j_per_w = n_j // jw_n
    i_per_w = n_i // iw_n
    chunk = 512
    nbuf = 2
    assert i_per_w % chunk == 0
    ic_per_j = i_per_w // chunk
    n_chunks = j_per_w * ic_per_j
    assert n_chunks % nbuf == 0
    lanes = 16

    mesh = plsc.VectorSubcoreMesh(core_axis_name="c", subcore_axis_name="s")

    idx_types = [pltpu.VMEM((chunk,), jnp.int32) for _ in range(nbuf)]
    out_types = [pltpu.VMEM((d, chunk), jnp.float32) for _ in range(nbuf)]

    @functools.partial(
        pl.kernel,
        mesh=mesh,
        out_type=jax.ShapeDtypeStruct((n_j, d, n_i), jnp.float32),
        scratch_types=idx_types
        + out_types
        + [
            pltpu.VMEM((tab_len,), jnp.float32),
            pltpu.SemaphoreType.DMA((nbuf,)),
            pltpu.SemaphoreType.DMA((nbuf,)),
        ],
        compiler_params=pltpu.CompilerParams(
            needs_layout_passes=False, disable_bounds_checks=True
        ),
    )
    def k(tab_hbm, idx_hbm, out_hbm, *refs):
        idx_v = refs[:nbuf]
        out_v = refs[nbuf : 2 * nbuf]
        tab_v, sem_i, sem_o = refs[2 * nbuf :]

        cid = lax.axis_index("c")
        sid = lax.axis_index("s")
        wid = sid * nc + cid
        jw = wid // iw_n
        iw = wid - jw * iw_n
        j0 = jw * j_per_w
        i0w = iw * i_per_w

        pltpu.sync_copy(tab_hbm, tab_v)

        def chunk_off(g):
            j = j0 + g // ic_per_j
            i0 = i0w + (g % ic_per_j) * chunk
            return j, i0

        def start_idx(g, b):
            j, i0 = chunk_off(g)
            pltpu.async_copy(
                idx_hbm.at[pl.ds(j * n_i + i0, chunk)], idx_v[b], sem_i.at[b]
            )

        def wait_idx(b):
            pltpu.make_async_copy(
                idx_hbm.at[pl.ds(0, chunk)], idx_v[b], sem_i.at[b]
            ).wait()

        def start_store(g, b):
            j, i0 = chunk_off(g)
            pltpu.async_copy(
                out_v[b], out_hbm.at[j].at[:, pl.ds(i0, chunk)], sem_o.at[b]
            )

        def wait_store(b):
            pltpu.make_async_copy(
                out_v[b], out_hbm.at[0].at[:, pl.ds(0, chunk)], sem_o.at[b]
            ).wait()

        def compute(b):
            @plsc.parallel_loop(0, chunk, lanes, unroll=4)
            def vbody(v0):
                iv = idx_v[b][pl.ds(v0, lanes)]
                base = iv * (d + 1)
                for c0 in range(0, d, 32):
                    vals = [
                        plsc.load_gather(tab_v, [base + c])
                        for c in range(c0, c0 + 32)
                    ]
                    for k, c in enumerate(range(c0, c0 + 32)):
                        out_v[b][c, pl.ds(v0, lanes)] = vals[k]

        for b in range(nbuf):
            start_idx(b, b)

        def body(go, carry):
            for b in range(nbuf):
                g = go * nbuf + b
                wait_idx(b)

                @pl.when(g >= nbuf)
                def _(b=b):
                    wait_store(b)

                compute(b)
                start_store(g, b)

                @pl.when(g + nbuf < n_chunks)
                def _(g=g, b=b):
                    start_idx(g + nbuf, b)

            return carry

        lax.fori_loop(0, n_chunks // nbuf, body, 0)

        for b in range(nbuf):
            wait_store(b)

    return k


def kernel(time, table):
    n, t = time.shape
    n_rows, d = table.shape
    idx = time.T.reshape(n * t).astype(jnp.int32)
    tab_flat = jnp.pad(table, ((0, 0), (0, 1))).reshape(n_rows * (d + 1))
    tab_len = -(-(n_rows * (d + 1)) // 16) * 16
    tab_flat = jnp.pad(tab_flat, (0, tab_len - tab_flat.shape[0]))
    out3 = _make_sc_kernel(n, t, n_rows, d, tab_len)(tab_flat, idx)
    return out3.transpose(2, 0, 1)

# --- scband reference (transcript-rebuilt; emitter-appended) ---
"""Pipeline reference for scband-time-embedding-61091614819114 (READ-ONLY COPY).

The authoritative reference and input builder live on the scoring server;
editing this copy changes nothing except your own understanding.
"""

import jax, jax.numpy as jnp
import numpy as np

EMBED_DIM = 64
NUM_EMBEDDINGS = 6

def setup_inputs(seed: int = 0) -> dict:
    key = jax.random.key(seed)
    k_idx, k_tab = jax.random.split(key)
    time = jax.random.randint(k_idx, (16384, 200), 0, NUM_EMBEDDINGS, dtype=jnp.int64 if jax.config.jax_enable_x64 else jnp.int32)
    table = jax.random.normal(k_tab, (NUM_EMBEDDINGS, EMBED_DIM), dtype=jnp.float32)
    return {"time": time, "table": table}

def reference(time, table):
    # nn.Embedding lookup: gather rows of the table by index
    return jnp.take(table, time, axis=0)

if __name__ == "__main__":
    import jax
    _d = setup_inputs()
    print(jax.jit(kernel)(*tuple(_d.values())))

</pallas_src>

<mosaic_0001>
#map = affine_map<(d0, d1) -> (0)>
#map1 = affine_map<(d0, d1) -> (0, 0, 0)>
module attributes {stable_mosaic.version = 14 : i64} {
  func.func @k(%arg0: i32, %arg1: i32, %arg2: memref<400xf32, #tpu.memory_space<hbm>>, %arg3: memref<3276800xi32, #tpu.memory_space<hbm>>, %arg4: memref<200x64x16384xf32, #tpu.memory_space<hbm>>, %arg5: memref<512xi32, #tpu.memory_space<vmem>>, %arg6: memref<512xi32, #tpu.memory_space<vmem>>, %arg7: memref<64x512xf32, #tpu.memory_space<vmem>>, %arg8: memref<64x512xf32, #tpu.memory_space<vmem>>, %arg9: memref<400xf32, #tpu.memory_space<vmem>>, %arg10: memref<2x!tpu.dma_semaphore, #tpu.memory_space<semaphore_mem>>, %arg11: memref<2x!tpu.dma_semaphore, #tpu.memory_space<semaphore_mem>>) attributes {dimension_semantics = [#tpu.dimension_semantics<core_parallel>, #tpu.dimension_semantics<subcore_parallel>], iteration_bounds = array<i64: 2, 16>, scalar_prefetch = 0 : i64, scratch_operands = 7 : i64, tpu.core_type = #tpu.core_type<sc_vector_subcore>, window_params = [{transform_indices = #map}, {transform_indices = #map}, {transform_indices = #map1}]} {
    %mul3A = arith.constant 2 : i32
    %mul3A_0 = arith.muli %arg1, %mul3A : i32
    %add3A = arith.addi %mul3A_0, %arg0 : i32
    %jit3A = arith.constant 4 : i32
    %div3A = arith.divsi %add3A, %jit3A : i32
    %sign3A = arith.constant 0 : i32
    %sign3A_1 = arith.cmpi sgt, %add3A, %sign3A : i32
    %sign3A_2 = arith.extui %sign3A_1 : i1 to i32
    %sign3A_3 = arith.constant 0 : i32
    %sign3A_4 = arith.cmpi slt, %add3A, %sign3A_3 : i32
    %sign3A_5 = arith.extui %sign3A_4 : i1 to i32
    %sign3A_6 = arith.subi %sign3A_2, %sign3A_5 : i32
    %sign3A_7 = arith.constant 0 : i32
    %sign3A_8 = arith.cmpi sgt, %jit3A, %sign3A_7 : i32
    %sign3A_9 = arith.extui %sign3A_8 : i1 to i32
    %sign3A_10 = arith.constant 0 : i32
    %sign3A_11 = arith.cmpi slt, %jit3A, %sign3A_10 : i32
    %sign3A_12 = arith.extui %sign3A_11 : i1 to i32
    %sign3A_13 = arith.subi %sign3A_9, %sign3A_12 : i32
    %ne3A = arith.cmpi ne, %sign3A_6, %sign3A_13 : i32
    %rem3A = arith.remsi %add3A, %jit3A : i32
    %ne3A_14 = arith.constant 0 : i32
    %ne3A_15 = arith.cmpi ne, %rem3A, %ne3A_14 : i32
    %and3A = arith.andi %ne3A, %ne3A_15 : i1
    %sub3A = arith.constant 1 : i32
    %sub3A_16 = arith.subi %div3A, %sub3A : i32
    %select_n3A = arith.select %and3A, %sub3A_16, %div3A : i32
    %mul3A_17 = arith.constant 4 : i32
    %mul3A_18 = arith.muli %select_n3A, %mul3A_17 : i32
    %sub3A_19 = arith.subi %add3A, %mul3A_18 : i32
    %mul3A_20 = arith.constant 25 : i32
    %mul3A_21 = arith.muli %select_n3A, %mul3A_20 : i32
    %mul3A_22 = arith.constant 4096 : i32
    %mul3A_23 = arith.muli %sub3A_19, %mul3A_22 : i32
    "tpu.region"() ({
      %run_scoped3A = tpu.sem_alloc : memref<!tpu.dma_semaphore, #tpu.memory_space<semaphore_mem>>
      tpu.enqueue_dma source(%arg2 : memref<400xf32, #tpu.memory_space<hbm>>) target(%arg9 : memref<400xf32, #tpu.memory_space<vmem>>) target_semaphore(%run_scoped3A : memref<!tpu.dma_semaphore, #tpu.memory_space<semaphore_mem>>)
      tpu.wait_dma2 semaphore(%run_scoped3A : memref<!tpu.dma_semaphore, #tpu.memory_space<semaphore_mem>>) src(%arg2 : memref<400xf32, #tpu.memory_space<hbm>>) dst(%arg9 : memref<400xf32, #tpu.memory_space<vmem>>)
      tpu.yield
    }) : () -> ()
    %add3A_24 = arith.constant 0 : i32
    %add3A_25 = arith.addi %mul3A_21, %add3A_24 : i32
    %add3A_26 = arith.constant 0 : i32
    %add3A_27 = arith.addi %mul3A_23, %add3A_26 : i32
    %mul3A_28 = arith.constant 16384 : i32
    %mul3A_29 = arith.muli %add3A_25, %mul3A_28 : i32
    %add3A_30 = arith.addi %mul3A_29, %add3A_27 : i32
    %dma_start3A = arith.constant 0 : i32
    %dma_start3A_31 = tpu.memref_slice %arg3[%add3A_30] : memref<3276800xi32, #tpu.memory_space<hbm>> -> memref<512xi32, #tpu.memory_space<hbm>>
    %dma_start3A_32 = tpu.memref_slice %arg10[%dma_start3A] : memref<2x!tpu.dma_semaphore, #tpu.memory_space<semaphore_mem>> -> memref<1x!tpu.dma_semaphore, #tpu.memory_space<semaphore_mem>>
    %dma_start3A_33 = tpu.memref_squeeze %dma_start3A_32 : memref<1x!tpu.dma_semaphore, #tpu.memory_space<semaphore_mem>> -> memref<!tpu.dma_semaphore, #tpu.memory_space<semaphore_mem>>
    %dma_start3A_34 = tpu.memref_slice %arg3[%add3A_30] : memref<3276800xi32, #tpu.memory_space<hbm>> -> memref<512xi32, #tpu.memory_space<hbm>>
    tpu.enqueue_dma source(%dma_start3A_34 : memref<512xi32, #tpu.memory_space<hbm>>) target(%arg5 : memref<512xi32, #tpu.memory_space<vmem>>) target_semaphore(%dma_start3A_33 : memref<!tpu.dma_semaphore, #tpu.memory_space<semaphore_mem>>)
    %add3A_35 = arith.constant 0 : i32
    %add3A_36 = arith.addi %mul3A_21, %add3A_35 : i32
    %add3A_37 = arith.constant 512 : i32
    %add3A_38 = arith.addi %mul3A_23, %add3A_37 : i32
    %mul3A_39 = arith.constant 16384 : i32
    %mul3A_40 = arith.muli %add3A_36, %mul3A_39 : i32
    %add3A_41 = arith.addi %mul3A_40, %add3A_38 : i32
    %dma_start3A_42 = arith.constant 1 : i32
    %dma_start3A_43 = tpu.memref_slice %arg3[%add3A_41] : memref<3276800xi32, #tpu.memory_space<hbm>> -> memref<512xi32, #tpu.memory_space<hbm>>
    %dma_start3A_44 = tpu.memref_slice %arg10[%dma_start3A_42] : memref<2x!tpu.dma_semaphore, #tpu.memory_space<semaphore_mem>> -> memref<1x!tpu.dma_semaphore, #tpu.memory_space<semaphore_mem>>
    %dma_start3A_45 = tpu.memref_squeeze %dma_start3A_44 : memref<1x!tpu.dma_semaphore, #tpu.memory_space<semaphore_mem>> -> memref<!tpu.dma_semaphore, #tpu.memory_space<semaphore_mem>>
    %dma_start3A_46 = tpu.memref_slice %arg3[%add3A_41] : memref<3276800xi32, #tpu.memory_space<hbm>> -> memref<512xi32, #tpu.memory_space<hbm>>
    tpu.enqueue_dma source(%dma_start3A_46 : memref<512xi32, #tpu.memory_space<hbm>>) target(%arg6 : memref<512xi32, #tpu.memory_space<vmem>>) target_semaphore(%dma_start3A_45 : memref<!tpu.dma_semaphore, #tpu.memory_space<semaphore_mem>>)
    %scan3A = arith.constant 0 : i32
    %scan3A_47 = arith.constant 0 : i32
    %scan3A_48 = arith.constant 100 : i32
    %scan3A_49 = arith.addi %scan3A_47, %scan3A_48 : i32
    %scan3A_50 = arith.constant 1 : i32
    scf.for %scan3A_87 = %scan3A_47 to %scan3A_49 step %scan3A_50  : i32 {
      %mul3A_88 = arith.constant 2 : i32
      %mul3A_89 = arith.muli %scan3A_87, %mul3A_88 : i32
      %add3A_90 = arith.constant 0 : i32
      %add3A_91 = arith.addi %mul3A_89, %add3A_90 : i32
      %dma_wait3A_92 = arith.constant 0 : i32
      %dma_wait3A_93 = arith.constant 0 : i32
      %dma_wait3A_94 = tpu.memref_slice %arg3[%dma_wait3A_93] : memref<3276800xi32, #tpu.memory_space<hbm>> -> memref<512xi32, #tpu.memory_space<hbm>>
      %dma_wait3A_95 = tpu.memref_slice %arg10[%dma_wait3A_92] : memref<2x!tpu.dma_semaphore, #tpu.memory_space<semaphore_mem>> -> memref<1x!tpu.dma_semaphore, #tpu.memory_space<semaphore_mem>>
      %dma_wait3A_96 = tpu.memref_squeeze %dma_wait3A_95 : memref<1x!tpu.dma_semaphore, #tpu.memory_space<semaphore_mem>> -> memref<!tpu.dma_semaphore, #tpu.memory_space<semaphore_mem>>
      %dma_wait3A_97 = arith.constant 0 : i32
      %dma_wait3A_98 = tpu.memref_slice %arg3[%dma_wait3A_97] : memref<3276800xi32, #tpu.memory_space<hbm>> -> memref<512xi32, #tpu.memory_space<hbm>>
      tpu.wait_dma2 semaphore(%dma_wait3A_96 : memref<!tpu.dma_semaphore, #tpu.memory_space<semaphore_mem>>) src(%dma_wait3A_98 : memref<512xi32, #tpu.memory_space<hbm>>) dst(%arg5 : memref<512xi32, #tpu.memory_space<vmem>>)
      %ge3A = arith.constant 2 : i32
      %ge3A_99 = arith.cmpi sge, %add3A_91, %ge3A : i32
      %convert_element_type3A = arith.extui %ge3A_99 : i1 to i32
      %cond3A = arith.constant 0 : i32
      %cond3A_100 = arith.cmpi ne, %convert_element_type3A, %cond3A : i32
      scf.if %cond3A_100 {
        %dma_wait3A_252 = arith.constant 0 : i32
        %dma_wait3A_253 = arith.constant 0 : i32
        %dma_wait3A_254 = arith.constant 0 : i32
        %dma_wait3A_255 = arith.constant 0 : i32
        %dma_wait3A_256 = tpu.memref_slice %arg4[%dma_wait3A_252, %dma_wait3A_254, %dma_wait3A_255] : memref<200x64x16384xf32, #tpu.memory_space<hbm>> -> memref<1x64x16384xf32, #tpu.memory_space<hbm>>
        %dma_wait3A_257 = tpu.memref_squeeze %dma_wait3A_256 : memref<1x64x16384xf32, #tpu.memory_space<hbm>> -> memref<64x16384xf32, #tpu.memory_space<hbm>>
        %dma_wait3A_258 = arith.constant 0 : i32
        %dma_wait3A_259 = arith.constant 0 : i32
        %dma_wait3A_260 = tpu.memref_slice %dma_wait3A_257[%dma_wait3A_258, %dma_wait3A_259] : memref<64x16384xf32, #tpu.memory_space<hbm>> -> memref<64x512xf32, #tpu.memory_space<hbm>>
        %dma_wait3A_261 = tpu.memref_slice %arg11[%dma_wait3A_253] : memref<2x!tpu.dma_semaphore, #tpu.memory_space<semaphore_mem>> -> memref<1x!tpu.dma_semaphore, #tpu.memory_space<semaphore_mem>>
        %dma_wait3A_262 = tpu.memref_squeeze %dma_wait3A_261 : memref<1x!tpu.dma_semaphore, #tpu.memory_space<semaphore_mem>> -> memref<!tpu.dma_semaphore, #tpu.memory_space<semaphore_mem>>
        %dma_wait3A_263 = arith.constant 0 : i32
        %dma_wait3A_264 = arith.constant 0 : i32
        %dma_wait3A_265 = tpu.memref_slice %arg4[%dma_wait3A_252, %dma_wait3A_263, %dma_wait3A_264] : memref<200x64x16384xf32, #tpu.memory_space<hbm>> -> memref<1x64x16384xf32, #tpu.memory_space<hbm>>
        %dma_wait3A_266 = tpu.memref_squeeze %dma_wait3A_265 : memref<1x64x16384xf32, #tpu.memory_space<hbm>> -> memref<64x16384xf32, #tpu.memory_space<hbm>>
        %dma_wait3A_267 = arith.constant 0 : i32
        %dma_wait3A_268 = arith.constant 0 : i32
        %dma_wait3A_269 = tpu.memref_slice %dma_wait3A_266[%dma_wait3A_267, %dma_wait3A_268] : memref<64x16384xf32, #tpu.memory_space<hbm>> -> memref<64x512xf32, #tpu.memory_space<hbm>>
        tpu.wait_dma2 semaphore(%dma_wait3A_262 : memref<!tpu.dma_semaphore, #tpu.memory_space<semaphore_mem>>) src(%arg7 : memref<64x512xf32, #tpu.memory_space<vmem>>) dst(%dma_wait3A_269 : memref<64x512xf32, #tpu.memory_space<hbm>>)
      } else {
      }
      %parallel_loop3A = arith.constant 0 : i32
      %parallel_loop3A_101 = arith.constant 512 : i32
      %parallel_loop3A_102 = arith.constant 16 : i32
      scf.for %parallel_loop3A_252 = %parallel_loop3A to %parallel_loop3A_101 step %parallel_loop3A_102  : i32 {
        %parallel_loop3A_253 = arith.index_cast %parallel_loop3A_252 : i32 to index
        %parallel_loop3A_254 = tpu.vector_load %arg5[%parallel_loop3A_253] {strides = array<i32>} : memref<512xi32, #tpu.memory_space<vmem>>, vector<16xi32>,
        %parallel_loop3A_255 = arith.constant 65 : i32
        %parallel_loop3A_256 = vector.broadcast %parallel_loop3A_255 : i32 to vector<16xi32>
        %parallel_loop3A_257 = arith.muli %parallel_loop3A_254, %parallel_loop3A_256 : vector<16xi32>
        %parallel_loop3A_258 = arith.constant 0 : i32
        %parallel_loop3A_259 = vector.broadcast %parallel_loop3A_258 : i32 to vector<16xi32>
        %parallel_loop3A_260 = arith.addi %parallel_loop3A_257, %parallel_loop3A_259 : vector<16xi32>
        %parallel_loop3A_261 = tpu.vector_load_idx %arg9[%parallel_loop3A_260] : memref<400xf32, #tpu.memory_space<vmem>>[vector<16xi32>], vector<16xf32>,
        %parallel_loop3A_262 = arith.constant 1 : i32
        %parallel_loop3A_263 = vector.broadcast %parallel_loop3A_262 : i32 to vector<16xi32>
        %parallel_loop3A_264 = arith.addi %parallel_loop3A_257, %parallel_loop3A_263 : vector<16xi32>
        %parallel_loop3A_265 = tpu.vector_load_idx %arg9[%parallel_loop3A_264] : memref<400xf32, #tpu.memory_space<vmem>>[vector<16xi32>], vector<16xf32>,
        %parallel_loop3A_266 = arith.constant 2 : i32
        %parallel_loop3A_267 = vector.broadcast %parallel_loop3A_266 : i32 to vector<16xi32>
        %parallel_loop3A_268 = arith.addi %parallel_loop3A_257, %parallel_loop3A_267 : vector<16xi32>
        %parallel_loop3A_269 = tpu.vector_load_idx %arg9[%parallel_loop3A_268] : memref<400xf32, #tpu.memory_space<vmem>>[vector<16xi32>], vector<16xf32>,
        %parallel_loop3A_270 = arith.constant 3 : i32
        %parallel_loop3A_271 = vector.broadcast %parallel_loop3A_270 : i32 to vector<16xi32>
        %parallel_loop3A_272 = arith.addi %parallel_loop3A_257, %parallel_loop3A_271 : vector<16xi32>
        %parallel_loop3A_273 = tpu.vector_load_idx %arg9[%parallel_loop3A_272] : memref<400xf32, #tpu.memory_space<vmem>>[vector<16xi32>], vector<16xf32>,
        %parallel_loop3A_274 = arith.constant 4 : i32
        %parallel_loop3A_275 = vector.broadcast %parallel_loop3A_274 : i32 to vector<16xi32>
        %parallel_loop3A_276 = arith.addi %parallel_loop3A_257, %parallel_loop3A_275 : vector<16xi32>
        %parallel_loop3A_277 = tpu.vector_load_idx %arg9[%parallel_loop3A_276] : memref<400xf32, #tpu.memory_space<vmem>>[vector<16xi32>], vector<16xf32>,
        %parallel_loop3A_278 = arith.constant 5 : i32
        %parallel_loop3A_279 = vector.broadcast %parallel_loop3A_278 : i32 to vector<16xi32>
        %parallel_loop3A_280 = arith.addi %parallel_loop3A_257, %parallel_loop3A_279 : vector<16xi32>
        %parallel_loop3A_281 = tpu.vector_load_idx %arg9[%parallel_loop3A_280] : memref<400xf32, #tpu.memory_space<vmem>>[vector<16xi32>], vector<16xf32>,
        %parallel_loop3A_282 = arith.constant 6 : i32
        %parallel_loop3A_283 = vector.broadcast %parallel_loop3A_282 : i32 to vector<16xi32>
        %parallel_loop3A_284 = arith.addi %parallel_loop3A_257, %parallel_loop3A_283 : vector<16xi32>
        %parallel_loop3A_285 = tpu.vector_load_idx %arg9[%parallel_loop3A_284] : memref<400xf32, #tpu.memory_space<vmem>>[vector<16xi32>], vector<16xf32>,
        %parallel_loop3A_286 = arith.constant 7 : i32
        %parallel_loop3A_287 = vector.broadcast %parallel_loop3A_286 : i32 to vector<16xi32>
        %parallel_loop3A_288 = arith.addi %parallel_loop3A_257, %parallel_loop3A_287 : vector<16xi32>
        %parallel_loop3A_289 = tpu.vector_load_idx %arg9[%parallel_loop3A_288] : memref<400xf32, #tpu.memory_space<vmem>>[vector<16xi32>], vector<16xf32>,
        %parallel_loop3A_290 = arith.constant 8 : i32
        %parallel_loop3A_291 = vector.broadcast %parallel_loop3A_290 : i32 to vector<16xi32>
        %parallel_loop3A_292 = arith.addi %parallel_loop3A_257, %parallel_loop3A_291 : vector<16xi32>
        %parallel_loop3A_293 = tpu.vector_load_idx %arg9[%parallel_loop3A_292] : memref<400xf32, #tpu.memory_space<vmem>>[vector<16xi32>], vector<16xf32>,
        %parallel_loop3A_294 = arith.constant 9 : i32
        %parallel_loop3A_295 = vector.broadcast %parallel_loop3A_294 : i32 to vector<16xi32>
        %parallel_loop3A_296 = arith.addi %parallel_loop3A_257, %parallel_loop3A_295 : vector<16xi32>
        %parallel_loop3A_297 = tpu.vector_load_idx %arg9[%parallel_loop3A_296] : memref<400xf32, #tpu.memory_space<vmem>>[vector<16xi32>], vector<16xf32>,
        %parallel_loop3A_298 = arith.constant 10 : i32
        %parallel_loop3A_299 = vector.broadcast %parallel_loop3A_298 : i32 to vector<16xi32>
        %parallel_loop3A_300 = arith.addi %parallel_loop3A_257, %parallel_loop3A_299 : vector<16xi32>
        %parallel_loop3A_301 = tpu.vector_load_idx %arg9[%parallel_loop3A_300] : memref<400xf32, #tpu.memory_space<vmem>>[vector<16xi32>], vector<16xf32>,
        %parallel_loop3A_302 = arith.constant 11 : i32
        %parallel_loop3A_303 = vector.broadcast %parallel_loop3A_302 : i32 to vector<16xi32>
        %parallel_loop3A_304 = arith.addi %parallel_loop3A_257, %parallel_loop3A_303 : vector<16xi32>
        %parallel_loop3A_305 = tpu.vector_load_idx %arg9[%parallel_loop3A_304] : memref<400xf32, #tpu.memory_space<vmem>>[vector<16xi32>], vector<16xf32>,
        %parallel_loop3A_306 = arith.constant 12 : i32
        %parallel_loop3A_307 = vector.broadcast %parallel_loop3A_306 : i32 to vector<16xi32>
        %parallel_loop3A_308 = arith.addi %parallel_loop3A_257, %parallel_loop3A_307 : vector<16xi32>
        %parallel_loop3A_309 = tpu.vector_load_idx %arg9[%parallel_loop3A_308] : memref<400xf32, #tpu.memory_space<vmem>>[vector<16xi32>], vector<16xf32>,
        %parallel_loop3A_310 = arith.constant 13 : i32
        %parallel_loop3A_311 = vector.broadcast %parallel_loop3A_310 : i32 to vector<16xi32>
        %parallel_loop3A_312 = arith.addi %parallel_loop3A_257, %parallel_loop3A_311 : vector<16xi32>
        %parallel_loop3A_313 = tpu.vector_load_idx %arg9[%parallel_loop3A_312] : memref<400xf32, #tpu.memory_space<vmem>>[vector<16xi32>], vector<16xf32>,
        %parallel_loop3A_314 = arith.constant 14 : i32
        %parallel_loop3A_315 = vector.broadcast %parallel_loop3A_314 : i32 to vector<16xi32>
        %parallel_loop3A_316 = arith.addi %parallel_loop3A_257, %parallel_loop3A_315 : vector<16xi32>
        %parallel_loop3A_317 = tpu.vector_load_idx %arg9[%parallel_loop3A_316] : memref<400xf32, #tpu.memory_space<vmem>>[vector<16xi32>], vector<16xf32>,
        %parallel_loop3A_318 = arith.constant 15 : i32
        %parallel_loop3A_319 = vector.broadcast %parallel_loop3A_318 : i32 to vector<16xi32>
        %parallel_loop3A_320 = arith.addi %parallel_loop3A_257, %parallel_loop3A_319 : vector<16xi32>
        %parallel_loop3A_321 = tpu.vector_load_idx %arg9[%parallel_loop3A_320] : memref<400xf32, #tpu.memory_space<vmem>>[vector<16xi32>], vector<16xf32>,
        %parallel_loop3A_322 = arith.constant 16 : i32
        %parallel_loop3A_323 = vector.broadcast %parallel_loop3A_322 : i32 to vector<16xi32>
        %parallel_loop3A_324 = arith.addi %parallel_loop3A_257, %parallel_loop3A_323 : vector<16xi32>
        %parallel_loop3A_325 = tpu.vector_load_idx %arg9[%parallel_loop3A_324] : memref<400xf32, #tpu.memory_space<vmem>>[vector<16xi32>], vector<16xf32>,
        %parallel_loop3A_326 = arith.constant 17 : i32
        %parallel_loop3A_327 = vector.broadcast %parallel_loop3A_326 : i32 to vector<16xi32>
        %parallel_loop3A_328 = arith.addi %parallel_loop3A_257, %parallel_loop3A_327 : vector<16xi32>
        %parallel_loop3A_329 = tpu.vector_load_idx %arg9[%parallel_loop3A_328] : memref<400xf32, #tpu.memory_space<vmem>>[vector<16xi32>], vector<16xf32>,
        %parallel_loop3A_330 = arith.constant 18 : i32
        %parallel_loop3A_331 = vector.broadcast %parallel_loop3A_330 : i32 to vector<16xi32>
        %parallel_loop3A_332 = arith.addi %parallel_loop3A_257, %parallel_loop3A_331 : vector<16xi32>
        %parallel_loop3A_333 = tpu.vector_load_idx %arg9[%parallel_loop3A_332] : memref<400xf32, #tpu.memory_space<vmem>>[vector<16xi32>], vector<16xf32>,
        %parallel_loop3A_334 = arith.constant 19 : i32
        %parallel_loop3A_335 = vector.broadcast %parallel_loop3A_334 : i32 to vector<16xi32>
        %parallel_loop3A_336 = arith.addi %parallel_loop3A_257, %parallel_loop3A_335 : vector<16xi32>
        %parallel_loop3A_337 = tpu.vector_load_idx %arg9[%parallel_loop3A_336] : memref<400xf32, #tpu.memory_space<vmem>>[vector<16xi32>], vector<16xf32>,
        %parallel_loop3A_338 = arith.constant 20 : i32
        %parallel_loop3A_339 = vector.broadcast %parallel_loop3A_338 : i32 to vector<16xi32>
        %parallel_loop3A_340 = arith.addi %parallel_loop3A_257, %parallel_loop3A_339 : vector<16xi32>
        %parallel_loop3A_341 = tpu.vector_load_idx %arg9[%parallel_loop3A_340] : memref<400xf32, #tpu.memory_space<vmem>>[vector<16xi32>], vector<16xf32>,
        %parallel_loop3A_342 = arith.constant 21 : i32
        %parallel_loop3A_343 = vector.broadcast %parallel_loop3A_342 : i32 to vector<16xi32>
        %parallel_loop3A_344 = arith.addi %parallel_loop3A_257, %parallel_loop3A_343 : vector<16xi32>
        %parallel_loop3A_345 = tpu.vector_load_idx %arg9[%parallel_loop3A_344] : memref<400xf32, #tpu.memory_space<vmem>>[vector<16xi32>], vector<16xf32>,
        %parallel_loop3A_346 = arith.constant 22 : i32
        %parallel_loop3A_347 = vector.broadcast %parallel_loop3A_346 : i32 to vector<16xi32>
        %parallel_loop3A_348 = arith.addi %parallel_loop3A_257, %parallel_loop3A_347 : vector<16xi32>
        %parallel_loop3A_349 = tpu.vector_load_idx %arg9[%parallel_loop3A_348] : memref<400xf32, #tpu.memory_space<vmem>>[vector<16xi32>], vector<16xf32>,
        %parallel_loop3A_350 = arith.constant 23 : i32
        %parallel_loop3A_351 = vector.broadcast %parallel_loop3A_350 : i32 to vector<16xi32>
        %parallel_loop3A_352 = arith.addi %parallel_loop3A_257, %parallel_loop3A_351 : vector<16xi32>
        %parallel_loop3A_353 = tpu.vector_load_idx %arg9[%parallel_loop3A_352] : memref<400xf32, #tpu.memory_space<vmem>>[vector<16xi32>], vector<16xf32>,
        %parallel_loop3A_354 = arith.constant 24 : i32
        %parallel_loop3A_355 = vector.broadcast %parallel_loop3A_354 : i32 to vector<16xi32>
        %parallel_loop3A_356 = arith.addi %parallel_loop3A_257, %parallel_loop3A_355 : vector<16xi32>
        %parallel_loop3A_357 = tpu.vector_load_idx %arg9[%parallel_loop3A_356] : memref<400xf32, #tpu.memory_space<vmem>>[vector<16xi32>], vector<16xf32>,
        %parallel_loop3A_358 = arith.constant 25 : i32
        %parallel_loop3A_359 = vector.broadcast %parallel_loop3A_358 : i32 to vector<16xi32>
        %parallel_loop3A_360 = arith.addi %parallel_loop3A_257, %parallel_loop3A_359 : vector<16xi32>
        %parallel_loop3A_361 = tpu.vector_load_idx %arg9[%parallel_loop3A_360] : memref<400xf32, #tpu.memory_space<vmem>>[vector<16xi32>], vector<16xf32>,
        %parallel_loop3A_362 = arith.constant 26 : i32
        %parallel_loop3A_363 = vector.broadcast %parallel_loop3A_362 : i32 to vector<16xi32>
        %parallel_loop3A_364 = arith.addi %parallel_loop3A_257, %parallel_loop3A_363 : vector<16xi32>
        %parallel_loop3A_365 = tpu.vector_load_idx %arg9[%parallel_loop3A_364] : memref<400xf32, #tpu.memory_space<vmem>>[vector<16xi32>], vector<16xf32>,
        %parallel_loop3A_366 = arith.constant 27 : i32
        %parallel_loop3A_367 = vector.broadcast %parallel_loop3A_366 : i32 to vector<16xi32>
        %parallel_loop3A_368 = arith.addi %parallel_loop3A_257, %parallel_loop3A_367 : vector<16xi32>
        %parallel_loop3A_369 = tpu.vector_load_idx %arg9[%parallel_loop3A_368] : memref<400xf32, #tpu.memory_space<vmem>>[vector<16xi32>], vector<16xf32>,
        %parallel_loop3A_370 = arith.constant 28 : i32
        %parallel_loop3A_371 = vector.broadcast %parallel_loop3A_370 : i32 to vector<16xi32>
        %parallel_loop3A_372 = arith.addi %parallel_loop3A_257, %parallel_loop3A_371 : vector<16xi32>
        %parallel_loop3A_373 = tpu.vector_load_idx %arg9[%parallel_loop3A_372] : memref<400xf32, #tpu.memory_space<vmem>>[vector<16xi32>], vector<16xf32>,
        %parallel_loop3A_374 = arith.constant 29 : i32
        %parallel_loop3A_375 = vector.broadcast %parallel_loop3A_374 : i32 to vector<16xi32>
        %parallel_loop3A_376 = arith.addi %parallel_loop3A_257, %parallel_loop3A_375 : vector<16xi32>
        %parallel_loop3A_377 = tpu.vector_load_idx %arg9[%parallel_loop3A_376] : memref<400xf32, #tpu.memory_space<vmem>>[vector<16xi32>], vector<16xf32>,
        %parallel_loop3A_378 = arith.constant 30 : i32
        %parallel_loop3A_379 = vector.broadcast %parallel_loop3A_378 : i32 to vector<16xi32>
        %parallel_loop3A_380 = arith.addi %parallel_loop3A_257, %parallel_loop3A_379 : vector<16xi32>
        %parallel_loop3A_381 = tpu.vector_load_idx %arg9[%parallel_loop3A_380] : memref<400xf32, #tpu.memory_space<vmem>>[vector<16xi32>], vector<16xf32>,
        %parallel_loop3A_382 = arith.constant 31 : i32
        %parallel_loop3A_383 = vector.broadcast %parallel_loop3A_382 : i32 to vector<16xi32>
        %parallel_loop3A_384 = arith.addi %parallel_loop3A_257, %parallel_loop3A_383 : vector<16xi32>
        %parallel_loop3A_385 = tpu.vector_load_idx %arg9[%parallel_loop3A_384] : memref<400xf32, #tpu.memory_space<vmem>>[vector<16xi32>], vector<16xf32>,
        %parallel_loop3A_386 = arith.constant 0 : i32
        %parallel_loop3A_387 = arith.index_cast %parallel_loop3A_386 : i32 to index
        %parallel_loop3A_388 = arith.index_cast %parallel_loop3A_252 : i32 to index
        %parallel_loop3A_389 = tpu.vector_load %arg7[%parallel_loop3A_387, %parallel_loop3A_388] {strides = array<i32>} : memref<64x512xf32, #tpu.memory_space<vmem>>, vector<16xf32>,
        tpu.vector_store %arg7[%parallel_loop3A_387, %parallel_loop3A_388], %parallel_loop3A_261 {strides = array<i32>} : memref<64x512xf32, #tpu.memory_space<vmem>>, vector<16xf32>,
        %parallel_loop3A_390 = arith.constant 1 : i32
        %parallel_loop3A_391 = arith.index_cast %parallel_loop3A_390 : i32 to index
        %parallel_loop3A_392 = arith.index_cast %parallel_loop3A_252 : i32 to index
        %parallel_loop3A_393 = tpu.vector_load %arg7[%parallel_loop3A_391, %parallel_loop3A_392] {strides = array<i32>} : memref<64x512xf32, #tpu.memory_space<vmem>>, vector<16xf32>,
        tpu.vector_store %arg7[%parallel_loop3A_391, %parallel_loop3A_392], %parallel_loop3A_265 {strides = array<i32>} : memref<64x512xf32, #tpu.memory_space<vmem>>, vector<16xf32>,
        %parallel_loop3A_394 = arith.constant 2 : i32
        %parallel_loop3A_395 = arith.index_cast %parallel_loop3A_394 : i32 to index
        %parallel_loop3A_396 = arith.index_cast %parallel_loop3A_252 : i32 to index
        %parallel_loop3A_397 = tpu.vector_load %arg7[%parallel_loop3A_395, %parallel_loop3A_396] {strides = array<i32>} : memref<64x512xf32, #tpu.memory_space<vmem>>, vector<16xf32>,
        tpu.vector_store %arg7[%parallel_loop3A_395, %parallel_loop3A_396], %parallel_loop3A_269 {strides = array<i32>} : memref<64x512xf32, #tpu.memory_space<vmem>>, vector<16xf32>,
        %parallel_loop3A_398 = arith.constant 3 : i32
        %parallel_loop3A_399 = arith.index_cast %parallel_loop3A_398 : i32 to index
        %parallel_loop3A_400 = arith.index_cast %parallel_loop3A_252 : i32 to index
        %parallel_loop3A_401 = tpu.vector_load %arg7[%parallel_loop3A_399, %parallel_loop3A_400] {strides = array<i32>} : memref<64x512xf32, #tpu.memory_space<vmem>>, vector<16xf32>,
        tpu.vector_store %arg7[%parallel_loop3A_399, %parallel_loop3A_400], %parallel_loop3A_273 {strides = array<i32>} : memref<64x512xf32, #tpu.memory_space<vmem>>, vector<16xf32>,
        %parallel_loop3A_402 = arith.constant 4 : i32
        %parallel_loop3A_403 = arith.index_cast %parallel_loop3A_402 : i32 to index
        %parallel_loop3A_404 = arith.index_cast %parallel_loop3A_252 : i32 to index
        %parallel_loop3A_405 = tpu.vector_load %arg7[%parallel_loop3A_403, %parallel_loop3A_404] {strides = array<i32>} : memref<64x512xf32, #tpu.memory_space<vmem>>, vector<16xf32>,
        tpu.vector_store %arg7[%parallel_loop3A_403, %parallel_loop3A_404], %parallel_loop3A_277 {strides = array<i32>} : memref<64x512xf32, #tpu.memory_space<vmem>>, vector<16xf32>,
        %parallel_loop3A_406 = arith.constant 5 : i32
        %parallel_loop3A_407 = arith.index_cast %parallel_loop3A_406 : i32 to index
        %parallel_loop3A_408 = arith.index_cast %parallel_loop3A_252 : i32 to index
        %parallel_loop3A_409 = tpu.vector_load %arg7[%parallel_loop3A_407, %parallel_loop3A_408] {strides = array<i32>} : memref<64x512xf32, #tpu.memory_space<vmem>>, vector<16xf32>,
        tpu.vector_store %arg7[%parallel_loop3A_407, %parallel_loop3A_408], %parallel_loop3A_281 {strides = array<i32>} : memref<64x512xf32, #tpu.memory_space<vmem>>, vector<16xf32>,
        %parallel_loop3A_410 = arith.constant 6 : i32
        %parallel_loop3A_411 = arith.index_cast %parallel_loop3A_410 : i32 to index
        %parallel_loop3A_412 = arith.index_cast %parallel_loop3A_252 : i32 to index
        %parallel_loop3A_413 = tpu.vector_load %arg7[%parallel_loop3A_411, %parallel_loop3A_412] {strides = array<i32>} : memref<64x512xf32, #tpu.memory_space<vmem>>, vector<16xf32>,
        tpu.vector_store %arg7[%parallel_loop3A_411, %parallel_loop3A_412], %parallel_loop3A_285 {strides = array<i32>} : memref<64x512xf32, #tpu.memory_space<vmem>>, vector<16xf32>,
        %parallel_loop3A_414 = arith.constant 7 : i32
        %parallel_loop3A_415 = arith.index_cast %parallel_loop3A_414 : i32 to index
        %parallel_loop3A_416 = arith.index_cast %parallel_loop3A_252 : i32 to index
        %parallel_loop3A_417 = tpu.vector_load %arg7[%parallel_loop3A_415, %parallel_loop3A_416] {strides = array<i32>} : memref<64x512xf32, #tpu.memory_space<vmem>>, vector<16xf32>,
        tpu.vector_store %arg7[%parallel_loop3A_415, %parallel_loop3A_416], %parallel_loop3A_289 {strides = array<i32>} : memref<64x512xf32, #tpu.memory_space<vmem>>, vector<16xf32>,
        %parallel_loop3A_418 = arith.constant 8 : i32
        %parallel_loop3A_419 = arith.index_cast %parallel_loop3A_418 : i32 to index
        %parallel_loop3A_420 = arith.index_cast %parallel_loop3A_252 : i32 to index
        %parallel_loop3A_421 = tpu.vector_load %arg7[%parallel_loop3A_419, %parallel_loop3A_420] {strides = array<i32>} : memref<64x512xf32, #tpu.memory_space<vmem>>, vector<16xf32>,
        tpu.vector_store %arg7[%parallel_loop3A_419, %parallel_loop3A_420], %parallel_loop3A_293 {strides = array<i32>} : memref<64x512xf32, #tpu.memory_space<vmem>>, vector<16xf32>,
        %parallel_loop3A_422 = arith.constant 9 : i32
        %parallel_loop3A_423 = arith.index_cast %parallel_loop3A_422 : i32 to index
        %parallel_loop3A_424 = arith.index_cast %parallel_loop3A_252 : i32 to index
        %parallel_loop3A_425 = tpu.vector_load %arg7[%parallel_loop3A_423, %parallel_loop3A_424] {strides = array<i32>} : memref<64x512xf32, #tpu.memory_space<vmem>>, vector<16xf32>,
        tpu.vector_store %arg7[%parallel_loop3A_423, %parallel_loop3A_424], %parallel_loop3A_297 {strides = array<i32>} : memref<64x512xf32, #tpu.memory_space<vmem>>, vector<16xf32>,
        %parallel_loop3A_426 = arith.constant 10 : i32
        %parallel_loop3A_427 = arith.index_cast %parallel_loop3A_426 : i32 to index
        %parallel_loop3A_428 = arith.index_cast %parallel_loop3A_252 : i32 to index
        %parallel_loop3A_429 = tpu.vector_load %arg7[%parallel_loop3A_427, %parallel_loop3A_428] {strides = array<i32>} : memref<64x512xf32, #tpu.memory_space<vmem>>, vector<16xf32>,
        tpu.vector_store %arg7[%parallel_loop3A_427, %parallel_loop3A_428], %parallel_loop3A_301 {strides = array<i32>} : memref<64x512xf32, #tpu.memory_space<vmem>>, vector<16xf32>,
        %parallel_loop3A_430 = arith.constant 11 : i32
        %parallel_loop3A_431 = arith.index_cast %parallel_loop3A_430 : i32 to index
        %parallel_loop3A_432 = arith.index_cast %parallel_loop3A_252 : i32 to index
        %parallel_loop3A_433 = tpu.vector_load %arg7[%parallel_loop3A_431, %parallel_loop3A_432] {strides = array<i32>} : memref<64x512xf32, #tpu.memory_space<vmem>>, vector<16xf32>,
        tpu.vector_store %arg7[%parallel_loop3A_431, %parallel_loop3A_432], %parallel_loop3A_305 {strides = array<i32>} : memref<64x512xf32, #tpu.memory_space<vmem>>, vector<16xf32>,
        %parallel_loop3A_434 = arith.constant 12 : i32
        %parallel_loop3A_435 = arith.index_cast %parallel_loop3A_434 : i32 to index
        %parallel_loop3A_436 = arith.index_cast %parallel_loop3A_252 : i32 to index
        %parallel_loop3A_437 = tpu.vector_load %arg7[%parallel_loop3A_435, %parallel_loop3A_436] {strides = array<i32>} : memref<64x512xf32, #tpu.memory_space<vmem>>, vector<16xf32>,
        tpu.vector_store %arg7[%parallel_loop3A_435, %parallel_loop3A_436], %parallel_loop3A_309 {strides = array<i32>} : memref<64x512xf32, #tpu.memory_space<vmem>>, vector<16xf32>,
        %parallel_loop3A_438 = arith.constant 13 : i32
        %parallel_loop3A_439 = arith.index_cast %parallel_loop3A_438 : i32 to index
        %parallel_loop3A_440 = arith.index_cast %parallel_loop3A_252 : i32 to index
        %parallel_loop3A_441 = tpu.vector_load %arg7[%parallel_loop3A_439, %parallel_loop3A_440] {strides = array<i32>} : memref<64x512xf32, #tpu.memory_space<vmem>>, vector<16xf32>,
        tpu.vector_store %arg7[%parallel_loop3A_439, %parallel_loop3A_440], %parallel_loop3A_313 {strides = array<i32>} : memref<64x512xf32, #tpu.memory_space<vmem>>, vector<16xf32>,
        %parallel_loop3A_442 = arith.constant 14 : i32
        %parallel_loop3A_443 = arith.index_cast %parallel_loop3A_442 : i32 to index
        %parallel_loop3A_444 = arith.index_cast %parallel_loop3A_252 : i32 to index
        %parallel_loop3A_445 = tpu.vector_load %arg7[%parallel_loop3A_443, %parallel_loop3A_444] {strides = array<i32>} : memref<64x512xf32, #tpu.memory_space<vmem>>, vector<16xf32>,
        tpu.vector_store %arg7[%parallel_loop3A_443, %parallel_loop3A_444], %parallel_loop3A_317 {strides = array<i32>} : memref<64x512xf32, #tpu.memory_space<vmem>>, vector<16xf32>,
        %parallel_loop3A_446 = arith.constant 15 : i32
        %parallel_loop3A_447 = arith.index_cast %parallel_loop3A_446 : i32 to index
        %parallel_loop3A_448 = arith.index_cast %parallel_loop3A_252 : i32 to index
        %parallel_loop3A_449 = tpu.vector_load %arg7[%parallel_loop3A_447, %parallel_loop3A_448] {strides = array<i32>} : memref<64x512xf32, #tpu.memory_space<vmem>>, vector<16xf32>,
        tpu.vector_store %arg7[%parallel_loop3A_447, %parallel_loop3A_448], %parallel_loop3A_321 {strides = array<i32>} : memref<64x512xf32, #tpu.memory_space<vmem>>, vector<16xf32>,
        %parallel_loop3A_450 = arith.constant 16 : i32
        %parallel_loop3A_451 = arith.index_cast %parallel_loop3A_450 : i32 to index
        %parallel_loop3A_452 = arith.index_cast %parallel_loop3A_252 : i32 to index
        %parallel_loop3A_453 = tpu.vector_load %arg7[%parallel_loop3A_451, %parallel_loop3A_452] {strides = array<i32>} : memref<64x512xf32, #tpu.memory_space<vmem>>, vector<16xf32>,
        tpu.vector_store %arg7[%parallel_loop3A_451, %parallel_loop3A_452], %parallel_loop3A_325 {strides = array<i32>} : memref<64x512xf32, #tpu.memory_space<vmem>>, vector<16xf32>,
        %parallel_loop3A_454 = arith.constant 17 : i32
        %parallel_loop3A_455 = arith.index_cast %parallel_loop3A_454 : i32 to index
        %parallel_loop3A_456 = arith.index_cast %parallel_loop3A_252 : i32 to index
        %parallel_loop3A_457 = tpu.vector_load %arg7[%parallel_loop3A_455, %parallel_loop3A_456] {strides = array<i32>} : memref<64x512xf32, #tpu.memory_space<vmem>>, vector<16xf32>,
        tpu.vector_store %arg7[%parallel_loop3A_455, %parallel_loop3A_456], %parallel_loop3A_329 {strides = array<i32>} : memref<64x512xf32, #tpu.memory_space<vmem>>, vector<16xf32>,
        %parallel_loop3A_458 = arith.constant 18 : i32
        %parallel_loop3A_459 = arith.index_cast %parallel_loop3A_458 : i32 to index
        %parallel_loop3A_460 = arith.index_cast %parallel_loop3A_252 : i32 to index
        %parallel_loop3A_461 = tpu.vector_load %arg7[%parallel_loop3A_459, %parallel_loop3A_460] {strides = array<i32>} : memref<64x512xf32, #tpu.memory_space<vmem>>, vector<16xf32>,
        tpu.vector_store %arg7[%parallel_loop3A_459, %parallel_loop3A_460], %parallel_loop3A_333 {strides = array<i32>} : memref<64x512xf32, #tpu.memory_space<vmem>>, vector<16xf32>,
        %parallel_loop3A_462 = arith.constant 19 : i32
        %parallel_loop3A_463 = arith.index_cast %parallel_loop3A_462 : i32 to index
        %parallel_loop3A_464 = arith.index_cast %parallel_loop3A_252 : i32 to index
        %parallel_loop3A_465 = tpu.vector_load %arg7[%parallel_loop3A_463, %parallel_loop3A_464] {strides = array<i32>} : memref<64x512xf32, #tpu.memory_space<vmem>>, vector<16xf32>,
        tpu.vector_store %arg7[%parallel_loop3A_463, %parallel_loop3A_464], %parallel_loop3A_337 {strides = array<i32>} : memref<64x512xf32, #tpu.memory_space<vmem>>, vector<16xf32>,
        %parallel_loop3A_466 = arith.constant 20 : i32
        %parallel_loop3A_467 = arith.index_cast %parallel_loop3A_466 : i32 to index
        %parallel_loop3A_468 = arith.index_cast %parallel_loop3A_252 : i32 to index
        %parallel_loop3A_469 = tpu.vector_load %arg7[%parallel_loop3A_467, %parallel_loop3A_468] {strides = array<i32>} : memref<64x512xf32, #tpu.memory_space<vmem>>, vector<16xf32>,
        tpu.vector_store %arg7[%parallel_loop3A_467, %parallel_loop3A_468], %parallel_loop3A_341 {strides = array<i32>} : memref<64x512xf32, #tpu.memory_space<vmem>>, vector<16xf32>,
        %parallel_loop3A_470 = arith.constant 21 : i32
        %parallel_loop3A_471 = arith.index_cast %parallel_loop3A_470 : i32 to index
        %parallel_loop3A_472 = arith.index_cast %parallel_loop3A_252 : i32 to index
        %parallel_loop3A_473 = tpu.vector_load %arg7[%parallel_loop3A_471, %parallel_loop3A_472] {strides = array<i32>} : memref<64x512xf32, #tpu.memory_space<vmem>>, vector<16xf32>,
        tpu.vector_store %arg7[%parallel_loop3A_471, %parallel_loop3A_472], %parallel_loop3A_345 {strides = array<i32>} : memref<64x512xf32, #tpu.memory_space<vmem>>, vector<16xf32>,
        %parallel_loop3A_474 = arith.constant 22 : i32
        %parallel_loop3A_475 = arith.index_cast %parallel_loop3A_474 : i32 to index
        %parallel_loop3A_476 = arith.index_cast %parallel_loop3A_252 : i32 to index
        %parallel_loop3A_477 = tpu.vector_load %arg7[%parallel_loop3A_475, %parallel_loop3A_476] {strides = array<i32>} : memref<64x512xf32, #tpu.memory_space<vmem>>, vector<16xf32>,
        tpu.vector_store %arg7[%parallel_loop3A_475, %parallel_loop3A_476], %parallel_loop3A_349 {strides = array<i32>} : memref<64x512xf32, #tpu.memory_space<vmem>>, vector<16xf32>,
        %parallel_loop3A_478 = arith.constant 23 : i32
        %parallel_loop3A_479 = arith.index_cast %parallel_loop3A_478 : i32 to index
        %parallel_loop3A_480 = arith.index_cast %parallel_loop3A_252 : i32 to index
        %parallel_loop3A_481 = tpu.vector_load %arg7[%parallel_loop3A_479, %parallel_loop3A_480] {strides = array<i32>} : memref<64x512xf32, #tpu.memory_space<vmem>>, vector<16xf32>,
        tpu.vector_store %arg7[%parallel_loop3A_479, %parallel_loop3A_480], %parallel_loop3A_353 {strides = array<i32>} : memref<64x512xf32, #tpu.memory_space<vmem>>, vector<16xf32>,
        %parallel_loop3A_482 = arith.constant 24 : i32
        %parallel_loop3A_483 = arith.index_cast %parallel_loop3A_482 : i32 to index
        %parallel_loop3A_484 = arith.index_cast %parallel_loop3A_252 : i32 to index
        %parallel_loop3A_485 = tpu.vector_load %arg7[%parallel_loop3A_483, %parallel_loop3A_484] {strides = array<i32>} : memref<64x512xf32, #tpu.memory_space<vmem>>, vector<16xf32>,
        tpu.vector_store %arg7[%parallel_loop3A_483, %parallel_loop3A_484], %parallel_loop3A_357 {strides = array<i32>} : memref<64x512xf32, #tpu.memory_space<vmem>>, vector<16xf32>,
        %parallel_loop3A_486 = arith.constant 25 : i32
        %parallel_loop3A_487 = arith.index_cast %parallel_loop3A_486 : i32 to index
        %parallel_loop3A_488 = arith.index_cast %parallel_loop3A_252 : i32 to index
        %parallel_loop3A_489 = tpu.vector_load %arg7[%parallel_loop3A_487, %parallel_loop3A_488] {strides = array<i32>} : memref<64x512xf32, #tpu.memory_space<vmem>>, vector<16xf32>,
        tpu.vector_store %arg7[%parallel_loop3A_487, %parallel_loop3A_488], %parallel_loop3A_361 {strides = array<i32>} : memref<64x512xf32, #tpu.memory_space<vmem>>, vector<16xf32>,
        %parallel_loop3A_490 = arith.constant 26 : i32
        %parallel_loop3A_491 = arith.index_cast %parallel_loop3A_490 : i32 to index
        %parallel_loop3A_492 = arith.index_cast %parallel_loop3A_252 : i32 to index
        %parallel_loop3A_493 = tpu.vector_load %arg7[%parallel_loop3A_491, %parallel_loop3A_492] {strides = array<i32>} : memref<64x512xf32, #tpu.memory_space<vmem>>, vector<16xf32>,
        tpu.vector_store %arg7[%parallel_loop3A_491, %parallel_loop3A_492], %parallel_loop3A_365 {strides = array<i32>} : memref<64x512xf32, #tpu.memory_space<vmem>>, vector<16xf32>,
        %parallel_loop3A_494 = arith.constant 27 : i32
        %parallel_loop3A_495 = arith.index_cast %parallel_loop3A_494 : i32 to index
        %parallel_loop3A_496 = arith.index_cast %parallel_loop3A_252 : i32 to index
        %parallel_loop3A_497 = tpu.vector_load %arg7[%parallel_loop3A_495, %parallel_loop3A_496] {strides = array<i32>} : memref<64x512xf32, #tpu.memory_space<vmem>>, vector<16xf32>,
        tpu.vector_store %arg7[%parallel_loop3A_495, %parallel_loop3A_496], %parallel_loop3A_369 {strides = array<i32>} : memref<64x512xf32, #tpu.memory_space<vmem>>, vector<16xf32>,
        %parallel_loop3A_498 = arith.constant 28 : i32
        %parallel_loop3A_499 = arith.index_cast %parallel_loop3A_498 : i32 to index
        %parallel_loop3A_500 = arith.index_cast %parallel_loop3A_252 : i32 to index
        %parallel_loop3A_501 = tpu.vector_load %arg7[%parallel_loop3A_499, %parallel_loop3A_500] {strides = array<i32>} : memref<64x512xf32, #tpu.memory_space<vmem>>, vector<16xf32>,
        tpu.vector_store %arg7[%parallel_loop3A_499, %parallel_loop3A_500], %parallel_loop3A_373 {strides = array<i32>} : memref<64x512xf32, #tpu.memory_space<vmem>>, vector<16xf32>,
        %parallel_loop3A_502 = arith.constant 29 : i32
        %parallel_loop3A_503 = arith.index_cast %parallel_loop3A_502 : i32 to index
        %parallel_loop3A_504 = arith.index_cast %parallel_loop3A_252 : i32 to index
        %parallel_loop3A_505 = tpu.vector_load %arg7[%parallel_loop3A_503, %parallel_loop3A_504] {strides = array<i32>} : memref<64x512xf32, #tpu.memory_space<vmem>>, vector<16xf32>,
        tpu.vector_store %arg7[%parallel_loop3A_503, %parallel_loop3A_504], %parallel_loop3A_377 {strides = array<i32>} : memref<64x512xf32, #tpu.memory_space<vmem>>, vector<16xf32>,
        %parallel_loop3A_506 = arith.constant 30 : i32
        %parallel_loop3A_507 = arith.index_cast %parallel_loop3A_506 : i32 to index
        %parallel_loop3A_508 = arith.index_cast %parallel_loop3A_252 : i32 to index
        %parallel_loop3A_509 = tpu.vector_load %arg7[%parallel_loop3A_507, %parallel_loop3A_508] {strides = array<i32>} : memref<64x512xf32, #tpu.memory_space<vmem>>, vector<16xf32>,
        tpu.vector_store %arg7[%parallel_loop3A_507, %parallel_loop3A_508], %parallel_loop3A_381 {strides = array<i32>} : memref<64x512xf32, #tpu.memory_space<vmem>>, vector<16xf32>,
        %parallel_loop3A_510 = arith.constant 31 : i32
        %parallel_loop3A_511 = arith.index_cast %parallel_loop3A_510 : i32 to index
        %parallel_loop3A_512 = arith.index_cast %parallel_loop3A_252 : i32 to index
        %parallel_loop3A_513 = tpu.vector_load %arg7[%parallel_loop3A_511, %parallel_loop3A_512] {strides = array<i32>} : memref<64x512xf32, #tpu.memory_space<vmem>>, vector<16xf32>,
        tpu.vector_store %arg7[%parallel_loop3A_511, %parallel_loop3A_512], %parallel_loop3A_385 {strides = array<i32>} : memref<64x512xf32, #tpu.memory_space<vmem>>, vector<16xf32>,
        %parallel_loop3A_514 = arith.constant 32 : i32
        %parallel_loop3A_515 = vector.broadcast %parallel_loop3A_514 : i32 to vector<16xi32>
        %parallel_loop3A_516 = arith.addi %parallel_loop3A_257, %parallel_loop3A_515 : vector<16xi32>
        %parallel_loop3A_517 = tpu.vector_load_idx %arg9[%parallel_loop3A_516] : memref<400xf32, #tpu.memory_space<vmem>>[vector<16xi32>], vector<16xf32>,
        %parallel_loop3A_518 = arith.constant 33 : i32
        %parallel_loop3A_519 = vector.broadcast %parallel_loop3A_518 : i32 to vector<16xi32>
        %parallel_loop3A_520 = arith.addi %parallel_loop3A_257, %parallel_loop3A_519 : vector<16xi32>
        %parallel_loop3A_521 = tpu.vector_load_idx %arg9[%parallel_loop3A_520] : memref<400xf32, #tpu.memory_space<vmem>>[vector<16xi32>], vector<16xf32>,
        %parallel_loop3A_522 = arith.constant 34 : i32
        %parallel_loop3A_523 = vector.broadcast %parallel_loop3A_522 : i32 to vector<16xi32>
        %parallel_loop3A_524 = arith.addi %parallel_loop3A_257, %parallel_loop3A_523 : vector<16xi32>
        %parallel_loop3A_525 = tpu.vector_load_idx %arg9[%parallel_loop3A_524] : memref<400xf32, #tpu.memory_space<vmem>>[vector<16xi32>], vector<16xf32>,
        %parallel_loop3A_526 = arith.constant 35 : i32
        %parallel_loop3A_527 = vector.broadcast %parallel_loop3A_526 : i32 to vector<16xi32>
        %parallel_loop3A_528 = arith.addi %parallel_loop3A_257, %parallel_loop3A_527 : vector<16xi32>
        %parallel_loop3A_529 = tpu.vector_load_idx %arg9[%parallel_loop3A_528] : memref<400xf32, #tpu.memory_space<vmem>>[vector<16xi32>], vector<16xf32>,
        %parallel_loop3A_530 = arith.constant 36 : i32
        %parallel_loop3A_531 = vector.broadcast %parallel_loop3A_530 : i32 to vector<16xi32>
        %parallel_loop3A_532 = arith.addi %parallel_loop3A_257, %parallel_loop3A_531 : vector<16xi32>
        %parallel_loop3A_533 = tpu.vector_load_idx %arg9[%parallel_loop3A_532] : memref<400xf32, #tpu.memory_space<vmem>>[vector<16xi32>], vector<16xf32>,
        %parallel_loop3A_534 = arith.constant 37 : i32
        %parallel_loop3A_535 = vector.broadcast %parallel_loop3A_534 : i32 to vector<16xi32>
        %parallel_loop3A_536 = arith.addi %parallel_loop3A_257, %parallel_loop3A_535 : vector<16xi32>
        %parallel_loop3A_537 = tpu.vector_load_idx %arg9[%parallel_loop3A_536] : memref<400xf32, #tpu.memory_space<vmem>>[vector<16xi32>], vector<16xf32>,
        %parallel_loop3A_538 = arith.constant 38 : i32
        %parallel_loop3A_539 = vector.broadcast %parallel_loop3A_538 : i32 to vector<16xi32>
        %parallel_loop3A_540 = arith.addi %parallel_loop3A_257, %parallel_loop3A_539 : vector<16xi32>
        %parallel_loop3A_541 = tpu.vector_load_idx %arg9[%parallel_loop3A_540] : memref<400xf32, #tpu.memory_space<vmem>>[vector<16xi32>], vector<16xf32>,
        %parallel_loop3A_542 = arith.constant 39 : i32
        %parallel_loop3A_543 = vector.broadcast %parallel_loop3A_542 : i32 to vector<16xi32>
        %parallel_loop3A_544 = arith.addi %parallel_loop3A_257, %parallel_loop3A_543 : vector<16xi32>
        %parallel_loop3A_545 = tpu.vector_load_idx %arg9[%parallel_loop3A_544] : memref<400xf32, #tpu.memory_space<vmem>>[vector<16xi32>], vector<16xf32>,
        %parallel_loop3A_546 = arith.constant 40 : i32
        %parallel_loop3A_547 = vector.broadcast %parallel_loop3A_546 : i32 to vector<16xi32>
        %parallel_loop3A_548 = arith.addi %parallel_loop3A_257, %parallel_loop3A_547 : vector<16xi32>
        %parallel_loop3A_549 = tpu.vector_load_idx %arg9[%parallel_loop3A_548] : memref<400xf32, #tpu.memory_space<vmem>>[vector<16xi32>], vector<16xf32>,
        %parallel_loop3A_550 = arith.constant 41 : i32
        %parallel_loop3A_551 = vector.broadcast %parallel_loop3A_550 : i32 to vector<16xi32>
        %parallel_loop3A_552 = arith.addi %parallel_loop3A_257, %parallel_loop3A_551 : vector<16xi32>
        %parallel_loop3A_553 = tpu.vector_load_idx %arg9[%parallel_loop3A_552] : memref<400xf32, #tpu.memory_space<vmem>>[vector<16xi32>], vector<16xf32>,
        %parallel_loop3A_554 = arith.constant 42 : i32
        %parallel_loop3A_555 = vector.broadcast %parallel_loop3A_554 : i32 to vector<16xi32>
        %parallel_loop3A_556 = arith.addi %parallel_loop3A_257, %parallel_loop3A_555 : vector<16xi32>
        %parallel_loop3A_557 = tpu.vector_load_idx %arg9[%parallel_loop3A_556] : memref<400xf32, #tpu.memory_space<vmem>>[vector<16xi32>], vector<16xf32>,
        %parallel_loop3A_558 = arith.constant 43 : i32
        %parallel_loop3A_559 = vector.broadcast %parallel_loop3A_558 : i32 to vector<16xi32>
        %parallel_loop3A_560 = arith.addi %parallel_loop3A_257, %parallel_loop3A_559 : vector<16xi32>
        %parallel_loop3A_561 = tpu.vector_load_idx %arg9[%parallel_loop3A_560] : memref<400xf32, #tpu.memory_space<vmem>>[vector<16xi32>], vector<16xf32>,
        %parallel_loop3A_562 = arith.constant 44 : i32
        %parallel_loop3A_563 = vector.broadcast %parallel_loop3A_562 : i32 to vector<16xi32>
        %parallel_loop3A_564 = arith.addi %parallel_loop3A_257, %parallel_loop3A_563 : vector<16xi32>
        %parallel_loop3A_565 = tpu.vector_load_idx %arg9[%parallel_loop3A_564] : memref<400xf32, #tpu.memory_space<vmem>>[vector<16xi32>], vector<16xf32>,
        %parallel_loop3A_566 = arith.constant 45 : i32
        %parallel_loop3A_567 = vector.broadcast %parallel_loop3A_566 : i32 to vector<16xi32>
        %parallel_loop3A_568 = arith.addi %parallel_loop3A_257, %parallel_loop3A_567 : vector<16xi32>
        %parallel_loop3A_569 = tpu.vector_load_idx %arg9[%parallel_loop3A_568] : memref<400xf32, #tpu.memory_space<vmem>>[vector<16xi32>], vector<16xf32>,
        %parallel_loop3A_570 = arith.constant 46 : i32
        %parallel_loop3A_571 = vector.broadcast %parallel_loop3A_570 : i32 to vector<16xi32>
        %parallel_loop3A_572 = arith.addi %parallel_loop3A_257, %parallel_loop3A_571 : vector<16xi32>
        %parallel_loop3A_573 = tpu.vector_load_idx %arg9[%parallel_loop3A_572] : memref<400xf32, #tpu.memory_space<vmem>>[vector<16xi32>], vector<16xf32>,
        %parallel_loop3A_574 = arith.constant 47 : i32
        %parallel_loop3A_575 = vector.broadcast %parallel_loop3A_574 : i32 to vector<16xi32>
        %parallel_loop3A_576 = arith.addi %parallel_loop3A_257, %parallel_loop3A_575 : vector<16xi32>
        %parallel_loop3A_577 = tpu.vector_load_idx %arg9[%parallel_loop3A_576] : memref<400xf32, #tpu.memory_space<vmem>>[vector<16xi32>], vector<16xf32>,
        %parallel_loop3A_578 = arith.constant 48 : i32
        %parallel_loop3A_579 = vector.broadcast %parallel_loop3A_578 : i32 to vector<16xi32>
        %parallel_loop3A_580 = arith.addi %parallel_loop3A_257, %parallel_loop3A_579 : vector<16xi32>
        %parallel_loop3A_581 = tpu.vector_load_idx %arg9[%parallel_loop3A_580] : memref<400xf32, #tpu.memory_space<vmem>>[vector<16xi32>], vector<16xf32>,
        %parallel_loop3A_582 = arith.constant 49 : i32
        %parallel_loop3A_583 = vector.broadcast %parallel_loop3A_582 : i32 to vector<16xi32>
        %parallel_loop3A_584 = arith.addi %parallel_loop3A_257, %parallel_loop3A_583 : vector<16xi32>
        %parallel_loop3A_585 = tpu.vector_load_idx %arg9[%parallel_loop3A_584] : memref<400xf32, #tpu.memory_space<vmem>>[vector<16xi32>], vector<16xf32>,
        %parallel_loop3A_586 = arith.constant 50 : i32
        %parallel_loop3A_587 = vector.broadcast %parallel_loop3A_586 : i32 to vector<16xi32>
        %parallel_loop3A_588 = arith.addi %parallel_loop3A_257, %parallel_loop3A_587 : vector<16xi32>
        %parallel_loop3A_589 = tpu.vector_load_idx %arg9[%parallel_loop3A_588] : memref<400xf32, #tpu.memory_space<vmem>>[vector<16xi32>], vector<16xf32>,
        %parallel_loop3A_590 = arith.constant 51 : i32
        %parallel_loop3A_591 = vector.broadcast %parallel_loop3A_590 : i32 to vector<16xi32>
        %parallel_loop3A_592 = arith.addi %parallel_loop3A_257, %parallel_loop3A_591 : vector<16xi32>
        %parallel_loop3A_593 = tpu.vector_load_idx %arg9[%parallel_loop3A_592] : memref<400xf32, #tpu.memory_space<vmem>>[vector<16xi32>], vector<16xf32>,
        %parallel_loop3A_594 = arith.constant 52 : i32
        %parallel_loop3A_595 = vector.broadcast %parallel_loop3A_594 : i32 to vector<16xi32>
        %parallel_loop3A_596 = arith.addi %parallel_loop3A_257, %parallel_loop3A_595 : vector<16xi32>
        %parallel_loop3A_597 = tpu.vector_load_idx %arg9[%parallel_loop3A_596] : memref<400xf32, #tpu.memory_space<vmem>>[vector<16xi32>], vector<16xf32>,
        %parallel_loop3A_598 = arith.constant 53 : i32
        %parallel_loop3A_599 = vector.broadcast %parallel_loop3A_598 : i32 to vector<16xi32>
        %parallel_loop3A_600 = arith.addi %parallel_loop3A_257, %parallel_loop3A_599 : vector<16xi32>
        %parallel_loop3A_601 = tpu.vector_load_idx %arg9[%parallel_loop3A_600] : memref<400xf32, #tpu.memory_space<vmem>>[vector<16xi32>], vector<16xf32>,
        %parallel_loop3A_602 = arith.constant 54 : i32
        %parallel_loop3A_603 = vector.broadcast %parallel_loop3A_602 : i32 to vector<16xi32>
        %parallel_loop3A_604 = arith.addi %parallel_loop3A_257, %parallel_loop3A_603 : vector<16xi32>
        %parallel_loop3A_605 = tpu.vector_load_idx %arg9[%parallel_loop3A_604] : memref<400xf32, #tpu.memory_space<vmem>>[vector<16xi32>], vector<16xf32>,
        %parallel_loop3A_606 = arith.constant 55 : i32
        %parallel_loop3A_607 = vector.broadcast %parallel_loop3A_606 : i32 to vector<16xi32>
        %parallel_loop3A_608 = arith.addi %parallel_loop3A_257, %parallel_loop3A_607 : vector<16xi32>
        %parallel_loop3A_609 = tpu.vector_load_idx %arg9[%parallel_loop3A_608] : memref<400xf32, #tpu.memory_space<vmem>>[vector<16xi32>], vector<16xf32>,
        %parallel_loop3A_610 = arith.constant 56 : i32
        %parallel_loop3A_611 = vector.broadcast %parallel_loop3A_610 : i32 to vector<16xi32>
        %parallel_loop3A_612 = arith.addi %parallel_loop3A_257, %parallel_loop3A_611 : vector<16xi32>
        %parallel_loop3A_613 = tpu.vector_load_idx %arg9[%parallel_loop3A_612] : memref<400xf32, #tpu.memory_space<vmem>>[vector<16xi32>], vector<16xf32>,
        %parallel_loop3A_614 = arith.constant 57 : i32
        %parallel_loop3A_615 = vector.broadcast %parallel_loop3A_614 : i32 to vector<16xi32>
        %parallel_loop3A_616 = arith.addi %parallel_loop3A_257, %parallel_loop3A_615 : vector<16xi32>
        %parallel_loop3A_617 = tpu.vector_load_idx %arg9[%parallel_loop3A_616] : memref<400xf32, #tpu.memory_space<vmem>>[vector<16xi32>], vector<16xf32>,
        %parallel_loop3A_618 = arith.constant 58 : i32
        %parallel_loop3A_619 = vector.broadcast %parallel_loop3A_618 : i32 to vector<16xi32>
        %parallel_loop3A_620 = arith.addi %parallel_loop3A_257, %parallel_loop3A_619 : vector<16xi32>
        %parallel_loop3A_621 = tpu.vector_load_idx %arg9[%parallel_loop3A_620] : memref<400xf32, #tpu.memory_space<vmem>>[vector<16xi32>], vector<16xf32>,
        %parallel_loop3A_622 = arith.constant 59 : i32
        %parallel_loop3A_623 = vector.broadcast %parallel_loop3A_622 : i32 to vector<16xi32>
        %parallel_loop3A_624 = arith.addi %parallel_loop3A_257, %parallel_loop3A_623 : vector<16xi32>
        %parallel_loop3A_625 = tpu.vector_load_idx %arg9[%parallel_loop3A_624] : memref<400xf32, #tpu.memory_space<vmem>>[vector<16xi32>], vector<16xf32>,
        %parallel_loop3A_626 = arith.constant 60 : i32
        %parallel_loop3A_627 = vector.broadcast %parallel_loop3A_626 : i32 to vector<16xi32>
        %parallel_loop3A_628 = arith.addi %parallel_loop3A_257, %parallel_loop3A_627 : vector<16xi32>
        %parallel_loop3A_629 = tpu.vector_load_idx %arg9[%parallel_loop3A_628] : memref<400xf32, #tpu.memory_space<vmem>>[vector<16xi32>], vector<16xf32>,
        %parallel_loop3A_630 = arith.constant 61 : i32
        %parallel_loop3A_631 = vector.broadcast %parallel_loop3A_630 : i32 to vector<16xi32>
        %parallel_loop3A_632 = arith.addi %parallel_loop3A_257, %parallel_loop3A_631 : vector<16xi32>
        %parallel_loop3A_633 = tpu.vector_load_idx %arg9[%parallel_loop3A_632] : memref<400xf32, #tpu.memory_space<vmem>>[vector<16xi32>], vector<16xf32>,
        %parallel_loop3A_634 = arith.constant 62 : i32
        %parallel_loop3A_635 = vector.broadcast %parallel_loop3A_634 : i32 to vector<16xi32>
        %parallel_loop3A_636 = arith.addi %parallel_loop3A_257, %parallel_loop3A_635 : vector<16xi32>
        %parallel_loop3A_637 = tpu.vector_load_idx %arg9[%parallel_loop3A_636] : memref<400xf32, #tpu.memory_space<vmem>>[vector<16xi32>], vector<16xf32>,
        %parallel_loop3A_638 = arith.constant 63 : i32
        %parallel_loop3A_639 = vector.broadcast %parallel_loop3A_638 : i32 to vector<16xi32>
        %parallel_loop3A_640 = arith.addi %parallel_loop3A_257, %parallel_loop3A_639 : vector<16xi32>
        %parallel_loop3A_641 = tpu.vector_load_idx %arg9[%parallel_loop3A_640] : memref<400xf32, #tpu.memory_space<vmem>>[vector<16xi32>], vector<16xf32>,
        %parallel_loop3A_642 = arith.constant 32 : i32
        %parallel_loop3A_643 = arith.index_cast %parallel_loop3A_642 : i32 to index
        %parallel_loop3A_644 = arith.index_cast %parallel_loop3A_252 : i32 to index
        %parallel_loop3A_645 = tpu.vector_load %arg7[%parallel_loop3A_643, %parallel_loop3A_644] {strides = array<i32>} : memref<64x512xf32, #tpu.memory_space<vmem>>, vector<16xf32>,
        tpu.vector_store %arg7[%parallel_loop3A_643, %parallel_loop3A_644], %parallel_loop3A_517 {strides = array<i32>} : memref<64x512xf32, #tpu.memory_space<vmem>>, vector<16xf32>,
        %parallel_loop3A_646 = arith.constant 33 : i32
        %parallel_loop3A_647 = arith.index_cast %parallel_loop3A_646 : i32 to index
        %parallel_loop3A_648 = arith.index_cast %parallel_loop3A_252 : i32 to index
        %parallel_loop3A_649 = tpu.vector_load %arg7[%parallel_loop3A_647, %parallel_loop3A_648] {strides = array<i32>} : memref<64x512xf32, #tpu.memory_space<vmem>>, vector<16xf32>,
        tpu.vector_store %arg7[%parallel_loop3A_647, %parallel_loop3A_648], %parallel_loop3A_521 {strides = array<i32>} : memref<64x512xf32, #tpu.memory_space<vmem>>, vector<16xf32>,
        %parallel_loop3A_650 = arith.constant 34 : i32
        %parallel_loop3A_651 = arith.index_cast %parallel_loop3A_650 : i32 to index
        %parallel_loop3A_652 = arith.index_cast %parallel_loop3A_252 : i32 to index
        %parallel_loop3A_653 = tpu.vector_load %arg7[%parallel_loop3A_651, %parallel_loop3A_652] {strides = array<i32>} : memref<64x512xf32, #tpu.memory_space<vmem>>, vector<16xf32>,
        tpu.vector_store %arg7[%parallel_loop3A_651, %parallel_loop3A_652], %parallel_loop3A_525 {strides = array<i32>} : memref<64x512xf32, #tpu.memory_space<vmem>>, vector<16xf32>,
        %parallel_loop3A_654 = arith.constant 35 : i32
        %parallel_loop3A_655 = arith.index_cast %parallel_loop3A_654 : i32 to index
        %parallel_loop3A_656 = arith.index_cast %parallel_loop3A_252 : i32 to index
        %parallel_loop3A_657 = tpu.vector_load %arg7[%parallel_loop3A_655, %parallel_loop3A_656] {strides = array<i32>} : memref<64x512xf32, #tpu.memory_space<vmem>>, vector<16xf32>,
        tpu.vector_store %arg7[%parallel_loop3A_655, %parallel_loop3A_656], %parallel_loop3A_529 {strides = array<i32>} : memref<64x512xf32, #tpu.memory_space<vmem>>, vector<16xf32>,
        %parallel_loop3A_658 = arith.constant 36 : i32
        %parallel_loop3A_659 = arith.index_cast %parallel_loop3A_658 : i32 to index
        %parallel_loop3A_660 = arith.index_cast %parallel_loop3A_252 : i32 to index
        %parallel_loop3A_661 = tpu.vector_load %arg7[%parallel_loop3A_659, %parallel_loop3A_660] {strides = array<i32>} : memref<64x512xf32, #tpu.memory_space<vmem>>, vector<16xf32>,
        tpu.vector_store %arg7[%parallel_loop3A_659, %parallel_loop3A_660], %parallel_loop3A_533 {strides = array<i32>} : memref<64x512xf32, #tpu.memory_space<vmem>>, vector<16xf32>,
        %parallel_loop3A_662 = arith.constant 37 : i32
        %parallel_loop3A_663 = arith.index_cast %parallel_loop3A_662 : i32 to index
        %parallel_loop3A_664 = arith.index_cast %parallel_loop3A_252 : i32 to index
        %parallel_loop3A_665 = tpu.vector_load %arg7[%parallel_loop3A_663, %parallel_loop3A_664] {strides = array<i32>} : memref<64x512xf32, #tpu.memory_space<vmem>>, vector<16xf32>,
        tpu.vector_store %arg7[%parallel_loop3A_663, %parallel_loop3A_664], %parallel_loop3A_537 {strides = array<i32>} : memref<64x512xf32, #tpu.memory_space<vmem>>, vector<16xf32>,
        %parallel_loop3A_666 = arith.constant 38 : i32
        %parallel_loop3A_667 = arith.index_cast %parallel_loop3A_666 : i32 to index
        %parallel_loop3A_668 = arith.index_cast %parallel_loop3A_252 : i32 to index
        %parallel_loop3A_669 = tpu.vector_load %arg7[%parallel_loop3A_667, %parallel_loop3A_668] {strides = array<i32>} : memref<64x512xf32, #tpu.memory_space<vmem>>, vector<16xf32>,
        tpu.vector_store %arg7[%parallel_loop3A_667, %parallel_loop3A_668], %parallel_loop3A_541 {strides = array<i32>} : memref<64x512xf32, #tpu.memory_space<vmem>>, vector<16xf32>,
        %parallel_loop3A_670 = arith.constant 39 : i32
        %parallel_loop3A_671 = arith.index_cast %parallel_loop3A_670 : i32 to index
        %parallel_loop3A_672 = arith.index_cast %parallel_loop3A_252 : i32 to index
        %parallel_loop3A_673 = tpu.vector_load %arg7[%parallel_loop3A_671, %parallel_loop3A_672] {strides = array<i32>} : memref<64x512xf32, #tpu.memory_space<vmem>>, vector<16xf32>,
        tpu.vector_store %arg7[%parallel_loop3A_671, %parallel_loop3A_672], %parallel_loop3A_545 {strides = array<i32>} : memref<64x512xf32, #tpu.memory_space<vmem>>, vector<16xf32>,
        %parallel_loop3A_674 = arith.constant 40 : i32
        %parallel_loop3A_675 = arith.index_cast %parallel_loop3A_674 : i32 to index
        %parallel_loop3A_676 = arith.index_cast %parallel_loop3A_252 : i32 to index
        %parallel_loop3A_677 = tpu.vector_load %arg7[%parallel_loop3A_675, %parallel_loop3A_676] {strides = array<i32>} : memref<64x512xf32, #tpu.memory_space<vmem>>, vector<16xf32>,
        tpu.vector_store %arg7[%parallel_loop3A_675, %parallel_loop3A_676], %parallel_loop3A_549 {strides = array<i32>} : memref<64x512xf32, #tpu.memory_space<vmem>>, vector<16xf32>,
        %parallel_loop3A_678 = arith.constant 41 : i32
        %parallel_loop3A_679 = arith.index_cast %parallel_loop3A_678 : i32 to index
        %parallel_loop3A_680 = arith.index_cast %parallel_loop3A_252 : i32 to index
        %parallel_loop3A_681 = tpu.vector_load %arg7[%parallel_loop3A_679, %parallel_loop3A_680] {strides = array<i32>} : memref<64x512xf32, #tpu.memory_space<vmem>>, vector<16xf32>,
        tpu.vector_store %arg7[%parallel_loop3A_679, %parallel_loop3A_680], %parallel_loop3A_553 {strides = array<i32>} : memref<64x512xf32, #tpu.memory_space<vmem>>, vector<16xf32>,
        %parallel_loop3A_682 = arith.constant 42 : i32
        %parallel_loop3A_683 = arith.index_cast %parallel_loop3A_682 : i32 to index
        %parallel_loop3A_684 = arith.index_cast %parallel_loop3A_252 : i32 to index
        %parallel_loop3A_685 = tpu.vector_load %arg7[%parallel_loop3A_683, %parallel_loop3A_684] {strides = array<i32>} : memref<64x512xf32, #tpu.memory_space<vmem>>, vector<16xf32>,
        tpu.vector_store %arg7[%parallel_loop3A_683, %parallel_loop3A_684], %parallel_loop3A_557 {strides = array<i32>} : memref<64x512xf32, #tpu.memory_space<vmem>>, vector<16xf32>,
        %parallel_loop3A_686 = arith.constant 43 : i32
        %parallel_loop3A_687 = arith.index_cast %parallel_loop3A_686 : i32 to index
        %parallel_loop3A_688 = arith.index_cast %parallel_loop3A_252 : i32 to index
        %parallel_loop3A_689 = tpu.vector_load %arg7[%parallel_loop3A_687, %parallel_loop3A_688] {strides = array<i32>} : memref<64x512xf32, #tpu.memory_space<vmem>>, vector<16xf32>,
        tpu.vector_store %arg7[%parallel_loop3A_687, %parallel_loop3A_688], %parallel_loop3A_561 {strides = array<i32>} : memref<64x512xf32, #tpu.memory_space<vmem>>, vector<16xf32>,
        %parallel_loop3A_690 = arith.constant 44 : i32
        %parallel_loop3A_691 = arith.index_cast %parallel_loop3A_690 : i32 to index
        %parallel_loop3A_692 = arith.index_cast %parallel_loop3A_252 : i32 to index
        %parallel_loop3A_693 = tpu.vector_load %arg7[%parallel_loop3A_691, %parallel_loop3A_692] {strides = array<i32>} : memref<64x512xf32, #tpu.memory_space<vmem>>, vector<16xf32>,
        tpu.vector_store %arg7[%parallel_loop3A_691, %parallel_loop3A_692], %parallel_loop3A_565 {strides = array<i32>} : memref<64x512xf32, #tpu.memory_space<vmem>>, vector<16xf32>,
        %parallel_loop3A_694 = arith.constant 45 : i32
        %parallel_loop3A_695 = arith.index_cast %parallel_loop3A_694 : i32 to index
        %parallel_loop3A_696 = arith.index_cast %parallel_loop3A_252 : i32 to index
        %parallel_loop3A_697 = tpu.vector_load %arg7[%parallel_loop3A_695, %parallel_loop3A_696] {strides = array<i32>} : memref<64x512xf32, #tpu.memory_space<vmem>>, vector<16xf32>,
        tpu.vector_store %arg7[%parallel_loop3A_695, %parallel_loop3A_696], %parallel_loop3A_569 {strides = array<i32>} : memref<64x512xf32, #tpu.memory_space<vmem>>, vector<16xf32>,
        %parallel_loop3A_698 = arith.constant 46 : i32
        %parallel_loop3A_699 = arith.index_cast %parallel_loop3A_698 : i32 to index
        %parallel_loop3A_700 = arith.index_cast %parallel_loop3A_252 : i32 to index
        %parallel_loop3A_701 = tpu.vector_load %arg7[%parallel_loop3A_699, %parallel_loop3A_700] {strides = array<i32>} : memref<64x512xf32, #tpu.memory_space<vmem>>, vector<16xf32>,
        tpu.vector_store %arg7[%parallel_loop3A_699, %parallel_loop3A_700], %parallel_loop3A_573 {strides = array<i32>} : memref<64x512xf32, #tpu.memory_space<vmem>>, vector<16xf32>,
        %parallel_loop3A_702 = arith.constant 47 : i32
        %parallel_loop3A_703 = arith.index_cast %parallel_loop3A_702 : i32 to index
        %parallel_loop3A_704 = arith.index_cast %parallel_loop3A_252 : i32 to index
        %parallel_loop3A_705 = tpu.vector_load %arg7[%parallel_loop3A_703, %parallel_loop3A_704] {strides = array<i32>} : memref<64x512xf32, #tpu.memory_space<vmem>>, vector<16xf32>,
        tpu.vector_store %arg7[%parallel_loop3A_703, %parallel_loop3A_704], %parallel_loop3A_577 {strides = array<i32>} : memref<64x512xf32, #tpu.memory_space<vmem>>, vector<16xf32>,
        %parallel_loop3A_706 = arith.constant 48 : i32
        %parallel_loop3A_707 = arith.index_cast %parallel_loop3A_706 : i32 to index
        %parallel_loop3A_708 = arith.index_cast %parallel_loop3A_252 : i32 to index
        %parallel_loop3A_709 = tpu.vector_load %arg7[%parallel_loop3A_707, %parallel_loop3A_708] {strides = array<i32>} : memref<64x512xf32, #tpu.memory_space<vmem>>, vector<16xf32>,
        tpu.vector_store %arg7[%parallel_loop3A_707, %parallel_loop3A_708], %parallel_loop3A_581 {strides = array<i32>} : memref<64x512xf32, #tpu.memory_space<vmem>>, vector<16xf32>,
        %parallel_loop3A_710 = arith.constant 49 : i32
        %parallel_loop3A_711 = arith.index_cast %parallel_loop3A_710 : i32 to index
        %parallel_loop3A_712 = arith.index_cast %parallel_loop3A_252 : i32 to index
        %parallel_loop3A_713 = tpu.vector_load %arg7[%parallel_loop3A_711, %parallel_loop3A_712] {strides = array<i32>} : memref<64x512xf32, #tpu.memory_space<vmem>>, vector<16xf32>,
        tpu.vector_store %arg7[%parallel_loop3A_711, %parallel_loop3A_712], %parallel_loop3A_585 {strides = array<i32>} : memref<64x512xf32, #tpu.memory_space<vmem>>, vector<16xf32>,
        %parallel_loop3A_714 = arith.constant 50 : i32
        %parallel_loop3A_715 = arith.index_cast %parallel_loop3A_714 : i32 to index
        %parallel_loop3A_716 = arith.index_cast %parallel_loop3A_252 : i32 to index
        %parallel_loop3A_717 = tpu.vector_load %arg7[%parallel_loop3A_715, %parallel_loop3A_716] {strides = array<i32>} : memref<64x512xf32, #tpu.memory_space<vmem>>, vector<16xf32>,
        tpu.vector_store %arg7[%parallel_loop3A_715, %parallel_loop3A_716], %parallel_loop3A_589 {strides = array<i32>} : memref<64x512xf32, #tpu.memory_space<vmem>>, vector<16xf32>,
        %parallel_loop3A_718 = arith.constant 51 : i32
        %parallel_loop3A_719 = arith.index_cast %parallel_loop3A_718 : i32 to index
        %parallel_loop3A_720 = arith.index_cast %parallel_loop3A_252 : i32 to index
        %parallel_loop3A_721 = tpu.vector_load %arg7[%parallel_loop3A_719, %parallel_loop3A_720] {strides = array<i32>} : memref<64x512xf32, #tpu.memory_space<vmem>>, vector<16xf32>,
        tpu.vector_store %arg7[%parallel_loop3A_719, %parallel_loop3A_720], %parallel_loop3A_593 {strides = array<i32>} : memref<64x512xf32, #tpu.memory_space<vmem>>, vector<16xf32>,
        %parallel_loop3A_722 = arith.constant 52 : i32
        %parallel_loop3A_723 = arith.index_cast %parallel_loop3A_722 : i32 to index
        %parallel_loop3A_724 = arith.index_cast %parallel_loop3A_252 : i32 to index
        %parallel_loop3A_725 = tpu.vector_load %arg7[%parallel_loop3A_723, %parallel_loop3A_724] {strides = array<i32>} : memref<64x512xf32, #tpu.memory_space<vmem>>, vector<16xf32>,
        tpu.vector_store %arg7[%parallel_loop3A_723, %parallel_loop3A_724], %parallel_loop3A_597 {strides = array<i32>} : memref<64x512xf32, #tpu.memory_space<vmem>>, vector<16xf32>,
        %parallel_loop3A_726 = arith.constant 53 : i32
        %parallel_loop3A_727 = arith.index_cast %parallel_loop3A_726 : i32 to index
        %parallel_loop3A_728 = arith.index_cast %parallel_loop3A_252 : i32 to index
        %parallel_loop3A_729 = tpu.vector_load %arg7[%parallel_loop3A_727, %parallel_loop3A_728] {strides = array<i32>} : memref<64x512xf32, #tpu.memory_space<vmem>>, vector<16xf32>,
        tpu.vector_store %arg7[%parallel_loop3A_727, %parallel_loop3A_728], %parallel_loop3A_601 {strides = array<i32>} : memref<64x512xf32, #tpu.memory_space<vmem>>, vector<16xf32>,
        %parallel_loop3A_730 = arith.constant 54 : i32
        %parallel_loop3A_731 = arith.index_cast %parallel_loop3A_730 : i32 to index
        %parallel_loop3A_732 = arith.index_cast %parallel_loop3A_252 : i32 to index
        %parallel_loop3A_733 = tpu.vector_load %arg7[%parallel_loop3A_731, %parallel_loop3A_732] {strides = array<i32>} : memref<64x512xf32, #tpu.memory_space<vmem>>, vector<16xf32>,
        tpu.vector_store %arg7[%parallel_loop3A_731, %parallel_loop3A_732], %parallel_loop3A_605 {strides = array<i32>} : memref<64x512xf32, #tpu.memory_space<vmem>>, vector<16xf32>,
        %parallel_loop3A_734 = arith.constant 55 : i32
        %parallel_loop3A_735 = arith.index_cast %parallel_loop3A_734 : i32 to index
        %parallel_loop3A_736 = arith.index_cast %parallel_loop3A_252 : i32 to index
        %parallel_loop3A_737 = tpu.vector_load %arg7[%parallel_loop3A_735, %parallel_loop3A_736] {strides = array<i32>} : memref<64x512xf32, #tpu.memory_space<vmem>>, vector<16xf32>,
        tpu.vector_store %arg7[%parallel_loop3A_735, %parallel_loop3A_736], %parallel_loop3A_609 {strides = array<i32>} : memref<64x512xf32, #tpu.memory_space<vmem>>, vector<16xf32>,
        %parallel_loop3A_738 = arith.constant 56 : i32
        %parallel_loop3A_739 = arith.index_cast %parallel_loop3A_738 : i32 to index
        %parallel_loop3A_740 = arith.index_cast %parallel_loop3A_252 : i32 to index
        %parallel_loop3A_741 = tpu.vector_load %arg7[%parallel_loop3A_739, %parallel_loop3A_740] {strides = array<i32>} : memref<64x512xf32, #tpu.memory_space<vmem>>, vector<16xf32>,
        tpu.vector_store %arg7[%parallel_loop3A_739, %parallel_loop3A_740], %parallel_loop3A_613 {strides = array<i32>} : memref<64x512xf32, #tpu.memory_space<vmem>>, vector<16xf32>,
        %parallel_loop3A_742 = arith.constant 57 : i32
        %parallel_loop3A_743 = arith.index_cast %parallel_loop3A_742 : i32 to index
        %parallel_loop3A_744 = arith.index_cast %parallel_loop3A_252 : i32 to index
        %parallel_loop3A_745 = tpu.vector_load %arg7[%parallel_loop3A_743, %parallel_loop3A_744] {strides = array<i32>} : memref<64x512xf32, #tpu.memory_space<vmem>>, vector<16xf32>,
        tpu.vector_store %arg7[%parallel_loop3A_743, %parallel_loop3A_744], %parallel_loop3A_617 {strides = array<i32>} : memref<64x512xf32, #tpu.memory_space<vmem>>, vector<16xf32>,
        %parallel_loop3A_746 = arith.constant 58 : i32
        %parallel_loop3A_747 = arith.index_cast %parallel_loop3A_746 : i32 to index
        %parallel_loop3A_748 = arith.index_cast %parallel_loop3A_252 : i32 to index
        %parallel_loop3A_749 = tpu.vector_load %arg7[%parallel_loop3A_747, %parallel_loop3A_748] {strides = array<i32>} : memref<64x512xf32, #tpu.memory_space<vmem>>, vector<16xf32>,
        tpu.vector_store %arg7[%parallel_loop3A_747, %parallel_loop3A_748], %parallel_loop3A_621 {strides = array<i32>} : memref<64x512xf32, #tpu.memory_space<vmem>>, vector<16xf32>,
        %parallel_loop3A_750 = arith.constant 59 : i32
        %parallel_loop3A_751 = arith.index_cast %parallel_loop3A_750 : i32 to index
        %parallel_loop3A_752 = arith.index_cast %parallel_loop3A_252 : i32 to index
        %parallel_loop3A_753 = tpu.vector_load %arg7[%parallel_loop3A_751, %parallel_loop3A_752] {strides = array<i32>} : memref<64x512xf32, #tpu.memory_space<vmem>>, vector<16xf32>,
        tpu.vector_store %arg7[%parallel_loop3A_751, %parallel_loop3A_752], %parallel_loop3A_625 {strides = array<i32>} : memref<64x512xf32, #tpu.memory_space<vmem>>, vector<16xf32>,
        %parallel_loop3A_754 = arith.constant 60 : i32
        %parallel_loop3A_755 = arith.index_cast %parallel_loop3A_754 : i32 to index
        %parallel_loop3A_756 = arith.index_cast %parallel_loop3A_252 : i32 to index
        %parallel_loop3A_757 = tpu.vector_load %arg7[%parallel_loop3A_755, %parallel_loop3A_756] {strides = array<i32>} : memref<64x512xf32, #tpu.memory_space<vmem>>, vector<16xf32>,
        tpu.vector_store %arg7[%parallel_loop3A_755, %parallel_loop3A_756], %parallel_loop3A_629 {strides = array<i32>} : memref<64x512xf32, #tpu.memory_space<vmem>>, vector<16xf32>,
        %parallel_loop3A_758 = arith.constant 61 : i32
        %parallel_loop3A_759 = arith.index_cast %parallel_loop3A_758 : i32 to index
        %parallel_loop3A_760 = arith.index_cast %parallel_loop3A_252 : i32 to index
        %parallel_loop3A_761 = tpu.vector_load %arg7[%parallel_loop3A_759, %parallel_loop3A_760] {strides = array<i32>} : memref<64x512xf32, #tpu.memory_space<vmem>>, vector<16xf32>,
        tpu.vector_store %arg7[%parallel_loop3A_759, %parallel_loop3A_760], %parallel_loop3A_633 {strides = array<i32>} : memref<64x512xf32, #tpu.memory_space<vmem>>, vector<16xf32>,
        %parallel_loop3A_762 = arith.constant 62 : i32
        %parallel_loop3A_763 = arith.index_cast %parallel_loop3A_762 : i32 to index
        %parallel_loop3A_764 = arith.index_cast %parallel_loop3A_252 : i32 to index
        %parallel_loop3A_765 = tpu.vector_load %arg7[%parallel_loop3A_763, %parallel_loop3A_764] {strides = array<i32>} : memref<64x512xf32, #tpu.memory_space<vmem>>, vector<16xf32>,
        tpu.vector_store %arg7[%parallel_loop3A_763, %parallel_loop3A_764], %parallel_loop3A_637 {strides = array<i32>} : memref<64x512xf32, #tpu.memory_space<vmem>>, vector<16xf32>,
        %parallel_loop3A_766 = arith.constant 63 : i32
        %parallel_loop3A_767 = arith.index_cast %parallel_loop3A_766 : i32 to index
        %parallel_loop3A_768 = arith.index_cast %parallel_loop3A_252 : i32 to index
        %parallel_loop3A_769 = tpu.vector_load %arg7[%parallel_loop3A_767, %parallel_loop3A_768] {strides = array<i32>} : memref<64x512xf32, #tpu.memory_space<vmem>>, vector<16xf32>,
        tpu.vector_store %arg7[%parallel_loop3A_767, %parallel_loop3A_768], %parallel_loop3A_641 {strides = array<i32>} : memref<64x512xf32, #tpu.memory_space<vmem>>, vector<16xf32>,
      } {sc.loop_unroll_factor = 4 : i64, sc.parallel_access}
      %jit3A_103 = arith.constant 8 : i32
      %div3A_104 = arith.divsi %add3A_91, %jit3A_103 : i32
      %sign3A_105 = arith.constant 0 : i32
      %sign3A_106 = arith.cmpi sgt, %add3A_91, %sign3A_105 : i32
      %sign3A_107 = arith.extui %sign3A_106 : i1 to i32
      %sign3A_108 = arith.constant 0 : i32
      %sign3A_109 = arith.cmpi slt, %add3A_91, %sign3A_108 : i32
      %sign3A_110 = arith.extui %sign3A_109 : i1 to i32
      %sign3A_111 = arith.subi %sign3A_107, %sign3A_110 : i32
      %sign3A_112 = arith.constant 0 : i32
      %sign3A_113 = arith.cmpi sgt, %jit3A_103, %sign3A_112 : i32
      %sign3A_114 = arith.extui %sign3A_113 : i1 to i32
      %sign3A_115 = arith.constant 0 : i32
      %sign3A_116 = arith.cmpi slt, %jit3A_103, %sign3A_115 : i32
      %sign3A_117 = arith.extui %sign3A_116 : i1 to i32
      %sign3A_118 = arith.subi %sign3A_114, %sign3A_117 : i32
      %ne3A_119 = arith.cmpi ne, %sign3A_111, %sign3A_118 : i32
      %rem3A_120 = arith.remsi %add3A_91, %jit3A_103 : i32
      %ne3A_121 = arith.constant 0 : i32
      %ne3A_122 = arith.cmpi ne, %rem3A_120, %ne3A_121 : i32
      %and3A_123 = arith.andi %ne3A_119, %ne3A_122 : i1
      %sub3A_124 = arith.constant 1 : i32
      %sub3A_125 = arith.subi %div3A_104, %sub3A_124 : i32
      %select_n3A_126 = arith.select %and3A_123, %sub3A_125, %div3A_104 : i32
      %add3A_127 = arith.addi %mul3A_21, %select_n3A_126 : i32
      %jit3A_128 = arith.constant 8 : i32
      %eq3A = arith.constant 0 : i32
      %eq3A_129 = arith.cmpi eq, %jit3A_128, %eq3A : i32
      %jit3A_130 = arith.constant 1 : i32
      %select_n3A_131 = arith.select %eq3A_129, %jit3A_130, %jit3A_128 : i32
      %rem3A_132 = arith.remsi %add3A_91, %select_n3A_131 : i32
      %ne3A_133 = arith.constant 0 : i32
      %ne3A_134 = arith.cmpi ne, %rem3A_132, %ne3A_133 : i32
      %lt3A = arith.constant 0 : i32
      %lt3A_135 = arith.cmpi slt, %rem3A_132, %lt3A : i32
      %lt3A_136 = arith.constant 0 : i32
      %lt3A_137 = arith.cmpi slt, %select_n3A_131, %lt3A_136 : i32
      %ne3A_138 = arith.xori %lt3A_135, %lt3A_137 : i1
      %and3A_139 = arith.andi %ne3A_138, %ne3A_134 : i1
      %add3A_140 = arith.addi %rem3A_132, %select_n3A_131 : i32
      %select_n3A_141 = arith.select %and3A_139, %add3A_140, %rem3A_132 : i32
      %mul3A_142 = arith.constant 512 : i32
      %mul3A_143 = arith.muli %select_n3A_141, %mul3A_142 : i32
      %add3A_144 = arith.addi %mul3A_23, %mul3A_143 : i32
      %dma_start3A_145 = arith.constant 0 : i32
      %dma_start3A_146 = arith.constant 0 : i32
      %dma_start3A_147 = arith.constant 0 : i32
      %dma_start3A_148 = tpu.memref_slice %arg4[%add3A_127, %dma_start3A_146, %dma_start3A_147] : memref<200x64x16384xf32, #tpu.memory_space<hbm>> -> memref<1x64x16384xf32, #tpu.memory_space<hbm>>
      %dma_start3A_149 = tpu.memref_squeeze %dma_start3A_148 : memref<1x64x16384xf32, #tpu.memory_space<hbm>> -> memref<64x16384xf32, #tpu.memory_space<hbm>>
      %dma_start3A_150 = arith.constant 0 : i32
      %dma_start3A_151 = tpu.memref_slice %dma_start3A_149[%dma_start3A_150, %add3A_144] : memref<64x16384xf32, #tpu.memory_space<hbm>> -> memref<64x512xf32, #tpu.memory_space<hbm>>
      %dma_start3A_152 = tpu.memref_slice %arg11[%dma_start3A_145] : memref<2x!tpu.dma_semaphore, #tpu.memory_space<semaphore_mem>> -> memref<1x!tpu.dma_semaphore, #tpu.memory_space<semaphore_mem>>
      %dma_start3A_153 = tpu.memref_squeeze %dma_start3A_152 : memref<1x!tpu.dma_semaphore, #tpu.memory_space<semaphore_mem>> -> memref<!tpu.dma_semaphore, #tpu.memory_space<semaphore_mem>>
      %dma_start3A_154 = arith.constant 0 : i32
      %dma_start3A_155 = arith.constant 0 : i32
      %dma_start3A_156 = tpu.memref_slice %arg4[%add3A_127, %dma_start3A_154, %dma_start3A_155] : memref<200x64x16384xf32, #tpu.memory_space<hbm>> -> memref<1x64x16384xf32, #tpu.memory_space<hbm>>
      %dma_start3A_157 = tpu.memref_squeeze %dma_start3A_156 : memref<1x64x16384xf32, #tpu.memory_space<hbm>> -> memref<64x16384xf32, #tpu.memory_space<hbm>>
      %dma_start3A_158 = arith.constant 0 : i32
      %dma_start3A_159 = tpu.memref_slice %dma_start3A_157[%dma_start3A_158, %add3A_144] : memref<64x16384xf32, #tpu.memory_space<hbm>> -> memref<64x512xf32, #tpu.memory_space<hbm>>
      tpu.enqueue_dma source(%arg7 : memref<64x512xf32, #tpu.memory_space<vmem>>) target(%dma_start3A_159 : memref<64x512xf32, #tpu.memory_space<hbm>>) target_semaphore(%dma_start3A_153 : memref<!tpu.dma_semaphore, #tpu.memory_space<semaphore_mem>>)
      %add3A_160 = arith.constant 2 : i32
      %add3A_161 = arith.addi %add3A_91, %add3A_160 : i32
      %lt3A_162 = arith.constant 200 : i32
      %lt3A_163 = arith.cmpi slt, %add3A_161, %lt3A_162 : i32
      %convert_element_type3A_164 = arith.extui %lt3A_163 : i1 to i32
      %cond3A_165 = arith.constant 0 : i32
      %cond3A_166 = arith.cmpi ne, %convert_element_type3A_164, %cond3A_165 : i32
      scf.if %cond3A_166 {
        %add3A_252 = arith.constant 2 : i32
        %add3A_253 = arith.addi %add3A_91, %add3A_252 : i32
        %jit3A_254 = arith.constant 8 : i32
        %div3A_255 = arith.divsi %add3A_253, %jit3A_254 : i32
        %sign3A_256 = arith.constant 0 : i32
        %sign3A_257 = arith.cmpi sgt, %add3A_253, %sign3A_256 : i32
        %sign3A_258 = arith.extui %sign3A_257 : i1 to i32
        %sign3A_259 = arith.constant 0 : i32
        %sign3A_260 = arith.cmpi slt, %add3A_253, %sign3A_259 : i32
        %sign3A_261 = arith.extui %sign3A_260 : i1 to i32
        %sign3A_262 = arith.subi %sign3A_258, %sign3A_261 : i32
        %sign3A_263 = arith.constant 0 : i32
        %sign3A_264 = arith.cmpi sgt, %jit3A_254, %sign3A_263 : i32
        %sign3A_265 = arith.extui %sign3A_264 : i1 to i32
        %sign3A_266 = arith.constant 0 : i32
        %sign3A_267 = arith.cmpi slt, %jit3A_254, %sign3A_266 : i32
        %sign3A_268 = arith.extui %sign3A_267 : i1 to i32
        %sign3A_269 = arith.subi %sign3A_265, %sign3A_268 : i32
        %ne3A_270 = arith.cmpi ne, %sign3A_262, %sign3A_269 : i32
        %rem3A_271 = arith.remsi %add3A_253, %jit3A_254 : i32
        %ne3A_272 = arith.constant 0 : i32
        %ne3A_273 = arith.cmpi ne, %rem3A_271, %ne3A_272 : i32
        %and3A_274 = arith.andi %ne3A_270, %ne3A_273 : i1
        %sub3A_275 = arith.constant 1 : i32
        %sub3A_276 = arith.subi %div3A_255, %sub3A_275 : i32
        %select_n3A_277 = arith.select %and3A_274, %sub3A_276, %div3A_255 : i32
        %add3A_278 = arith.addi %mul3A_21, %select_n3A_277 : i32
        %jit3A_279 = arith.constant 8 : i32
        %eq3A_280 = arith.constant 0 : i32
        %eq3A_281 = arith.cmpi eq, %jit3A_279, %eq3A_280 : i32
        %jit3A_282 = arith.constant 1 : i32
        %select_n3A_283 = arith.select %eq3A_281, %jit3A_282, %jit3A_279 : i32
        %rem3A_284 = arith.remsi %add3A_253, %select_n3A_283 : i32
        %ne3A_285 = arith.constant 0 : i32
        %ne3A_286 = arith.cmpi ne, %rem3A_284, %ne3A_285 : i32
        %lt3A_287 = arith.constant 0 : i32
        %lt3A_288 = arith.cmpi slt, %rem3A_284, %lt3A_287 : i32
        %lt3A_289 = arith.constant 0 : i32
        %lt3A_290 = arith.cmpi slt, %select_n3A_283, %lt3A_289 : i32
        %ne3A_291 = arith.xori %lt3A_288, %lt3A_290 : i1
        %and3A_292 = arith.andi %ne3A_291, %ne3A_286 : i1
        %add3A_293 = arith.addi %rem3A_284, %select_n3A_283 : i32
        %select_n3A_294 = arith.select %and3A_292, %add3A_293, %rem3A_284 : i32
        %mul3A_295 = arith.constant 512 : i32
        %mul3A_296 = arith.muli %select_n3A_294, %mul3A_295 : i32
        %add3A_297 = arith.addi %mul3A_23, %mul3A_296 : i32
        %mul3A_298 = arith.constant 16384 : i32
        %mul3A_299 = arith.muli %add3A_278, %mul3A_298 : i32
        %add3A_300 = arith.addi %mul3A_299, %add3A_297 : i32
        %dma_start3A_301 = arith.constant 0 : i32
        %dma_start3A_302 = tpu.memref_slice %arg3[%add3A_300] : memref<3276800xi32, #tpu.memory_space<hbm>> -> memref<512xi32, #tpu.memory_space<hbm>>
        %dma_start3A_303 = tpu.memref_slice %arg10[%dma_start3A_301] : memref<2x!tpu.dma_semaphore, #tpu.memory_space<semaphore_mem>> -> memref<1x!tpu.dma_semaphore, #tpu.memory_space<semaphore_mem>>
        %dma_start3A_304 = tpu.memref_squeeze %dma_start3A_303 : memref<1x!tpu.dma_semaphore, #tpu.memory_space<semaphore_mem>> -> memref<!tpu.dma_semaphore, #tpu.memory_space<semaphore_mem>>
        %dma_start3A_305 = tpu.memref_slice %arg3[%add3A_300] : memref<3276800xi32, #tpu.memory_space<hbm>> -> memref<512xi32, #tpu.memory_space<hbm>>
        tpu.enqueue_dma source(%dma_start3A_305 : memref<512xi32, #tpu.memory_space<hbm>>) target(%arg5 : memref<512xi32, #tpu.memory_space<vmem>>) target_semaphore(%dma_start3A_304 : memref<!tpu.dma_semaphore, #tpu.memory_space<semaphore_mem>>)
      } else {
      }
      %mul3A_167 = arith.constant 2 : i32
      %mul3A_168 = arith.muli %scan3A_87, %mul3A_167 : i32
      %add3A_169 = arith.constant 1 : i32
      %add3A_170 = arith.addi %mul3A_168, %add3A_169 : i32
      %dma_wait3A_171 = arith.constant 1 : i32
      %dma_wait3A_172 = arith.constant 0 : i32
      %dma_wait3A_173 = tpu.memref_slice %arg3[%dma_wait3A_172] : memref<3276800xi32, #tpu.memory_space<hbm>> -> memref<512xi32, #tpu.memory_space<hbm>>
      %dma_wait3A_174 = tpu.memref_slice %arg10[%dma_wait3A_171] : memref<2x!tpu.dma_semaphore, #tpu.memory_space<semaphore_mem>> -> memref<1x!tpu.dma_semaphore, #tpu.memory_space<semaphore_mem>>
      %dma_wait3A_175 = tpu.memref_squeeze %dma_wait3A_174 : memref<1x!tpu.dma_semaphore, #tpu.memory_space<semaphore_mem>> -> memref<!tpu.dma_semaphore, #tpu.memory_space<semaphore_mem>>
      %dma_wait3A_176 = arith.constant 0 : i32
      %dma_wait3A_177 = tpu.memref_slice %arg3[%dma_wait3A_176] : memref<3276800xi32, #tpu.memory_space<hbm>> -> memref<512xi32, #tpu.memory_space<hbm>>
      tpu.wait_dma2 semaphore(%dma_wait3A_175 : memref<!tpu.dma_semaphore, #tpu.memory_space<semaphore_mem>>) src(%dma_wait3A_177 : memref<512xi32, #tpu.memory_space<hbm>>) dst(%arg6 : memref<512xi32, #tpu.memory_space<vmem>>)
      %ge3A_178 = arith.constant 2 : i32
      %ge3A_179 = arith.cmpi sge, %add3A_170, %ge3A_178 : i32
      %convert_element_type3A_180 = arith.extui %ge3A_179 : i1 to i32
      %cond3A_181 = arith.constant 0 : i32
      %cond3A_182 = arith.cmpi ne, %convert_element_type3A_180, %cond3A_181 : i32
      scf.if %cond3A_182 {
        %dma_wait3A_252 = arith.constant 0 : i32
        %dma_wait3A_253 = arith.constant 1 : i32
        %dma_wait3A_254 = arith.constant 0 : i32
        %dma_wait3A_255 = arith.constant 0 : i32
        %dma_wait3A_256 = tpu.memref_slice %arg4[%dma_wait3A_252, %dma_wait3A_254, %dma_wait3A_255] : memref<200x64x16384xf32, #tpu.memory_space<hbm>> -> memref<1x64x16384xf32, #tpu.memory_space<hbm>>
        %dma_wait3A_257 = tpu.memref_squeeze %dma_wait3A_256 : memref<1x64x16384xf32, #tpu.memory_space<hbm>> -> memref<64x16384xf32, #tpu.memory_space<hbm>>
        %dma_wait3A_258 = arith.constant 0 : i32
        %dma_wait3A_259 = arith.constant 0 : i32
        %dma_wait3A_260 = tpu.memref_slice %dma_wait3A_257[%dma_wait3A_258, %dma_wait3A_259] : memref<64x16384xf32, #tpu.memory_space<hbm>> -> memref<64x512xf32, #tpu.memory_space<hbm>>
        %dma_wait3A_261 = tpu.memref_slice %arg11[%dma_wait3A_253] : memref<2x!tpu.dma_semaphore, #tpu.memory_space<semaphore_mem>> -> memref<1x!tpu.dma_semaphore, #tpu.memory_space<semaphore_mem>>
        %dma_wait3A_262 = tpu.memref_squeeze %dma_wait3A_261 : memref<1x!tpu.dma_semaphore, #tpu.memory_space<semaphore_mem>> -> memref<!tpu.dma_semaphore, #tpu.memory_space<semaphore_mem>>
        %dma_wait3A_263 = arith.constant 0 : i32
        %dma_wait3A_264 = arith.constant 0 : i32
        %dma_wait3A_265 = tpu.memref_slice %arg4[%dma_wait3A_252, %dma_wait3A_263, %dma_wait3A_264] : memref<200x64x16384xf32, #tpu.memory_space<hbm>> -> memref<1x64x16384xf32, #tpu.memory_space<hbm>>
        %dma_wait3A_266 = tpu.memref_squeeze %dma_wait3A_265 : memref<1x64x16384xf32, #tpu.memory_space<hbm>> -> memref<64x16384xf32, #tpu.memory_space<hbm>>
        %dma_wait3A_267 = arith.constant 0 : i32
        %dma_wait3A_268 = arith.constant 0 : i32
        %dma_wait3A_269 = tpu.memref_slice %dma_wait3A_266[%dma_wait3A_267, %dma_wait3A_268] : memref<64x16384xf32, #tpu.memory_space<hbm>> -> memref<64x512xf32, #tpu.memory_space<hbm>>
        tpu.wait_dma2 semaphore(%dma_wait3A_262 : memref<!tpu.dma_semaphore, #tpu.memory_space<semaphore_mem>>) src(%arg8 : memref<64x512xf32, #tpu.memory_space<vmem>>) dst(%dma_wait3A_269 : memref<64x512xf32, #tpu.memory_space<hbm>>)
      } else {
      }
      %parallel_loop3A_183 = arith.constant 0 : i32
      %parallel_loop3A_184 = arith.constant 512 : i32
      %parallel_loop3A_185 = arith.constant 16 : i32
      scf.for %parallel_loop3A_252 = %parallel_loop3A_183 to %parallel_loop3A_184 step %parallel_loop3A_185  : i32 {
        %parallel_loop3A_253 = arith.index_cast %parallel_loop3A_252 : i32 to index
        %parallel_loop3A_254 = tpu.vector_load %arg6[%parallel_loop3A_253] {strides = array<i32>} : memref<512xi32, #tpu.memory_space<vmem>>, vector<16xi32>,
        %parallel_loop3A_255 = arith.constant 65 : i32
        %parallel_loop3A_256 = vector.broadcast %parallel_loop3A_255 : i32 to vector<16xi32>
        %parallel_loop3A_257 = arith.muli %parallel_loop3A_254, %parallel_loop3A_256 : vector<16xi32>
        %parallel_loop3A_258 = arith.constant 0 : i32
        %parallel_loop3A_259 = vector.broadcast %parallel_loop3A_258 : i32 to vector<16xi32>
        %parallel_loop3A_260 = arith.addi %parallel_loop3A_257, %parallel_loop3A_259 : vector<16xi32>
        %parallel_loop3A_261 = tpu.vector_load_idx %arg9[%parallel_loop3A_260] : memref<400xf32, #tpu.memory_space<vmem>>[vector<16xi32>], vector<16xf32>,
        %parallel_loop3A_262 = arith.constant 1 : i32
        %parallel_loop3A_263 = vector.broadcast %parallel_loop3A_262 : i32 to vector<16xi32>
        %parallel_loop3A_264 = arith.addi %parallel_loop3A_257, %parallel_loop3A_263 : vector<16xi32>
        %parallel_loop3A_265 = tpu.vector_load_idx %arg9[%parallel_loop3A_264] : memref<400xf32, #tpu.memory_space<vmem>>[vector<16xi32>], vector<16xf32>,
        %parallel_loop3A_266 = arith.constant 2 : i32
        %parallel_loop3A_267 = vector.broadcast %parallel_loop3A_266 : i32 to vector<16xi32>
        %parallel_loop3A_268 = arith.addi %parallel_loop3A_257, %parallel_loop3A_267 : vector<16xi32>
        %parallel_loop3A_269 = tpu.vector_load_idx %arg9[%parallel_loop3A_268] : memref<400xf32, #tpu.memory_space<vmem>>[vector<16xi32>], vector<16xf32>,
        %parallel_loop3A_270 = arith.constant 3 : i32
        %parallel_loop3A_271 = vector.broadcast %parallel_loop3A_270 : i32 to vector<16xi32>
        %parallel_loop3A_272 = arith.addi %parallel_loop3A_257, %parallel_loop3A_271 : vector<16xi32>
        %parallel_loop3A_273 = tpu.vector_load_idx %arg9[%parallel_loop3A_272] : memref<400xf32, #tpu.memory_space<vmem>>[vector<16xi32>], vector<16xf32>,
        %parallel_loop3A_274 = arith.constant 4 : i32
        %parallel_loop3A_275 = vector.broadcast %parallel_loop3A_274 : i32 to vector<16xi32>
        %parallel_loop3A_276 = arith.addi %parallel_loop3A_257, %parallel_loop3A_275 : vector<16xi32>
        %parallel_loop3A_277 = tpu.vector_load_idx %arg9[%parallel_loop3A_276] : memref<400xf32, #tpu.memory_space<vmem>>[vector<16xi32>], vector<16xf32>,
        %parallel_loop3A_278 = arith.constant 5 : i32
        %parallel_loop3A_279 = vector.broadcast %parallel_loop3A_278 : i32 to vector<16xi32>
        %parallel_loop3A_280 = arith.addi %parallel_loop3A_257, %parallel_loop3A_279 : vector<16xi32>
        %parallel_loop3A_281 = tpu.vector_load_idx %arg9[%parallel_loop3A_280] : memref<400xf32, #tpu.memory_space<vmem>>[vector<16xi32>], vector<16xf32>,
        %parallel_loop3A_282 = arith.constant 6 : i32
        %parallel_loop3A_283 = vector.broadcast %parallel_loop3A_282 : i32 to vector<16xi32>
        %parallel_loop3A_284 = arith.addi %parallel_loop3A_257, %parallel_loop3A_283 : vector<16xi32>
        %parallel_loop3A_285 = tpu.vector_load_idx %arg9[%parallel_loop3A_284] : memref<400xf32, #tpu.memory_space<vmem>>[vector<16xi32>], vector<16xf32>,
        %parallel_loop3A_286 = arith.constant 7 : i32
        %parallel_loop3A_287 = vector.broadcast %parallel_loop3A_286 : i32 to vector<16xi32>
        %parallel_loop3A_288 = arith.addi %parallel_loop3A_257, %parallel_loop3A_287 : vector<16xi32>
        %parallel_loop3A_289 = tpu.vector_load_idx %arg9[%parallel_loop3A_288] : memref<400xf32, #tpu.memory_space<vmem>>[vector<16xi32>], vector<16xf32>,
        %parallel_loop3A_290 = arith.constant 8 : i32
        %parallel_loop3A_291 = vector.broadcast %parallel_loop3A_290 : i32 to vector<16xi32>
        %parallel_loop3A_292 = arith.addi %parallel_loop3A_257, %parallel_loop3A_291 : vector<16xi32>
        %parallel_loop3A_293 = tpu.vector_load_idx %arg9[%parallel_loop3A_292] : memref<400xf32, #tpu.memory_space<vmem>>[vector<16xi32>], vector<16xf32>,
        %parallel_loop3A_294 = arith.constant 9 : i32
        %parallel_loop3A_295 = vector.broadcast %parallel_loop3A_294 : i32 to vector<16xi32>
        %parallel_loop3A_296 = arith.addi %parallel_loop3A_257, %parallel_loop3A_295 : vector<16xi32>
        %parallel_loop3A_297 = tpu.vector_load_idx %arg9[%parallel_loop3A_296] : memref<400xf32, #tpu.memory_space<vmem>>[vector<16xi32>], vector<16xf32>,
        %parallel_loop3A_298 = arith.constant 10 : i32
        %parallel_loop3A_299 = vector.broadcast %parallel_loop3A_298 : i32 to vector<16xi32>
        %parallel_loop3A_300 = arith.addi %parallel_loop3A_257, %parallel_loop3A_299 : vector<16xi32>
        %parallel_loop3A_301 = tpu.vector_load_idx %arg9[%parallel_loop3A_300] : memref<400xf32, #tpu.memory_space<vmem>>[vector<16xi32>], vector<16xf32>,
        %parallel_loop3A_302 = arith.constant 11 : i32
        %parallel_loop3A_303 = vector.broadcast %parallel_loop3A_302 : i32 to vector<16xi32>
        %parallel_loop3A_304 = arith.addi %parallel_loop3A_257, %parallel_loop3A_303 : vector<16xi32>
        %parallel_loop3A_305 = tpu.vector_load_idx %arg9[%parallel_loop3A_304] : memref<400xf32, #tpu.memory_space<vmem>>[vector<16xi32>], vector<16xf32>,
        %parallel_loop3A_306 = arith.constant 12 : i32
        %parallel_loop3A_307 = vector.broadcast %parallel_loop3A_306 : i32 to vector<16xi32>
        %parallel_loop3A_308 = arith.addi %parallel_loop3A_257, %parallel_loop3A_307 : vector<16xi32>
        %parallel_loop3A_309 = tpu.vector_load_idx %arg9[%parallel_loop3A_308] : memref<400xf32, #tpu.memory_space<vmem>>[vector<16xi32>], vector<16xf32>,
        %parallel_loop3A_310 = arith.constant 13 : i32
        %parallel_loop3A_311 = vector.broadcast %parallel_loop3A_310 : i32 to vector<16xi32>
        %parallel_loop3A_312 = arith.addi %parallel_loop3A_257, %parallel_loop3A_311 : vector<16xi32>
        %parallel_loop3A_313 = tpu.vector_load_idx %arg9[%parallel_loop3A_312] : memref<400xf32, #tpu.memory_space<vmem>>[vector<16xi32>], vector<16xf32>,
        %parallel_loop3A_314 = arith.constant 14 : i32
        %parallel_loop3A_315 = vector.broadcast %parallel_loop3A_314 : i32 to vector<16xi32>
        %parallel_loop3A_316 = arith.addi %parallel_loop3A_257, %parallel_loop3A_315 : vector<16xi32>
        %parallel_loop3A_317 = tpu.vector_load_idx %arg9[%parallel_loop3A_316] : memref<400xf32, #tpu.memory_space<vmem>>[vector<16xi32>], vector<16xf32>,
        %parallel_loop3A_318 = arith.constant 15 : i32
        %parallel_loop3A_319 = vector.broadcast %parallel_loop3A_318 : i32 to vector<16xi32>
        %parallel_loop3A_320 = arith.addi %parallel_loop3A_257, %parallel_loop3A_319 : vector<16xi32>
        %parallel_loop3A_321 = tpu.vector_load_idx %arg9[%parallel_loop3A_320] : memref<400xf32, #tpu.memory_space<vmem>>[vector<16xi32>], vector<16xf32>,
        %parallel_loop3A_322 = arith.constant 16 : i32
        %parallel_loop3A_323 = vector.broadcast %parallel_loop3A_322 : i32 to vector<16xi32>
        %parallel_loop3A_324 = arith.addi %parallel_loop3A_257, %parallel_loop3A_323 : vector<16xi32>
        %parallel_loop3A_325 = tpu.vector_load_idx %arg9[%parallel_loop3A_324] : memref<400xf32, #tpu.memory_space<vmem>>[vector<16xi32>], vector<16xf32>,
        %parallel_loop3A_326 = arith.constant 17 : i32
        %parallel_loop3A_327 = vector.broadcast %parallel_loop3A_326 : i32 to vector<16xi32>
        %parallel_loop3A_328 = arith.addi %parallel_loop3A_257, %parallel_loop3A_327 : vector<16xi32>
        %parallel_loop3A_329 = tpu.vector_load_idx %arg9[%parallel_loop3A_328] : memref<400xf32, #tpu.memory_space<vmem>>[vector<16xi32>], vector<16xf32>,
        %parallel_loop3A_330 = arith.constant 18 : i32
        %parallel_loop3A_331 = vector.broadcast %parallel_loop3A_330 : i32 to vector<16xi32>
        %parallel_loop3A_332 = arith.addi %parallel_loop3A_257, %parallel_loop3A_331 : vector<16xi32>
        %parallel_loop3A_333 = tpu.vector_load_idx %arg9[%parallel_loop3A_332] : memref<400xf32, #tpu.memory_space<vmem>>[vector<16xi32>], vector<16xf32>,
        %parallel_loop3A_334 = arith.constant 19 : i32
        %parallel_loop3A_335 = vector.broadcast %parallel_loop3A_334 : i32 to vector<16xi32>
        %parallel_loop3A_336 = arith.addi %parallel_loop3A_257, %parallel_loop3A_335 : vector<16xi32>
        %parallel_loop3A_337 = tpu.vector_load_idx %arg9[%parallel_loop3A_336] : memref<400xf32, #tpu.memory_space<vmem>>[vector<16xi32>], vector<16xf32>,
        %parallel_loop3A_338 = arith.constant 20 : i32
        %parallel_loop3A_339 = vector.broadcast %parallel_loop3A_338 : i32 to vector<16xi32>
        %parallel_loop3A_340 = arith.addi %parallel_loop3A_257, %parallel_loop3A_339 : vector<16xi32>
        %parallel_loop3A_341 = tpu.vector_load_idx %arg9[%parallel_loop3A_340] : memref<400xf32, #tpu.memory_space<vmem>>[vector<16xi32>], vector<16xf32>,
        %parallel_loop3A_342 = arith.constant 21 : i32
        %parallel_loop3A_343 = vector.broadcast %parallel_loop3A_342 : i32 to vector<16xi32>
        %parallel_loop3A_344 = arith.addi %parallel_loop3A_257, %parallel_loop3A_343 : vector<16xi32>
        %parallel_loop3A_345 = tpu.vector_load_idx %arg9[%parallel_loop3A_344] : memref<400xf32, #tpu.memory_space<vmem>>[vector<16xi32>], vector<16xf32>,
        %parallel_loop3A_346 = arith.constant 22 : i32
        %parallel_loop3A_347 = vector.broadcast %parallel_loop3A_346 : i32 to vector<16xi32>
        %parallel_loop3A_348 = arith.addi %parallel_loop3A_257, %parallel_loop3A_347 : vector<16xi32>
        %parallel_loop3A_349 = tpu.vector_load_idx %arg9[%parallel_loop3A_348] : memref<400xf32, #tpu.memory_space<vmem>>[vector<16xi32>], vector<16xf32>,
        %parallel_loop3A_350 = arith.constant 23 : i32
        %parallel_loop3A_351 = vector.broadcast %parallel_loop3A_350 : i32 to vector<16xi32>
        %parallel_loop3A_352 = arith.addi %parallel_loop3A_257, %parallel_loop3A_351 : vector<16xi32>
        %parallel_loop3A_353 = tpu.vector_load_idx %arg9[%parallel_loop3A_352] : memref<400xf32, #tpu.memory_space<vmem>>[vector<16xi32>], vector<16xf32>,
        %parallel_loop3A_354 = arith.constant 24 : i32
        %parallel_loop3A_355 = vector.broadcast %parallel_loop3A_354 : i32 to vector<16xi32>
        %parallel_loop3A_356 = arith.addi %parallel_loop3A_257, %parallel_loop3A_355 : vector<16xi32>
        %parallel_loop3A_357 = tpu.vector_load_idx %arg9[%parallel_loop3A_356] : memref<400xf32, #tpu.memory_space<vmem>>[vector<16xi32>], vector<16xf32>,
        %parallel_loop3A_358 = arith.constant 25 : i32
        %parallel_loop3A_359 = vector.broadcast %parallel_loop3A_358 : i32 to vector<16xi32>
        %parallel_loop3A_360 = arith.addi %parallel_loop3A_257, %parallel_loop3A_359 : vector<16xi32>
        %parallel_loop3A_361 = tpu.vector_load_idx %arg9[%parallel_loop3A_360] : memref<400xf32, #tpu.memory_space<vmem>>[vector<16xi32>], vector<16xf32>,
        %parallel_loop3A_362 = arith.constant 26 : i32
        %parallel_loop3A_363 = vector.broadcast %parallel_loop3A_362 : i32 to vector<16xi32>
        %parallel_loop3A_364 = arith.addi %parallel_loop3A_257, %parallel_loop3A_363 : vector<16xi32>
        %parallel_loop3A_365 = tpu.vector_load_idx %arg9[%parallel_loop3A_364] : memref<400xf32, #tpu.memory_space<vmem>>[vector<16xi32>], vector<16xf32>,
        %parallel_loop3A_366 = arith.constant 27 : i32
        %parallel_loop3A_367 = vector.broadcast %parallel_loop3A_366 : i32 to vector<16xi32>
        %parallel_loop3A_368 = arith.addi %parallel_loop3A_257, %parallel_loop3A_367 : vector<16xi32>
        %parallel_loop3A_369 = tpu.vector_load_idx %arg9[%parallel_loop3A_368] : memref<400xf32, #tpu.memory_space<vmem>>[vector<16xi32>], vector<16xf32>,
        %parallel_loop3A_370 = arith.constant 28 : i32
        %parallel_loop3A_371 = vector.broadcast %parallel_loop3A_370 : i32 to vector<16xi32>
        %parallel_loop3A_372 = arith.addi %parallel_loop3A_257, %parallel_loop3A_371 : vector<16xi32>
        %parallel_loop3A_373 = tpu.vector_load_idx %arg9[%parallel_loop3A_372] : memref<400xf32, #tpu.memory_space<vmem>>[vector<16xi32>], vector<16xf32>,
        %parallel_loop3A_374 = arith.constant 29 : i32
        %parallel_loop3A_375 = vector.broadcast %parallel_loop3A_374 : i32 to vector<16xi32>
        %parallel_loop3A_376 = arith.addi %parallel_loop3A_257, %parallel_loop3A_375 : vector<16xi32>
        %parallel_loop3A_377 = tpu.vector_load_idx %arg9[%parallel_loop3A_376] : memref<400xf32, #tpu.memory_space<vmem>>[vector<16xi32>], vector<16xf32>,
        %parallel_loop3A_378 = arith.constant 30 : i32
        %parallel_loop3A_379 = vector.broadcast %parallel_loop3A_378 : i32 to vector<16xi32>
        %parallel_loop3A_380 = arith.addi %parallel_loop3A_257, %parallel_loop3A_379 : vector<16xi32>
        %parallel_loop3A_381 = tpu.vector_load_idx %arg9[%parallel_loop3A_380] : memref<400xf32, #tpu.memory_space<vmem>>[vector<16xi32>], vector<16xf32>,
        %parallel_loop3A_382 = arith.constant 31 : i32
        %parallel_loop3A_383 = vector.broadcast %parallel_loop3A_382 : i32 to vector<16xi32>
        %parallel_loop3A_384 = arith.addi %parallel_loop3A_257, %parallel_loop3A_383 : vector<16xi32>
        %parallel_loop3A_385 = tpu.vector_load_idx %arg9[%parallel_loop3A_384] : memref<400xf32, #tpu.memory_space<vmem>>[vector<16xi32>], vector<16xf32>,
        %parallel_loop3A_386 = arith.constant 0 : i32
        %parallel_loop3A_387 = arith.index_cast %parallel_loop3A_386 : i32 to index
        %parallel_loop3A_388 = arith.index_cast %parallel_loop3A_252 : i32 to index
        %parallel_loop3A_389 = tpu.vector_load %arg8[%parallel_loop3A_387, %parallel_loop3A_388] {strides = array<i32>} : memref<64x512xf32, #tpu.memory_space<vmem>>, vector<16xf32>,
        tpu.vector_store %arg8[%parallel_loop3A_387, %parallel_loop3A_388], %parallel_loop3A_261 {strides = array<i32>} : memref<64x512xf32, #tpu.memory_space<vmem>>, vector<16xf32>,
        %parallel_loop3A_390 = arith.constant 1 : i32
        %parallel_loop3A_391 = arith.index_cast %parallel_loop3A_390 : i32 to index
        %parallel_loop3A_392 = arith.index_cast %parallel_loop3A_252 : i32 to index
        %parallel_loop3A_393 = tpu.vector_load %arg8[%parallel_loop3A_391, %parallel_loop3A_392] {strides = array<i32>} : memref<64x512xf32, #tpu.memory_space<vmem>>, vector<16xf32>,
        tpu.vector_store %arg8[%parallel_loop3A_391, %parallel_loop3A_392], %parallel_loop3A_265 {strides = array<i32>} : memref<64x512xf32, #tpu.memory_space<vmem>>, vector<16xf32>,
        %parallel_loop3A_394 = arith.constant 2 : i32
        %parallel_loop3A_395 = arith.index_cast %parallel_loop3A_394 : i32 to index
        %parallel_loop3A_396 = arith.index_cast %parallel_loop3A_252 : i32 to index
        %parallel_loop3A_397 = tpu.vector_load %arg8[%parallel_loop3A_395, %parallel_loop3A_396] {strides = array<i32>} : memref<64x512xf32, #tpu.memory_space<vmem>>, vector<16xf32>,
        tpu.vector_store %arg8[%parallel_loop3A_395, %parallel_loop3A_396], %parallel_loop3A_269 {strides = array<i32>} : memref<64x512xf32, #tpu.memory_space<vmem>>, vector<16xf32>,
        %parallel_loop3A_398 = arith.constant 3 : i32
        %parallel_loop3A_399 = arith.index_cast %parallel_loop3A_398 : i32 to index
        %parallel_loop3A_400 = arith.index_cast %parallel_loop3A_252 : i32 to index
        %parallel_loop3A_401 = tpu.vector_load %arg8[%parallel_loop3A_399, %parallel_loop3A_400] {strides = array<i32>} : memref<64x512xf32, #tpu.memory_space<vmem>>, vector<16xf32>,
        tpu.vector_store %arg8[%parallel_loop3A_399, %parallel_loop3A_400], %parallel_loop3A_273 {strides = array<i32>} : memref<64x512xf32, #tpu.memory_space<vmem>>, vector<16xf32>,
        %parallel_loop3A_402 = arith.constant 4 : i32
        %parallel_loop3A_403 = arith.index_cast %parallel_loop3A_402 : i32 to index
        %parallel_loop3A_404 = arith.index_cast %parallel_loop3A_252 : i32 to index
        %parallel_loop3A_405 = tpu.vector_load %arg8[%parallel_loop3A_403, %parallel_loop3A_404] {strides = array<i32>} : memref<64x512xf32, #tpu.memory_space<vmem>>, vector<16xf32>,
        tpu.vector_store %arg8[%parallel_loop3A_403, %parallel_loop3A_404], %parallel_loop3A_277 {strides = array<i32>} : memref<64x512xf32, #tpu.memory_space<vmem>>, vector<16xf32>,
        %parallel_loop3A_406 = arith.constant 5 : i32
        %parallel_loop3A_407 = arith.index_cast %parallel_loop3A_406 : i32 to index
        %parallel_loop3A_408 = arith.index_cast %parallel_loop3A_252 : i32 to index
        %parallel_loop3A_409 = tpu.vector_load %arg8[%parallel_loop3A_407, %parallel_loop3A_408] {strides = array<i32>} : memref<64x512xf32, #tpu.memory_space<vmem>>, vector<16xf32>,
        tpu.vector_store %arg8[%parallel_loop3A_407, %parallel_loop3A_408], %parallel_loop3A_281 {strides = array<i32>} : memref<64x512xf32, #tpu.memory_space<vmem>>, vector<16xf32>,
        %parallel_loop3A_410 = arith.constant 6 : i32
        %parallel_loop3A_411 = arith.index_cast %parallel_loop3A_410 : i32 to index
        %parallel_loop3A_412 = arith.index_cast %parallel_loop3A_252 : i32 to index
        %parallel_loop3A_413 = tpu.vector_load %arg8[%parallel_loop3A_411, %parallel_loop3A_412] {strides = array<i32>} : memref<64x512xf32, #tpu.memory_space<vmem>>, vector<16xf32>,
        tpu.vector_store %arg8[%parallel_loop3A_411, %parallel_loop3A_412], %parallel_loop3A_285 {strides = array<i32>} : memref<64x512xf32, #tpu.memory_space<vmem>>, vector<16xf32>,
        %parallel_loop3A_414 = arith.constant 7 : i32
        %parallel_loop3A_415 = arith.index_cast %parallel_loop3A_414 : i32 to index
        %parallel_loop3A_416 = arith.index_cast %parallel_loop3A_252 : i32 to index
        %parallel_loop3A_417 = tpu.vector_load %arg8[%parallel_loop3A_415, %parallel_loop3A_416] {strides = array<i32>} : memref<64x512xf32, #tpu.memory_space<vmem>>, vector<16xf32>,
        tpu.vector_store %arg8[%parallel_loop3A_415, %parallel_loop3A_416], %parallel_loop3A_289 {strides = array<i32>} : memref<64x512xf32, #tpu.memory_space<vmem>>, vector<16xf32>,
        %parallel_loop3A_418 = arith.constant 8 : i32
        %parallel_loop3A_419 = arith.index_cast %parallel_loop3A_418 : i32 to index
        %parallel_loop3A_420 = arith.index_cast %parallel_loop3A_252 : i32 to index
        %parallel_loop3A_421 = tpu.vector_load %arg8[%parallel_loop3A_419, %parallel_loop3A_420] {strides = array<i32>} : memref<64x512xf32, #tpu.memory_space<vmem>>, vector<16xf32>,
        tpu.vector_store %arg8[%parallel_loop3A_419, %parallel_loop3A_420], %parallel_loop3A_293 {strides = array<i32>} : memref<64x512xf32, #tpu.memory_space<vmem>>, vector<16xf32>,
        %parallel_loop3A_422 = arith.constant 9 : i32
        %parallel_loop3A_423 = arith.index_cast %parallel_loop3A_422 : i32 to index
        %parallel_loop3A_424 = arith.index_cast %parallel_loop3A_252 : i32 to index
        %parallel_loop3A_425 = tpu.vector_load %arg8[%parallel_loop3A_423, %parallel_loop3A_424] {strides = array<i32>} : memref<64x512xf32, #tpu.memory_space<vmem>>, vector<16xf32>,
        tpu.vector_store %arg8[%parallel_loop3A_423, %parallel_loop3A_424], %parallel_loop3A_297 {strides = array<i32>} : memref<64x512xf32, #tpu.memory_space<vmem>>, vector<16xf32>,
        %parallel_loop3A_426 = arith.constant 10 : i32
        %parallel_loop3A_427 = arith.index_cast %parallel_loop3A_426 : i32 to index
        %parallel_loop3A_428 = arith.index_cast %parallel_loop3A_252 : i32 to index
        %parallel_loop3A_429 = tpu.vector_load %arg8[%parallel_loop3A_427, %parallel_loop3A_428] {strides = array<i32>} : memref<64x512xf32, #tpu.memory_space<vmem>>, vector<16xf32>,
        tpu.vector_store %arg8[%parallel_loop3A_427, %parallel_loop3A_428], %parallel_loop3A_301 {strides = array<i32>} : memref<64x512xf32, #tpu.memory_space<vmem>>, vector<16xf32>,
        %parallel_loop3A_430 = arith.constant 11 : i32
        %parallel_loop3A_431 = arith.index_cast %parallel_loop3A_430 : i32 to index
        %parallel_loop3A_432 = arith.index_cast %parallel_loop3A_252 : i32 to index
        %parallel_loop3A_433 = tpu.vector_load %arg8[%parallel_loop3A_431, %parallel_loop3A_432] {strides = array<i32>} : memref<64x512xf32, #tpu.memory_space<vmem>>, vector<16xf32>,
        tpu.vector_store %arg8[%parallel_loop3A_431, %parallel_loop3A_432], %parallel_loop3A_305 {strides = array<i32>} : memref<64x512xf32, #tpu.memory_space<vmem>>, vector<16xf32>,
        %parallel_loop3A_434 = arith.constant 12 : i32
        %parallel_loop3A_435 = arith.index_cast %parallel_loop3A_434 : i32 to index
        %parallel_loop3A_436 = arith.index_cast %parallel_loop3A_252 : i32 to index
        %parallel_loop3A_437 = tpu.vector_load %arg8[%parallel_loop3A_435, %parallel_loop3A_436] {strides = array<i32>} : memref<64x512xf32, #tpu.memory_space<vmem>>, vector<16xf32>,
        tpu.vector_store %arg8[%parallel_loop3A_435, %parallel_loop3A_436], %parallel_loop3A_309 {strides = array<i32>} : memref<64x512xf32, #tpu.memory_space<vmem>>, vector<16xf32>,
        %parallel_loop3A_438 = arith.constant 13 : i32
        %parallel_loop3A_439 = arith.index_cast %parallel_loop3A_438 : i32 to index
        %parallel_loop3A_440 = arith.index_cast %parallel_loop3A_252 : i32 to index
        %parallel_loop3A_441 = tpu.vector_load %arg8[%parallel_loop3A_439, %parallel_loop3A_440] {strides = array<i32>} : memref<64x512xf32, #tpu.memory_space<vmem>>, vector<16xf32>,
        tpu.vector_store %arg8[%parallel_loop3A_439, %parallel_loop3A_440], %parallel_loop3A_313 {strides = array<i32>} : memref<64x512xf32, #tpu.memory_space<vmem>>, vector<16xf32>,
        %parallel_loop3A_442 = arith.constant 14 : i32
        %parallel_loop3A_443 = arith.index_cast %parallel_loop3A_442 : i32 to index
        %parallel_loop3A_444 = arith.index_cast %parallel_loop3A_252 : i32 to index
        %parallel_loop3A_445 = tpu.vector_load %arg8[%parallel_loop3A_443, %parallel_loop3A_444] {strides = array<i32>} : memref<64x512xf32, #tpu.memory_space<vmem>>, vector<16xf32>,
        tpu.vector_store %arg8[%parallel_loop3A_443, %parallel_loop3A_444], %parallel_loop3A_317 {strides = array<i32>} : memref<64x512xf32, #tpu.memory_space<vmem>>, vector<16xf32>,
        %parallel_loop3A_446 = arith.constant 15 : i32
        %parallel_loop3A_447 = arith.index_cast %parallel_loop3A_446 : i32 to index
        %parallel_loop3A_448 = arith.index_cast %parallel_loop3A_252 : i32 to index
        %parallel_loop3A_449 = tpu.vector_load %arg8[%parallel_loop3A_447, %parallel_loop3A_448] {strides = array<i32>} : memref<64x512xf32, #tpu.memory_space<vmem>>, vector<16xf32>,
        tpu.vector_store %arg8[%parallel_loop3A_447, %parallel_loop3A_448], %parallel_loop3A_321 {strides = array<i32>} : memref<64x512xf32, #tpu.memory_space<vmem>>, vector<16xf32>,
        %parallel_loop3A_450 = arith.constant 16 : i32
        %parallel_loop3A_451 = arith.index_cast %parallel_loop3A_450 : i32 to index
        %parallel_loop3A_452 = arith.index_cast %parallel_loop3A_252 : i32 to index
        %parallel_loop3A_453 = tpu.vector_load %arg8[%parallel_loop3A_451, %parallel_loop3A_452] {strides = array<i32>} : memref<64x512xf32, #tpu.memory_space<vmem>>, vector<16xf32>,
        tpu.vector_store %arg8[%parallel_loop3A_451, %parallel_loop3A_452], %parallel_loop3A_325 {strides = array<i32>} : memref<64x512xf32, #tpu.memory_space<vmem>>, vector<16xf32>,
        %parallel_loop3A_454 = arith.constant 17 : i32
        %parallel_loop3A_455 = arith.index_cast %parallel_loop3A_454 : i32 to index
        %parallel_loop3A_456 = arith.index_cast %parallel_loop3A_252 : i32 to index
        %parallel_loop3A_457 = tpu.vector_load %arg8[%parallel_loop3A_455, %parallel_loop3A_456] {strides = array<i32>} : memref<64x512xf32, #tpu.memory_space<vmem>>, vector<16xf32>,
        tpu.vector_store %arg8[%parallel_loop3A_455, %parallel_loop3A_456], %parallel_loop3A_329 {strides = array<i32>} : memref<64x512xf32, #tpu.memory_space<vmem>>, vector<16xf32>,
        %parallel_loop3A_458 = arith.constant 18 : i32
        %parallel_loop3A_459 = arith.index_cast %parallel_loop3A_458 : i32 to index
        %parallel_loop3A_460 = arith.index_cast %parallel_loop3A_252 : i32 to index
        %parallel_loop3A_461 = tpu.vector_load %arg8[%parallel_loop3A_459, %parallel_loop3A_460] {strides = array<i32>} : memref<64x512xf32, #tpu.memory_space<vmem>>, vector<16xf32>,
        tpu.vector_store %arg8[%parallel_loop3A_459, %parallel_loop3A_460], %parallel_loop3A_333 {strides = array<i32>} : memref<64x512xf32, #tpu.memory_space<vmem>>, vector<16xf32>,
        %parallel_loop3A_462 = arith.constant 19 : i32
        %parallel_loop3A_463 = arith.index_cast %parallel_loop3A_462 : i32 to index
        %parallel_loop3A_464 = arith.index_cast %parallel_loop3A_252 : i32 to index
        %parallel_loop3A_465 = tpu.vector_load %arg8[%parallel_loop3A_463, %parallel_loop3A_464] {strides = array<i32>} : memref<64x512xf32, #tpu.memory_space<vmem>>, vector<16xf32>,
        tpu.vector_store %arg8[%parallel_loop3A_463, %parallel_loop3A_464], %parallel_loop3A_337 {strides = array<i32>} : memref<64x512xf32, #tpu.memory_space<vmem>>, vector<16xf32>,
        %parallel_loop3A_466 = arith.constant 20 : i32
        %parallel_loop3A_467 = arith.index_cast %parallel_loop3A_466 : i32 to index
        %parallel_loop3A_468 = arith.index_cast %parallel_loop3A_252 : i32 to index
        %parallel_loop3A_469 = tpu.vector_load %arg8[%parallel_loop3A_467, %parallel_loop3A_468] {strides = array<i32>} : memref<64x512xf32, #tpu.memory_space<vmem>>, vector<16xf32>,
        tpu.vector_store %arg8[%parallel_loop3A_467, %parallel_loop3A_468], %parallel_loop3A_341 {strides = array<i32>} : memref<64x512xf32, #tpu.memory_space<vmem>>, vector<16xf32>,
        %parallel_loop3A_470 = arith.constant 21 : i32
        %parallel_loop3A_471 = arith.index_cast %parallel_loop3A_470 : i32 to index
        %parallel_loop3A_472 = arith.index_cast %parallel_loop3A_252 : i32 to index
        %parallel_loop3A_473 = tpu.vector_load %arg8[%parallel_loop3A_471, %parallel_loop3A_472] {strides = array<i32>} : memref<64x512xf32, #tpu.memory_space<vmem>>, vector<16xf32>,
        tpu.vector_store %arg8[%parallel_loop3A_471, %parallel_loop3A_472], %parallel_loop3A_345 {strides = array<i32>} : memref<64x512xf32, #tpu.memory_space<vmem>>, vector<16xf32>,
        %parallel_loop3A_474 = arith.constant 22 : i32
        %parallel_loop3A_475 = arith.index_cast %parallel_loop3A_474 : i32 to index
        %parallel_loop3A_476 = arith.index_cast %parallel_loop3A_252 : i32 to index
        %parallel_loop3A_477 = tpu.vector_load %arg8[%parallel_loop3A_475, %parallel_loop3A_476] {strides = array<i32>} : memref<64x512xf32, #tpu.memory_space<vmem>>, vector<16xf32>,
        tpu.vector_store %arg8[%parallel_loop3A_475, %parallel_loop3A_476], %parallel_loop3A_349 {strides = array<i32>} : memref<64x512xf32, #tpu.memory_space<vmem>>, vector<16xf32>,
        %parallel_loop3A_478 = arith.constant 23 : i32
        %parallel_loop3A_479 = arith.index_cast %parallel_loop3A_478 : i32 to index
        %parallel_loop3A_480 = arith.index_cast %parallel_loop3A_252 : i32 to index
        %parallel_loop3A_481 = tpu.vector_load %arg8[%parallel_loop3A_479, %parallel_loop3A_480] {strides = array<i32>} : memref<64x512xf32, #tpu.memory_space<vmem>>, vector<16xf32>,
        tpu.vector_store %arg8[%parallel_loop3A_479, %parallel_loop3A_480], %parallel_loop3A_353 {strides = array<i32>} : memref<64x512xf32, #tpu.memory_space<vmem>>, vector<16xf32>,
        %parallel_loop3A_482 = arith.constant 24 : i32
        %parallel_loop3A_483 = arith.index_cast %parallel_loop3A_482 : i32 to index
        %parallel_loop3A_484 = arith.index_cast %parallel_loop3A_252 : i32 to index
        %parallel_loop3A_485 = tpu.vector_load %arg8[%parallel_loop3A_483, %parallel_loop3A_484] {strides = array<i32>} : memref<64x512xf32, #tpu.memory_space<vmem>>, vector<16xf32>,
        tpu.vector_store %arg8[%parallel_loop3A_483, %parallel_loop3A_484], %parallel_loop3A_357 {strides = array<i32>} : memref<64x512xf32, #tpu.memory_space<vmem>>, vector<16xf32>,
        %parallel_loop3A_486 = arith.constant 25 : i32
        %parallel_loop3A_487 = arith.index_cast %parallel_loop3A_486 : i32 to index
        %parallel_loop3A_488 = arith.index_cast %parallel_loop3A_252 : i32 to index
        %parallel_loop3A_489 = tpu.vector_load %arg8[%parallel_loop3A_487, %parallel_loop3A_488] {strides = array<i32>} : memref<64x512xf32, #tpu.memory_space<vmem>>, vector<16xf32>,
        tpu.vector_store %arg8[%parallel_loop3A_487, %parallel_loop3A_488], %parallel_loop3A_361 {strides = array<i32>} : memref<64x512xf32, #tpu.memory_space<vmem>>, vector<16xf32>,
        %parallel_loop3A_490 = arith.constant 26 : i32
        %parallel_loop3A_491 = arith.index_cast %parallel_loop3A_490 : i32 to index
        %parallel_loop3A_492 = arith.index_cast %parallel_loop3A_252 : i32 to index
        %parallel_loop3A_493 = tpu.vector_load %arg8[%parallel_loop3A_491, %parallel_loop3A_492] {strides = array<i32>} : memref<64x512xf32, #tpu.memory_space<vmem>>, vector<16xf32>,
        tpu.vector_store %arg8[%parallel_loop3A_491, %parallel_loop3A_492], %parallel_loop3A_365 {strides = array<i32>} : memref<64x512xf32, #tpu.memory_space<vmem>>, vector<16xf32>,
        %parallel_loop3A_494 = arith.constant 27 : i32
        %parallel_loop3A_495 = arith.index_cast %parallel_loop3A_494 : i32 to index
        %parallel_loop3A_496 = arith.index_cast %parallel_loop3A_252 : i32 to index
        %parallel_loop3A_497 = tpu.vector_load %arg8[%parallel_loop3A_495, %parallel_loop3A_496] {strides = array<i32>} : memref<64x512xf32, #tpu.memory_space<vmem>>, vector<16xf32>,
        tpu.vector_store %arg8[%parallel_loop3A_495, %parallel_loop3A_496], %parallel_loop3A_369 {strides = array<i32>} : memref<64x512xf32, #tpu.memory_space<vmem>>, vector<16xf32>,
        %parallel_loop3A_498 = arith.constant 28 : i32
        %parallel_loop3A_499 = arith.index_cast %parallel_loop3A_498 : i32 to index
        %parallel_loop3A_500 = arith.index_cast %parallel_loop3A_252 : i32 to index
        %parallel_loop3A_501 = tpu.vector_load %arg8[%parallel_loop3A_499, %parallel_loop3A_500] {strides = array<i32>} : memref<64x512xf32, #tpu.memory_space<vmem>>, vector<16xf32>,
        tpu.vector_store %arg8[%parallel_loop3A_499, %parallel_loop3A_500], %parallel_loop3A_373 {strides = array<i32>} : memref<64x512xf32, #tpu.memory_space<vmem>>, vector<16xf32>,
        %parallel_loop3A_502 = arith.constant 29 : i32
        %parallel_loop3A_503 = arith.index_cast %parallel_loop3A_502 : i32 to index
        %parallel_loop3A_504 = arith.index_cast %parallel_loop3A_252 : i32 to index
        %parallel_loop3A_505 = tpu.vector_load %arg8[%parallel_loop3A_503, %parallel_loop3A_504] {strides = array<i32>} : memref<64x512xf32, #tpu.memory_space<vmem>>, vector<16xf32>,
        tpu.vector_store %arg8[%parallel_loop3A_503, %parallel_loop3A_504], %parallel_loop3A_377 {strides = array<i32>} : memref<64x512xf32, #tpu.memory_space<vmem>>, vector<16xf32>,
        %parallel_loop3A_506 = arith.constant 30 : i32
        %parallel_loop3A_507 = arith.index_cast %parallel_loop3A_506 : i32 to index
        %parallel_loop3A_508 = arith.index_cast %parallel_loop3A_252 : i32 to index
        %parallel_loop3A_509 = tpu.vector_load %arg8[%parallel_loop3A_507, %parallel_loop3A_508] {strides = array<i32>} : memref<64x512xf32, #tpu.memory_space<vmem>>, vector<16xf32>,
        tpu.vector_store %arg8[%parallel_loop3A_507, %parallel_loop3A_508], %parallel_loop3A_381 {strides = array<i32>} : memref<64x512xf32, #tpu.memory_space<vmem>>, vector<16xf32>,
        %parallel_loop3A_510 = arith.constant 31 : i32
        %parallel_loop3A_511 = arith.index_cast %parallel_loop3A_510 : i32 to index
        %parallel_loop3A_512 = arith.index_cast %parallel_loop3A_252 : i32 to index
        %parallel_loop3A_513 = tpu.vector_load %arg8[%parallel_loop3A_511, %parallel_loop3A_512] {strides = array<i32>} : memref<64x512xf32, #tpu.memory_space<vmem>>, vector<16xf32>,
        tpu.vector_store %arg8[%parallel_loop3A_511, %parallel_loop3A_512], %parallel_loop3A_385 {strides = array<i32>} : memref<64x512xf32, #tpu.memory_space<vmem>>, vector<16xf32>,
        %parallel_loop3A_514 = arith.constant 32 : i32
        %parallel_loop3A_515 = vector.broadcast %parallel_loop3A_514 : i32 to vector<16xi32>
        %parallel_loop3A_516 = arith.addi %parallel_loop3A_257, %parallel_loop3A_515 : vector<16xi32>
        %parallel_loop3A_517 = tpu.vector_load_idx %arg9[%parallel_loop3A_516] : memref<400xf32, #tpu.memory_space<vmem>>[vector<16xi32>], vector<16xf32>,
        %parallel_loop3A_518 = arith.constant 33 : i32
        %parallel_loop3A_519 = vector.broadcast %parallel_loop3A_518 : i32 to vector<16xi32>
        %parallel_loop3A_520 = arith.addi %parallel_loop3A_257, %parallel_loop3A_519 : vector<16xi32>
        %parallel_loop3A_521 = tpu.vector_load_idx %arg9[%parallel_loop3A_520] : memref<400xf32, #tpu.memory_space<vmem>>[vector<16xi32>], vector<16xf32>,
        %parallel_loop3A_522 = arith.constant 34 : i32
        %parallel_loop3A_523 = vector.broadcast %parallel_loop3A_522 : i32 to vector<16xi32>
        %parallel_loop3A_524 = arith.addi %parallel_loop3A_257, %parallel_loop3A_523 : vector<16xi32>
        %parallel_loop3A_525 = tpu.vector_load_idx %arg9[%parallel_loop3A_524] : memref<400xf32, #tpu.memory_space<vmem>>[vector<16xi32>], vector<16xf32>,
        %parallel_loop3A_526 = arith.constant 35 : i32
        %parallel_loop3A_527 = vector.broadcast %parallel_loop3A_526 : i32 to vector<16xi32>
        %parallel_loop3A_528 = arith.addi %parallel_loop3A_257, %parallel_loop3A_527 : vector<16xi32>
        %parallel_loop3A_529 = tpu.vector_load_idx %arg9[%parallel_loop3A_528] : memref<400xf32, #tpu.memory_space<vmem>>[vector<16xi32>], vector<16xf32>,
        %parallel_loop3A_530 = arith.constant 36 : i32
        %parallel_loop3A_531 = vector.broadcast %parallel_loop3A_530 : i32 to vector<16xi32>
        %parallel_loop3A_532 = arith.addi %parallel_loop3A_257, %parallel_loop3A_531 : vector<16xi32>
        %parallel_loop3A_533 = tpu.vector_load_idx %arg9[%parallel_loop3A_532] : memref<400xf32, #tpu.memory_space<vmem>>[vector<16xi32>], vector<16xf32>,
        %parallel_loop3A_534 = arith.constant 37 : i32
        %parallel_loop3A_535 = vector.broadcast %parallel_loop3A_534 : i32 to vector<16xi32>
        %parallel_loop3A_536 = arith.addi %parallel_loop3A_257, %parallel_loop3A_535 : vector<16xi32>
        %parallel_loop3A_537 = tpu.vector_load_idx %arg9[%parallel_loop3A_536] : memref<400xf32, #tpu.memory_space<vmem>>[vector<16xi32>], vector<16xf32>,
        %parallel_loop3A_538 = arith.constant 38 : i32
        %parallel_loop3A_539 = vector.broadcast %parallel_loop3A_538 : i32 to vector<16xi32>
        %parallel_loop3A_540 = arith.addi %parallel_loop3A_257, %parallel_loop3A_539 : vector<16xi32>
        %parallel_loop3A_541 = tpu.vector_load_idx %arg9[%parallel_loop3A_540] : memref<400xf32, #tpu.memory_space<vmem>>[vector<16xi32>], vector<16xf32>,
        %parallel_loop3A_542 = arith.constant 39 : i32
        %parallel_loop3A_543 = vector.broadcast %parallel_loop3A_542 : i32 to vector<16xi32>
        %parallel_loop3A_544 = arith.addi %parallel_loop3A_257, %parallel_loop3A_543 : vector<16xi32>
        %parallel_loop3A_545 = tpu.vector_load_idx %arg9[%parallel_loop3A_544] : memref<400xf32, #tpu.memory_space<vmem>>[vector<16xi32>], vector<16xf32>,
        %parallel_loop3A_546 = arith.constant 40 : i32
        %parallel_loop3A_547 = vector.broadcast %parallel_loop3A_546 : i32 to vector<16xi32>
        %parallel_loop3A_548 = arith.addi %parallel_loop3A_257, %parallel_loop3A_547 : vector<16xi32>
        %parallel_loop3A_549 = tpu.vector_load_idx %arg9[%parallel_loop3A_548] : memref<400xf32, #tpu.memory_space<vmem>>[vector<16xi32>], vector<16xf32>,
        %parallel_loop3A_550 = arith.constant 41 : i32
        %parallel_loop3A_551 = vector.broadcast %parallel_loop3A_550 : i32 to vector<16xi32>
        %parallel_loop3A_552 = arith.addi %parallel_loop3A_257, %parallel_loop3A_551 : vector<16xi32>
        %parallel_loop3A_553 = tpu.vector_load_idx %arg9[%parallel_loop3A_552] : memref<400xf32, #tpu.memory_space<vmem>>[vector<16xi32>], vector<16xf32>,
        %parallel_loop3A_554 = arith.constant 42 : i32
        %parallel_loop3A_555 = vector.broadcast %parallel_loop3A_554 : i32 to vector<16xi32>
        %parallel_loop3A_556 = arith.addi %parallel_loop3A_257, %parallel_loop3A_555 : vector<16xi32>
        %parallel_loop3A_557 = tpu.vector_load_idx %arg9[%parallel_loop3A_556] : memref<400xf32, #tpu.memory_space<vmem>>[vector<16xi32>], vector<16xf32>,
        %parallel_loop3A_558 = arith.constant 43 : i32
        %parallel_loop3A_559 = vector.broadcast %parallel_loop3A_558 : i32 to vector<16xi32>
        %parallel_loop3A_560 = arith.addi %parallel_loop3A_257, %parallel_loop3A_559 : vector<16xi32>
        %parallel_loop3A_561 = tpu.vector_load_idx %arg9[%parallel_loop3A_560] : memref<400xf32, #tpu.memory_space<vmem>>[vector<16xi32>], vector<16xf32>,
        %parallel_loop3A_562 = arith.constant 44 : i32
        %parallel_loop3A_563 = vector.broadcast %parallel_loop3A_562 : i32 to vector<16xi32>
        %parallel_loop3A_564 = arith.addi %parallel_loop3A_257, %parallel_loop3A_563 : vector<16xi32>
        %parallel_loop3A_565 = tpu.vector_load_idx %arg9[%parallel_loop3A_564] : memref<400xf32, #tpu.memory_space<vmem>>[vector<16xi32>], vector<16xf32>,
        %parallel_loop3A_566 = arith.constant 45 : i32
        %parallel_loop3A_567 = vector.broadcast %parallel_loop3A_566 : i32 to vector<16xi32>
        %parallel_loop3A_568 = arith.addi %parallel_loop3A_257, %parallel_loop3A_567 : vector<16xi32>
        %parallel_loop3A_569 = tpu.vector_load_idx %arg9[%parallel_loop3A_568] : memref<400xf32, #tpu.memory_space<vmem>>[vector<16xi32>], vector<16xf32>,
        %parallel_loop3A_570 = arith.constant 46 : i32
        %parallel_loop3A_571 = vector.broadcast %parallel_loop3A_570 : i32 to vector<16xi32>
        %parallel_loop3A_572 = arith.addi %parallel_loop3A_257, %parallel_loop3A_571 : vector<16xi32>
        %parallel_loop3A_573 = tpu.vector_load_idx %arg9[%parallel_loop3A_572] : memref<400xf32, #tpu.memory_space<vmem>>[vector<16xi32>], vector<16xf32>,
        %parallel_loop3A_574 = arith.constant 47 : i32
        %parallel_loop3A_575 = vector.broadcast %parallel_loop3A_574 : i32 to vector<16xi32>
        %parallel_loop3A_576 = arith.addi %parallel_loop3A_257, %parallel_loop3A_575 : vector<16xi32>
        %parallel_loop3A_577 = tpu.vector_load_idx %arg9[%parallel_loop3A_576] : memref<400xf32, #tpu.memory_space<vmem>>[vector<16xi32>], vector<16xf32>,
        %parallel_loop3A_578 = arith.constant 48 : i32
        %parallel_loop3A_579 = vector.broadcast %parallel_loop3A_578 : i32 to vector<16xi32>
        %parallel_loop3A_580 = arith.addi %parallel_loop3A_257, %parallel_loop3A_579 : vector<16xi32>
        %parallel_loop3A_581 = tpu.vector_load_idx %arg9[%parallel_loop3A_580] : memref<400xf32, #tpu.memory_space<vmem>>[vector<16xi32>], vector<16xf32>,
        %parallel_loop3A_582 = arith.constant 49 : i32
        %parallel_loop3A_583 = vector.broadcast %parallel_loop3A_582 : i32 to vector<16xi32>
        %parallel_loop3A_584 = arith.addi %parallel_loop3A_257, %parallel_loop3A_583 : vector<16xi32>
        %parallel_loop3A_585 = tpu.vector_load_idx %arg9[%parallel_loop3A_584] : memref<400xf32, #tpu.memory_space<vmem>>[vector<16xi32>], vector<16xf32>,
        %parallel_loop3A_586 = arith.constant 50 : i32
        %parallel_loop3A_587 = vector.broadcast %parallel_loop3A_586 : i32 to vector<16xi32>
        %parallel_loop3A_588 = arith.addi %parallel_loop3A_257, %parallel_loop3A_587 : vector<16xi32>
        %parallel_loop3A_589 = tpu.vector_load_idx %arg9[%parallel_loop3A_588] : memref<400xf32, #tpu.memory_space<vmem>>[vector<16xi32>], vector<16xf32>,
        %parallel_loop3A_590 = arith.constant 51 : i32
        %parallel_loop3A_591 = vector.broadcast %parallel_loop3A_590 : i32 to vector<16xi32>
        %parallel_loop3A_592 = arith.addi %parallel_loop3A_257, %parallel_loop3A_591 : vector<16xi32>
        %parallel_loop3A_593 = tpu.vector_load_idx %arg9[%parallel_loop3A_592] : memref<400xf32, #tpu.memory_space<vmem>>[vector<16xi32>], vector<16xf32>,
        %parallel_loop3A_594 = arith.constant 52 : i32
        %parallel_loop3A_595 = vector.broadcast %parallel_loop3A_594 : i32 to vector<16xi32>
        %parallel_loop3A_596 = arith.addi %parallel_loop3A_257, %parallel_loop3A_595 : vector<16xi32>
        %parallel_loop3A_597 = tpu.vector_load_idx %arg9[%parallel_loop3A_596] : memref<400xf32, #tpu.memory_space<vmem>>[vector<16xi32>], vector<16xf32>,
        %parallel_loop3A_598 = arith.constant 53 : i32
        %parallel_loop3A_599 = vector.broadcast %parallel_loop3A_598 : i32 to vector<16xi32>
        %parallel_loop3A_600 = arith.addi %parallel_loop3A_257, %parallel_loop3A_599 : vector<16xi32>
        %parallel_loop3A_601 = tpu.vector_load_idx %arg9[%parallel_loop3A_600] : memref<400xf32, #tpu.memory_space<vmem>>[vector<16xi32>], vector<16xf32>,
        %parallel_loop3A_602 = arith.constant 54 : i32
        %parallel_loop3A_603 = vector.broadcast %parallel_loop3A_602 : i32 to vector<16xi32>
        %parallel_loop3A_604 = arith.addi %parallel_loop3A_257, %parallel_loop3A_603 : vector<16xi32>
        %parallel_loop3A_605 = tpu.vector_load_idx %arg9[%parallel_loop3A_604] : memref<400xf32, #tpu.memory_space<vmem>>[vector<16xi32>], vector<16xf32>,
        %parallel_loop3A_606 = arith.constant 55 : i32
        %parallel_loop3A_607 = vector.broadcast %parallel_loop3A_606 : i32 to vector<16xi32>
        %parallel_loop3A_608 = arith.addi %parallel_loop3A_257, %parallel_loop3A_607 : vector<16xi32>
        %parallel_loop3A_609 = tpu.vector_load_idx %arg9[%parallel_loop3A_608] : memref<400xf32, #tpu.memory_space<vmem>>[vector<16xi32>], vector<16xf32>,
        %parallel_loop3A_610 = arith.constant 56 : i32
        %parallel_loop3A_611 = vector.broadcast %parallel_loop3A_610 : i32 to vector<16xi32>
        %parallel_loop3A_612 = arith.addi %parallel_loop3A_257, %parallel_loop3A_611 : vector<16xi32>
        %parallel_loop3A_613 = tpu.vector_load_idx %arg9[%parallel_loop3A_612] : memref<400xf32, #tpu.memory_space<vmem>>[vector<16xi32>], vector<16xf32>,
        %parallel_loop3A_614 = arith.constant 57 : i32
        %parallel_loop3A_615 = vector.broadcast %parallel_loop3A_614 : i32 to vector<16xi32>
        %parallel_loop3A_616 = arith.addi %parallel_loop3A_257, %parallel_loop3A_615 : vector<16xi32>
        %parallel_loop3A_617 = tpu.vector_load_idx %arg9[%parallel_loop3A_616] : memref<400xf32, #tpu.memory_space<vmem>>[vector<16xi32>], vector<16xf32>,
        %parallel_loop3A_618 = arith.constant 58 : i32
        %parallel_loop3A_619 = vector.broadcast %parallel_loop3A_618 : i32 to vector<16xi32>
        %parallel_loop3A_620 = arith.addi %parallel_loop3A_257, %parallel_loop3A_619 : vector<16xi32>
        %parallel_loop3A_621 = tpu.vector_load_idx %arg9[%parallel_loop3A_620] : memref<400xf32, #tpu.memory_space<vmem>>[vector<16xi32>], vector<16xf32>,
        %parallel_loop3A_622 = arith.constant 59 : i32
        %parallel_loop3A_623 = vector.broadcast %parallel_loop3A_622 : i32 to vector<16xi32>
        %parallel_loop3A_624 = arith.addi %parallel_loop3A_257, %parallel_loop3A_623 : vector<16xi32>
        %parallel_loop3A_625 = tpu.vector_load_idx %arg9[%parallel_loop3A_624] : memref<400xf32, #tpu.memory_space<vmem>>[vector<16xi32>], vector<16xf32>,
        %parallel_loop3A_626 = arith.constant 60 : i32
        %parallel_loop3A_627 = vector.broadcast %parallel_loop3A_626 : i32 to vector<16xi32>
        %parallel_loop3A_628 = arith.addi %parallel_loop3A_257, %parallel_loop3A_627 : vector<16xi32>
        %parallel_loop3A_629 = tpu.vector_load_idx %arg9[%parallel_loop3A_628] : memref<400xf32, #tpu.memory_space<vmem>>[vector<16xi32>], vector<16xf32>,
        %parallel_loop3A_630 = arith.constant 61 : i32
        %parallel_loop3A_631 = vector.broadcast %parallel_loop3A_630 : i32 to vector<16xi32>
        %parallel_loop3A_632 = arith.addi %parallel_loop3A_257, %parallel_loop3A_631 : vector<16xi32>
        %parallel_loop3A_633 = tpu.vector_load_idx %arg9[%parallel_loop3A_632] : memref<400xf32, #tpu.memory_space<vmem>>[vector<16xi32>], vector<16xf32>,
        %parallel_loop3A_634 = arith.constant 62 : i32
        %parallel_loop3A_635 = vector.broadcast %parallel_loop3A_634 : i32 to vector<16xi32>
        %parallel_loop3A_636 = arith.addi %parallel_loop3A_257, %parallel_loop3A_635 : vector<16xi32>
        %parallel_loop3A_637 = tpu.vector_load_idx %arg9[%parallel_loop3A_636] : memref<400xf32, #tpu.memory_space<vmem>>[vector<16xi32>], vector<16xf32>,
        %parallel_loop3A_638 = arith.constant 63 : i32
        %parallel_loop3A_639 = vector.broadcast %parallel_loop3A_638 : i32 to vector<16xi32>
        %parallel_loop3A_640 = arith.addi %parallel_loop3A_257, %parallel_loop3A_639 : vector<16xi32>
        %parallel_loop3A_641 = tpu.vector_load_idx %arg9[%parallel_loop3A_640] : memref<400xf32, #tpu.memory_space<vmem>>[vector<16xi32>], vector<16xf32>,
        %parallel_loop3A_642 = arith.constant 32 : i32
        %parallel_loop3A_643 = arith.index_cast %parallel_loop3A_642 : i32 to index
        %parallel_loop3A_644 = arith.index_cast %parallel_loop3A_252 : i32 to index
        %parallel_loop3A_645 = tpu.vector_load %arg8[%parallel_loop3A_643, %parallel_loop3A_644] {strides = array<i32>} : memref<64x512xf32, #tpu.memory_space<vmem>>, vector<16xf32>,
        tpu.vector_store %arg8[%parallel_loop3A_643, %parallel_loop3A_644], %parallel_loop3A_517 {strides = array<i32>} : memref<64x512xf32, #tpu.memory_space<vmem>>, vector<16xf32>,
        %parallel_loop3A_646 = arith.constant 33 : i32
        %parallel_loop3A_647 = arith.index_cast %parallel_loop3A_646 : i32 to index
        %parallel_loop3A_648 = arith.index_cast %parallel_loop3A_252 : i32 to index
        %parallel_loop3A_649 = tpu.vector_load %arg8[%parallel_loop3A_647, %parallel_loop3A_648] {strides = array<i32>} : memref<64x512xf32, #tpu.memory_space<vmem>>, vector<16xf32>,
        tpu.vector_store %arg8[%parallel_loop3A_647, %parallel_loop3A_648], %parallel_loop3A_521 {strides = array<i32>} : memref<64x512xf32, #tpu.memory_space<vmem>>, vector<16xf32>,
        %parallel_loop3A_650 = arith.constant 34 : i32
        %parallel_loop3A_651 = arith.index_cast %parallel_loop3A_650 : i32 to index
        %parallel_loop3A_652 = arith.index_cast %parallel_loop3A_252 : i32 to index
        %parallel_loop3A_653 = tpu.vector_load %arg8[%parallel_loop3A_651, %parallel_loop3A_652] {strides = array<i32>} : memref<64x512xf32, #tpu.memory_space<vmem>>, vector<16xf32>,
        tpu.vector_store %arg8[%parallel_loop3A_651, %parallel_loop3A_652], %parallel_loop3A_525 {strides = array<i32>} : memref<64x512xf32, #tpu.memory_space<vmem>>, vector<16xf32>,
        %parallel_loop3A_654 = arith.constant 35 : i32
        %parallel_loop3A_655 = arith.index_cast %parallel_loop3A_654 : i32 to index
        %parallel_loop3A_656 = arith.index_cast %parallel_loop3A_252 : i32 to index
        %parallel_loop3A_657 = tpu.vector_load %arg8[%parallel_loop3A_655, %parallel_loop3A_656] {strides = array<i32>} : memref<64x512xf32, #tpu.memory_space<vmem>>, vector<16xf32>,
        tpu.vector_store %arg8[%parallel_loop3A_655, %parallel_loop3A_656], %parallel_loop3A_529 {strides = array<i32>} : memref<64x512xf32, #tpu.memory_space<vmem>>, vector<16xf32>,
        %parallel_loop3A_658 = arith.constant 36 : i32
        %parallel_loop3A_659 = arith.index_cast %parallel_loop3A_658 : i32 to index
        %parallel_loop3A_660 = arith.index_cast %parallel_loop3A_252 : i32 to index
        %parallel_loop3A_661 = tpu.vector_load %arg8[%parallel_loop3A_659, %parallel_loop3A_660] {strides = array<i32>} : memref<64x512xf32, #tpu.memory_space<vmem>>, vector<16xf32>,
        tpu.vector_store %arg8[%parallel_loop3A_659, %parallel_loop3A_660], %parallel_loop3A_533 {strides = array<i32>} : memref<64x512xf32, #tpu.memory_space<vmem>>, vector<16xf32>,
        %parallel_loop3A_662 = arith.constant 37 : i32
        %parallel_loop3A_663 = arith.index_cast %parallel_loop3A_662 : i32 to index
        %parallel_loop3A_664 = arith.index_cast %parallel_loop3A_252 : i32 to index
        %parallel_loop3A_665 = tpu.vector_load %arg8[%parallel_loop3A_663, %parallel_loop3A_664] {strides = array<i32>} : memref<64x512xf32, #tpu.memory_space<vmem>>, vector<16xf32>,
        tpu.vector_store %arg8[%parallel_loop3A_663, %parallel_loop3A_664], %parallel_loop3A_537 {strides = array<i32>} : memref<64x512xf32, #tpu.memory_space<vmem>>, vector<16xf32>,
        %parallel_loop3A_666 = arith.constant 38 : i32
        %parallel_loop3A_667 = arith.index_cast %parallel_loop3A_666 : i32 to index
        %parallel_loop3A_668 = arith.index_cast %parallel_loop3A_252 : i32 to index
        %parallel_loop3A_669 = tpu.vector_load %arg8[%parallel_loop3A_667, %parallel_loop3A_668] {strides = array<i32>} : memref<64x512xf32, #tpu.memory_space<vmem>>, vector<16xf32>,
        tpu.vector_store %arg8[%parallel_loop3A_667, %parallel_loop3A_668], %parallel_loop3A_541 {strides = array<i32>} : memref<64x512xf32, #tpu.memory_space<vmem>>, vector<16xf32>,
        %parallel_loop3A_670 = arith.constant 39 : i32
        %parallel_loop3A_671 = arith.index_cast %parallel_loop3A_670 : i32 to index
        %parallel_loop3A_672 = arith.index_cast %parallel_loop3A_252 : i32 to index
        %parallel_loop3A_673 = tpu.vector_load %arg8[%parallel_loop3A_671, %parallel_loop3A_672] {strides = array<i32>} : memref<64x512xf32, #tpu.memory_space<vmem>>, vector<16xf32>,
        tpu.vector_store %arg8[%parallel_loop3A_671, %parallel_loop3A_672], %parallel_loop3A_545 {strides = array<i32>} : memref<64x512xf32, #tpu.memory_space<vmem>>, vector<16xf32>,
        %parallel_loop3A_674 = arith.constant 40 : i32
        %parallel_loop3A_675 = arith.index_cast %parallel_loop3A_674 : i32 to index
        %parallel_loop3A_676 = arith.index_cast %parallel_loop3A_252 : i32 to index
        %parallel_loop3A_677 = tpu.vector_load %arg8[%parallel_loop3A_675, %parallel_loop3A_676] {strides = array<i32>} : memref<64x512xf32, #tpu.memory_space<vmem>>, vector<16xf32>,
        tpu.vector_store %arg8[%parallel_loop3A_675, %parallel_loop3A_676], %parallel_loop3A_549 {strides = array<i32>} : memref<64x512xf32, #tpu.memory_space<vmem>>, vector<16xf32>,
        %parallel_loop3A_678 = arith.constant 41 : i32
        %parallel_loop3A_679 = arith.index_cast %parallel_loop3A_678 : i32 to index
        %parallel_loop3A_680 = arith.index_cast %parallel_loop3A_252 : i32 to index
        %parallel_loop3A_681 = tpu.vector_load %arg8[%parallel_loop3A_679, %parallel_loop3A_680] {strides = array<i32>} : memref<64x512xf32, #tpu.memory_space<vmem>>, vector<16xf32>,
        tpu.vector_store %arg8[%parallel_loop3A_679, %parallel_loop3A_680], %parallel_loop3A_553 {strides = array<i32>} : memref<64x512xf32, #tpu.memory_space<vmem>>, vector<16xf32>,
        %parallel_loop3A_682 = arith.constant 42 : i32
        %parallel_loop3A_683 = arith.index_cast %parallel_loop3A_682 : i32 to index
        %parallel_loop3A_684 = arith.index_cast %parallel_loop3A_252 : i32 to index
        %parallel_loop3A_685 = tpu.vector_load %arg8[%parallel_loop3A_683, %parallel_loop3A_684] {strides = array<i32>} : memref<64x512xf32, #tpu.memory_space<vmem>>, vector<16xf32>,
        tpu.vector_store %arg8[%parallel_loop3A_683, %parallel_loop3A_684], %parallel_loop3A_557 {strides = array<i32>} : memref<64x512xf32, #tpu.memory_space<vmem>>, vector<16xf32>,
        %parallel_loop3A_686 = arith.constant 43 : i32
        %parallel_loop3A_687 = arith.index_cast %parallel_loop3A_686 : i32 to index
        %parallel_loop3A_688 = arith.index_cast %parallel_loop3A_252 : i32 to index
        %parallel_loop3A_689 = tpu.vector_load %arg8[%parallel_loop3A_687, %parallel_loop3A_688] {strides = array<i32>} : memref<64x512xf32, #tpu.memory_space<vmem>>, vector<16xf32>,
        tpu.vector_store %arg8[%parallel_loop3A_687, %parallel_loop3A_688], %parallel_loop3A_561 {strides = array<i32>} : memref<64x512xf32, #tpu.memory_space<vmem>>, vector<16xf32>,
        %parallel_loop3A_690 = arith.constant 44 : i32
        %parallel_loop3A_691 = arith.index_cast %parallel_loop3A_690 : i32 to index
        %parallel_loop3A_692 = arith.index_cast %parallel_loop3A_252 : i32 to index
        %parallel_loop3A_693 = tpu.vector_load %arg8[%parallel_loop3A_691, %parallel_loop3A_692] {strides = array<i32>} : memref<64x512xf32, #tpu.memory_space<vmem>>, vector<16xf32>,
        tpu.vector_store %arg8[%parallel_loop3A_691, %parallel_loop3A_692], %parallel_loop3A_565 {strides = array<i32>} : memref<64x512xf32, #tpu.memory_space<vmem>>, vector<16xf32>,
        %parallel_loop3A_694 = arith.constant 45 : i32
        %parallel_loop3A_695 = arith.index_cast %parallel_loop3A_694 : i32 to index
        %parallel_loop3A_696 = arith.index_cast %parallel_loop3A_252 : i32 to index
        %parallel_loop3A_697 = tpu.vector_load %arg8[%parallel_loop3A_695, %parallel_loop3A_696] {strides = array<i32>} : memref<64x512xf32, #tpu.memory_space<vmem>>, vector<16xf32>,
        tpu.vector_store %arg8[%parallel_loop3A_695, %parallel_loop3A_696], %parallel_loop3A_569 {strides = array<i32>} : memref<64x512xf32, #tpu.memory_space<vmem>>, vector<16xf32>,
        %parallel_loop3A_698 = arith.constant 46 : i32
        %parallel_loop3A_699 = arith.index_cast %parallel_loop3A_698 : i32 to index
        %parallel_loop3A_700 = arith.index_cast %parallel_loop3A_252 : i32 to index
        %parallel_loop3A_701 = tpu.vector_load %arg8[%parallel_loop3A_699, %parallel_loop3A_700] {strides = array<i32>} : memref<64x512xf32, #tpu.memory_space<vmem>>, vector<16xf32>,
        tpu.vector_store %arg8[%parallel_loop3A_699, %parallel_loop3A_700], %parallel_loop3A_573 {strides = array<i32>} : memref<64x512xf32, #tpu.memory_space<vmem>>, vector<16xf32>,
        %parallel_loop3A_702 = arith.constant 47 : i32
        %parallel_loop3A_703 = arith.index_cast %parallel_loop3A_702 : i32 to index
        %parallel_loop3A_704 = arith.index_cast %parallel_loop3A_252 : i32 to index
        %parallel_loop3A_705 = tpu.vector_load %arg8[%parallel_loop3A_703, %parallel_loop3A_704] {strides = array<i32>} : memref<64x512xf32, #tpu.memory_space<vmem>>, vector<16xf32>,
        tpu.vector_store %arg8[%parallel_loop3A_703, %parallel_loop3A_704], %parallel_loop3A_577 {strides = array<i32>} : memref<64x512xf32, #tpu.memory_space<vmem>>, vector<16xf32>,
        %parallel_loop3A_706 = arith.constant 48 : i32
        %parallel_loop3A_707 = arith.index_cast %parallel_loop3A_706 : i32 to index
        %parallel_loop3A_708 = arith.index_cast %parallel_loop3A_252 : i32 to index
        %parallel_loop3A_709 = tpu.vector_load %arg8[%parallel_loop3A_707, %parallel_loop3A_708] {strides = array<i32>} : memref<64x512xf32, #tpu.memory_space<vmem>>, vector<16xf32>,
        tpu.vector_store %arg8[%parallel_loop3A_707, %parallel_loop3A_708], %parallel_loop3A_581 {strides = array<i32>} : memref<64x512xf32, #tpu.memory_space<vmem>>, vector<16xf32>,
        %parallel_loop3A_710 = arith.constant 49 : i32
        %parallel_loop3A_711 = arith.index_cast %parallel_loop3A_710 : i32 to index
        %parallel_loop3A_712 = arith.index_cast %parallel_loop3A_252 : i32 to index
        %parallel_loop3A_713 = tpu.vector_load %arg8[%parallel_loop3A_711, %parallel_loop3A_712] {strides = array<i32>} : memref<64x512xf32, #tpu.memory_space<vmem>>, vector<16xf32>,
        tpu.vector_store %arg8[%parallel_loop3A_711, %parallel_loop3A_712], %parallel_loop3A_585 {strides = array<i32>} : memref<64x512xf32, #tpu.memory_space<vmem>>, vector<16xf32>,
        %parallel_loop3A_714 = arith.constant 50 : i32
        %parallel_loop3A_715 = arith.index_cast %parallel_loop3A_714 : i32 to index
        %parallel_loop3A_716 = arith.index_cast %parallel_loop3A_252 : i32 to index
        %parallel_loop3A_717 = tpu.vector_load %arg8[%parallel_loop3A_715, %parallel_loop3A_716] {strides = array<i32>} : memref<64x512xf32, #tpu.memory_space<vmem>>, vector<16xf32>,
        tpu.vector_store %arg8[%parallel_loop3A_715, %parallel_loop3A_716], %parallel_loop3A_589 {strides = array<i32>} : memref<64x512xf32, #tpu.memory_space<vmem>>, vector<16xf32>,
        %parallel_loop3A_718 = arith.constant 51 : i32
        %parallel_loop3A_719 = arith.index_cast %parallel_loop3A_718 : i32 to index
        %parallel_loop3A_720 = arith.index_cast %parallel_loop3A_252 : i32 to index
        %parallel_loop3A_721 = tpu.vector_load %arg8[%parallel_loop3A_719, %parallel_loop3A_720] {strides = array<i32>} : memref<64x512xf32, #tpu.memory_space<vmem>>, vector<16xf32>,
        tpu.vector_store %arg8[%parallel_loop3A_719, %parallel_loop3A_720], %parallel_loop3A_593 {strides = array<i32>} : memref<64x512xf32, #tpu.memory_space<vmem>>, vector<16xf32>,
        %parallel_loop3A_722 = arith.constant 52 : i32
        %parallel_loop3A_723 = arith.index_cast %parallel_loop3A_722 : i32 to index
        %parallel_loop3A_724 = arith.index_cast %parallel_loop3A_252 : i32 to index
        %parallel_loop3A_725 = tpu.vector_load %arg8[%parallel_loop3A_723, %parallel_loop3A_724] {strides = array<i32>} : memref<64x512xf32, #tpu.memory_space<vmem>>, vector<16xf32>,
        tpu.vector_store %arg8[%parallel_loop3A_723, %parallel_loop3A_724], %parallel_loop3A_597 {strides = array<i32>} : memref<64x512xf32, #tpu.memory_space<vmem>>, vector<16xf32>,
        %parallel_loop3A_726 = arith.constant 53 : i32
        %parallel_loop3A_727 = arith.index_cast %parallel_loop3A_726 : i32 to index
        %parallel_loop3A_728 = arith.index_cast %parallel_loop3A_252 : i32 to index
        %parallel_loop3A_729 = tpu.vector_load %arg8[%parallel_loop3A_727, %parallel_loop3A_728] {strides = array<i32>} : memref<64x512xf32, #tpu.memory_space<vmem>>, vector<16xf32>,
        tpu.vector_store %arg8[%parallel_loop3A_727, %parallel_loop3A_728], %parallel_loop3A_601 {strides = array<i32>} : memref<64x512xf32, #tpu.memory_space<vmem>>, vector<16xf32>,
        %parallel_loop3A_730 = arith.constant 54 : i32
        %parallel_loop3A_731 = arith.index_cast %parallel_loop3A_730 : i32 to index
        %parallel_loop3A_732 = arith.index_cast %parallel_loop3A_252 : i32 to index
        %parallel_loop3A_733 = tpu.vector_load %arg8[%parallel_loop3A_731, %parallel_loop3A_732] {strides = array<i32>} : memref<64x512xf32, #tpu.memory_space<vmem>>, vector<16xf32>,
        tpu.vector_store %arg8[%parallel_loop3A_731, %parallel_loop3A_732], %parallel_loop3A_605 {strides = array<i32>} : memref<64x512xf32, #tpu.memory_space<vmem>>, vector<16xf32>,
        %parallel_loop3A_734 = arith.constant 55 : i32
        %parallel_loop3A_735 = arith.index_cast %parallel_loop3A_734 : i32 to index
        %parallel_loop3A_736 = arith.index_cast %parallel_loop3A_252 : i32 to index
        %parallel_loop3A_737 = tpu.vector_load %arg8[%parallel_loop3A_735, %parallel_loop3A_736] {strides = array<i32>} : memref<64x512xf32, #tpu.memory_space<vmem>>, vector<16xf32>,
        tpu.vector_store %arg8[%parallel_loop3A_735, %parallel_loop3A_736], %parallel_loop3A_609 {strides = array<i32>} : memref<64x512xf32, #tpu.memory_space<vmem>>, vector<16xf32>,
        %parallel_loop3A_738 = arith.constant 56 : i32
        %parallel_loop3A_739 = arith.index_cast %parallel_loop3A_738 : i32 to index
        %parallel_loop3A_740 = arith.index_cast %parallel_loop3A_252 : i32 to index
        %parallel_loop3A_741 = tpu.vector_load %arg8[%parallel_loop3A_739, %parallel_loop3A_740] {strides = array<i32>} : memref<64x512xf32, #tpu.memory_space<vmem>>, vector<16xf32>,
        tpu.vector_store %arg8[%parallel_loop3A_739, %parallel_loop3A_740], %parallel_loop3A_613 {strides = array<i32>} : memref<64x512xf32, #tpu.memory_space<vmem>>, vector<16xf32>,
        %parallel_loop3A_742 = arith.constant 57 : i32
        %parallel_loop3A_743 = arith.index_cast %parallel_loop3A_742 : i32 to index
        %parallel_loop3A_744 = arith.index_cast %parallel_loop3A_252 : i32 to index
        %parallel_loop3A_745 = tpu.vector_load %arg8[%parallel_loop3A_743, %parallel_loop3A_744] {strides = array<i32>} : memref<64x512xf32, #tpu.memory_space<vmem>>, vector<16xf32>,
        tpu.vector_store %arg8[%parallel_loop3A_743, %parallel_loop3A_744], %parallel_loop3A_617 {strides = array<i32>} : memref<64x512xf32, #tpu.memory_space<vmem>>, vector<16xf32>,
        %parallel_loop3A_746 = arith.constant 58 : i32
        %parallel_loop3A_747 = arith.index_cast %parallel_loop3A_746 : i32 to index
        %parallel_loop3A_748 = arith.index_cast %parallel_loop3A_252 : i32 to index
        %parallel_loop3A_749 = tpu.vector_load %arg8[%parallel_loop3A_747, %parallel_loop3A_748] {strides = array<i32>} : memref<64x512xf32, #tpu.memory_space<vmem>>, vector<16xf32>,
        tpu.vector_store %arg8[%parallel_loop3A_747, %parallel_loop3A_748], %parallel_loop3A_621 {strides = array<i32>} : memref<64x512xf32, #tpu.memory_space<vmem>>, vector<16xf32>,
        %parallel_loop3A_750 = arith.constant 59 : i32
        %parallel_loop3A_751 = arith.index_cast %parallel_loop3A_750 : i32 to index
        %parallel_loop3A_752 = arith.index_cast %parallel_loop3A_252 : i32 to index
        %parallel_loop3A_753 = tpu.vector_load %arg8[%parallel_loop3A_751, %parallel_loop3A_752] {strides = array<i32>} : memref<64x512xf32, #tpu.memory_space<vmem>>, vector<16xf32>,
        tpu.vector_store %arg8[%parallel_loop3A_751, %parallel_loop3A_752], %parallel_loop3A_625 {strides = array<i32>} : memref<64x512xf32, #tpu.memory_space<vmem>>, vector<16xf32>,
        %parallel_loop3A_754 = arith.constant 60 : i32
        %parallel_loop3A_755 = arith.index_cast %parallel_loop3A_754 : i32 to index
        %parallel_loop3A_756 = arith.index_cast %parallel_loop3A_252 : i32 to index
        %parallel_loop3A_757 = tpu.vector_load %arg8[%parallel_loop3A_755, %parallel_loop3A_756] {strides = array<i32>} : memref<64x512xf32, #tpu.memory_space<vmem>>, vector<16xf32>,
        tpu.vector_store %arg8[%parallel_loop3A_755, %parallel_loop3A_756], %parallel_loop3A_629 {strides = array<i32>} : memref<64x512xf32, #tpu.memory_space<vmem>>, vector<16xf32>,
        %parallel_loop3A_758 = arith.constant 61 : i32
        %parallel_loop3A_759 = arith.index_cast %parallel_loop3A_758 : i32 to index
        %parallel_loop3A_760 = arith.index_cast %parallel_loop3A_252 : i32 to index
        %parallel_loop3A_761 = tpu.vector_load %arg8[%parallel_loop3A_759, %parallel_loop3A_760] {strides = array<i32>} : memref<64x512xf32, #tpu.memory_space<vmem>>, vector<16xf32>,
        tpu.vector_store %arg8[%parallel_loop3A_759, %parallel_loop3A_760], %parallel_loop3A_633 {strides = array<i32>} : memref<64x512xf32, #tpu.memory_space<vmem>>, vector<16xf32>,
        %parallel_loop3A_762 = arith.constant 62 : i32
        %parallel_loop3A_763 = arith.index_cast %parallel_loop3A_762 : i32 to index
        %parallel_loop3A_764 = arith.index_cast %parallel_loop3A_252 : i32 to index
        %parallel_loop3A_765 = tpu.vector_load %arg8[%parallel_loop3A_763, %parallel_loop3A_764] {strides = array<i32>} : memref<64x512xf32, #tpu.memory_space<vmem>>, vector<16xf32>,
        tpu.vector_store %arg8[%parallel_loop3A_763, %parallel_loop3A_764], %parallel_loop3A_637 {strides = array<i32>} : memref<64x512xf32, #tpu.memory_space<vmem>>, vector<16xf32>,
        %parallel_loop3A_766 = arith.constant 63 : i32
        %parallel_loop3A_767 = arith.index_cast %parallel_loop3A_766 : i32 to index
        %parallel_loop3A_768 = arith.index_cast %parallel_loop3A_252 : i32 to index
        %parallel_loop3A_769 = tpu.vector_load %arg8[%parallel_loop3A_767, %parallel_loop3A_768] {strides = array<i32>} : memref<64x512xf32, #tpu.memory_space<vmem>>, vector<16xf32>,
        tpu.vector_store %arg8[%parallel_loop3A_767, %parallel_loop3A_768], %parallel_loop3A_641 {strides = array<i32>} : memref<64x512xf32, #tpu.memory_space<vmem>>, vector<16xf32>,
      } {sc.loop_unroll_factor = 4 : i64, sc.parallel_access}
      %jit3A_186 = arith.constant 8 : i32
      %div3A_187 = arith.divsi %add3A_170, %jit3A_186 : i32
      %sign3A_188 = arith.constant 0 : i32
      %sign3A_189 = arith.cmpi sgt, %add3A_170, %sign3A_188 : i32
      %sign3A_190 = arith.extui %sign3A_189 : i1 to i32
      %sign3A_191 = arith.constant 0 : i32
      %sign3A_192 = arith.cmpi slt, %add3A_170, %sign3A_191 : i32
      %sign3A_193 = arith.extui %sign3A_192 : i1 to i32
      %sign3A_194 = arith.subi %sign3A_190, %sign3A_193 : i32
      %sign3A_195 = arith.constant 0 : i32
      %sign3A_196 = arith.cmpi sgt, %jit3A_186, %sign3A_195 : i32
      %sign3A_197 = arith.extui %sign3A_196 : i1 to i32
      %sign3A_198 = arith.constant 0 : i32
      %sign3A_199 = arith.cmpi slt, %jit3A_186, %sign3A_198 : i32
      %sign3A_200 = arith.extui %sign3A_199 : i1 to i32
      %sign3A_201 = arith.subi %sign3A_197, %sign3A_200 : i32
      %ne3A_202 = arith.cmpi ne, %sign3A_194, %sign3A_201 : i32
      %rem3A_203 = arith.remsi %add3A_170, %jit3A_186 : i32
      %ne3A_204 = arith.constant 0 : i32
      %ne3A_205 = arith.cmpi ne, %rem3A_203, %ne3A_204 : i32
      %and3A_206 = arith.andi %ne3A_202, %ne3A_205 : i1
      %sub3A_207 = arith.constant 1 : i32
      %sub3A_208 = arith.subi %div3A_187, %sub3A_207 : i32
      %select_n3A_209 = arith.select %and3A_206, %sub3A_208, %div3A_187 : i32
      %add3A_210 = arith.addi %mul3A_21, %select_n3A_209 : i32
      %jit3A_211 = arith.constant 8 : i32
      %eq3A_212 = arith.constant 0 : i32
      %eq3A_213 = arith.cmpi eq, %jit3A_211, %eq3A_212 : i32
      %jit3A_214 = arith.constant 1 : i32
      %select_n3A_215 = arith.select %eq3A_213, %jit3A_214, %jit3A_211 : i32
      %rem3A_216 = arith.remsi %add3A_170, %select_n3A_215 : i32
      %ne3A_217 = arith.constant 0 : i32
      %ne3A_218 = arith.cmpi ne, %rem3A_216, %ne3A_217 : i32
      %lt3A_219 = arith.constant 0 : i32
      %lt3A_220 = arith.cmpi slt, %rem3A_216, %lt3A_219 : i32
      %lt3A_221 = arith.constant 0 : i32
      %lt3A_222 = arith.cmpi slt, %select_n3A_215, %lt3A_221 : i32
      %ne3A_223 = arith.xori %lt3A_220, %lt3A_222 : i1
      %and3A_224 = arith.andi %ne3A_223, %ne3A_218 : i1
      %add3A_225 = arith.addi %rem3A_216, %select_n3A_215 : i32
      %select_n3A_226 = arith.select %and3A_224, %add3A_225, %rem3A_216 : i32
      %mul3A_227 = arith.constant 512 : i32
      %mul3A_228 = arith.muli %select_n3A_226, %mul3A_227 : i32
      %add3A_229 = arith.addi %mul3A_23, %mul3A_228 : i32
      %dma_start3A_230 = arith.constant 1 : i32
      %dma_start3A_231 = arith.constant 0 : i32
      %dma_start3A_232 = arith.constant 0 : i32
      %dma_start3A_233 = tpu.memref_slice %arg4[%add3A_210, %dma_start3A_231, %dma_start3A_232] : memref<200x64x16384xf32, #tpu.memory_space<hbm>> -> memref<1x64x16384xf32, #tpu.memory_space<hbm>>
      %dma_start3A_234 = tpu.memref_squeeze %dma_start3A_233 : memref<1x64x16384xf32, #tpu.memory_space<hbm>> -> memref<64x16384xf32, #tpu.memory_space<hbm>>
      %dma_start3A_235 = arith.constant 0 : i32
      %dma_start3A_236 = tpu.memref_slice %dma_start3A_234[%dma_start3A_235, %add3A_229] : memref<64x16384xf32, #tpu.memory_space<hbm>> -> memref<64x512xf32, #tpu.memory_space<hbm>>
      %dma_start3A_237 = tpu.memref_slice %arg11[%dma_start3A_230] : memref<2x!tpu.dma_semaphore, #tpu.memory_space<semaphore_mem>> -> memref<1x!tpu.dma_semaphore, #tpu.memory_space<semaphore_mem>>
      %dma_start3A_238 = tpu.memref_squeeze %dma_start3A_237 : memref<1x!tpu.dma_semaphore, #tpu.memory_space<semaphore_mem>> -> memref<!tpu.dma_semaphore, #tpu.memory_space<semaphore_mem>>
      %dma_start3A_239 = arith.constant 0 : i32
      %dma_start3A_240 = arith.constant 0 : i32
      %dma_start3A_241 = tpu.memref_slice %arg4[%add3A_210, %dma_start3A_239, %dma_start3A_240] : memref<200x64x16384xf32, #tpu.memory_space<hbm>> -> memref<1x64x16384xf32, #tpu.memory_space<hbm>>
      %dma_start3A_242 = tpu.memref_squeeze %dma_start3A_241 : memref<1x64x16384xf32, #tpu.memory_space<hbm>> -> memref<64x16384xf32, #tpu.memory_space<hbm>>
      %dma_start3A_243 = arith.constant 0 : i32
      %dma_start3A_244 = tpu.memref_slice %dma_start3A_242[%dma_start3A_243, %add3A_229] : memref<64x16384xf32, #tpu.memory_space<hbm>> -> memref<64x512xf32, #tpu.memory_space<hbm>>
      tpu.enqueue_dma source(%arg8 : memref<64x512xf32, #tpu.memory_space<vmem>>) target(%dma_start3A_244 : memref<64x512xf32, #tpu.memory_space<hbm>>) target_semaphore(%dma_start3A_238 : memref<!tpu.dma_semaphore, #tpu.memory_space<semaphore_mem>>)
      %add3A_245 = arith.constant 2 : i32
      %add3A_246 = arith.addi %add3A_170, %add3A_245 : i32
      %lt3A_247 = arith.constant 200 : i32
      %lt3A_248 = arith.cmpi slt, %add3A_246, %lt3A_247 : i32
      %convert_element_type3A_249 = arith.extui %lt3A_248 : i1 to i32
      %cond3A_250 = arith.constant 0 : i32
      %cond3A_251 = arith.cmpi ne, %convert_element_type3A_249, %cond3A_250 : i32
      scf.if %cond3A_251 {
        %add3A_252 = arith.constant 2 : i32
        %add3A_253 = arith.addi %add3A_170, %add3A_252 : i32
        %jit3A_254 = arith.constant 8 : i32
        %div3A_255 = arith.divsi %add3A_253, %jit3A_254 : i32
        %sign3A_256 = arith.constant 0 : i32
        %sign3A_257 = arith.cmpi sgt, %add3A_253, %sign3A_256 : i32
        %sign3A_258 = arith.extui %sign3A_257 : i1 to i32
        %sign3A_259 = arith.constant 0 : i32
        %sign3A_260 = arith.cmpi slt, %add3A_253, %sign3A_259 : i32
        %sign3A_261 = arith.extui %sign3A_260 : i1 to i32
        %sign3A_262 = arith.subi %sign3A_258, %sign3A_261 : i32
        %sign3A_263 = arith.constant 0 : i32
        %sign3A_264 = arith.cmpi sgt, %jit3A_254, %sign3A_263 : i32
        %sign3A_265 = arith.extui %sign3A_264 : i1 to i32
        %sign3A_266 = arith.constant 0 : i32
        %sign3A_267 = arith.cmpi slt, %jit3A_254, %sign3A_266 : i32
        %sign3A_268 = arith.extui %sign3A_267 : i1 to i32
        %sign3A_269 = arith.subi %sign3A_265, %sign3A_268 : i32
        %ne3A_270 = arith.cmpi ne, %sign3A_262, %sign3A_269 : i32
        %rem3A_271 = arith.remsi %add3A_253, %jit3A_254 : i32
        %ne3A_272 = arith.constant 0 : i32
        %ne3A_273 = arith.cmpi ne, %rem3A_271, %ne3A_272 : i32
        %and3A_274 = arith.andi %ne3A_270, %ne3A_273 : i1
        %sub3A_275 = arith.constant 1 : i32
        %sub3A_276 = arith.subi %div3A_255, %sub3A_275 : i32
        %select_n3A_277 = arith.select %and3A_274, %sub3A_276, %div3A_255 : i32
        %add3A_278 = arith.addi %mul3A_21, %select_n3A_277 : i32
        %jit3A_279 = arith.constant 8 : i32
        %eq3A_280 = arith.constant 0 : i32
        %eq3A_281 = arith.cmpi eq, %jit3A_279, %eq3A_280 : i32
        %jit3A_282 = arith.constant 1 : i32
        %select_n3A_283 = arith.select %eq3A_281, %jit3A_282, %jit3A_279 : i32
        %rem3A_284 = arith.remsi %add3A_253, %select_n3A_283 : i32
        %ne3A_285 = arith.constant 0 : i32
        %ne3A_286 = arith.cmpi ne, %rem3A_284, %ne3A_285 : i32
        %lt3A_287 = arith.constant 0 : i32
        %lt3A_288 = arith.cmpi slt, %rem3A_284, %lt3A_287 : i32
        %lt3A_289 = arith.constant 0 : i32
        %lt3A_290 = arith.cmpi slt, %select_n3A_283, %lt3A_289 : i32
        %ne3A_291 = arith.xori %lt3A_288, %lt3A_290 : i1
        %and3A_292 = arith.andi %ne3A_291, %ne3A_286 : i1
        %add3A_293 = arith.addi %rem3A_284, %select_n3A_283 : i32
        %select_n3A_294 = arith.select %and3A_292, %add3A_293, %rem3A_284 : i32
        %mul3A_295 = arith.constant 512 : i32
        %mul3A_296 = arith.muli %select_n3A_294, %mul3A_295 : i32
        %add3A_297 = arith.addi %mul3A_23, %mul3A_296 : i32
        %mul3A_298 = arith.constant 16384 : i32
        %mul3A_299 = arith.muli %add3A_278, %mul3A_298 : i32
        %add3A_300 = arith.addi %mul3A_299, %add3A_297 : i32
        %dma_start3A_301 = arith.constant 1 : i32
        %dma_start3A_302 = tpu.memref_slice %arg3[%add3A_300] : memref<3276800xi32, #tpu.memory_space<hbm>> -> memref<512xi32, #tpu.memory_space<hbm>>
        %dma_start3A_303 = tpu.memref_slice %arg10[%dma_start3A_301] : memref<2x!tpu.dma_semaphore, #tpu.memory_space<semaphore_mem>> -> memref<1x!tpu.dma_semaphore, #tpu.memory_space<semaphore_mem>>
        %dma_start3A_304 = tpu.memref_squeeze %dma_start3A_303 : memref<1x!tpu.dma_semaphore, #tpu.memory_space<semaphore_mem>> -> memref<!tpu.dma_semaphore, #tpu.memory_space<semaphore_mem>>
        %dma_start3A_305 = tpu.memref_slice %arg3[%add3A_300] : memref<3276800xi32, #tpu.memory_space<hbm>> -> memref<512xi32, #tpu.memory_space<hbm>>
        tpu.enqueue_dma source(%dma_start3A_305 : memref<512xi32, #tpu.memory_space<hbm>>) target(%arg6 : memref<512xi32, #tpu.memory_space<vmem>>) target_semaphore(%dma_start3A_304 : memref<!tpu.dma_semaphore, #tpu.memory_space<semaphore_mem>>)
      } else {
      }
    }
    %scan3A_51 = arith.constant 100 : i32
    %dma_wait3A = arith.constant 0 : i32
    %dma_wait3A_52 = arith.constant 0 : i32
    %dma_wait3A_53 = arith.constant 0 : i32
    %dma_wait3A_54 = arith.constant 0 : i32
    %dma_wait3A_55 = tpu.memref_slice %arg4[%dma_wait3A, %dma_wait3A_53, %dma_wait3A_54] : memref<200x64x16384xf32, #tpu.memory_space<hbm>> -> memref<1x64x16384xf32, #tpu.memory_space<hbm>>
    %dma_wait3A_56 = tpu.memref_squeeze %dma_wait3A_55 : memref<1x64x16384xf32, #tpu.memory_space<hbm>> -> memref<64x16384xf32, #tpu.memory_space<hbm>>
    %dma_wait3A_57 = arith.constant 0 : i32
    %dma_wait3A_58 = arith.constant 0 : i32
    %dma_wait3A_59 = tpu.memref_slice %dma_wait3A_56[%dma_wait3A_57, %dma_wait3A_58] : memref<64x16384xf32, #tpu.memory_space<hbm>> -> memref<64x512xf32, #tpu.memory_space<hbm>>
    %dma_wait3A_60 = tpu.memref_slice %arg11[%dma_wait3A_52] : memref<2x!tpu.dma_semaphore, #tpu.memory_space<semaphore_mem>> -> memref<1x!tpu.dma_semaphore, #tpu.memory_space<semaphore_mem>>
    %dma_wait3A_61 = tpu.memref_squeeze %dma_wait3A_60 : memref<1x!tpu.dma_semaphore, #tpu.memory_space<semaphore_mem>> -> memref<!tpu.dma_semaphore, #tpu.memory_space<semaphore_mem>>
    %dma_wait3A_62 = arith.constant 0 : i32
    %dma_wait3A_63 = arith.constant 0 : i32
    %dma_wait3A_64 = tpu.memref_slice %arg4[%dma_wait3A, %dma_wait3A_62, %dma_wait3A_63] : memref<200x64x16384xf32, #tpu.memory_space<hbm>> -> memref<1x64x16384xf32, #tpu.memory_space<hbm>>
    %dma_wait3A_65 = tpu.memref_squeeze %dma_wait3A_64 : memref<1x64x16384xf32, #tpu.memory_space<hbm>> -> memref<64x16384xf32, #tpu.memory_space<hbm>>
    %dma_wait3A_66 = arith.constant 0 : i32
    %dma_wait3A_67 = arith.constant 0 : i32
    %dma_wait3A_68 = tpu.memref_slice %dma_wait3A_65[%dma_wait3A_66, %dma_wait3A_67] : memref<64x16384xf32, #tpu.memory_space<hbm>> -> memref<64x512xf32, #tpu.memory_space<hbm>>
    tpu.wait_dma2 semaphore(%dma_wait3A_61 : memref<!tpu.dma_semaphore, #tpu.memory_space<semaphore_mem>>) src(%arg7 : memref<64x512xf32, #tpu.memory_space<vmem>>) dst(%dma_wait3A_68 : memref<64x512xf32, #tpu.memory_space<hbm>>)
    %dma_wait3A_69 = arith.constant 0 : i32
    %dma_wait3A_70 = arith.constant 1 : i32
    %dma_wait3A_71 = arith.constant 0 : i32
    %dma_wait3A_72 = arith.constant 0 : i32
    %dma_wait3A_73 = tpu.memref_slice %arg4[%dma_wait3A_69, %dma_wait3A_71, %dma_wait3A_72] : memref<200x64x16384xf32, #tpu.memory_space<hbm>> -> memref<1x64x16384xf32, #tpu.memory_space<hbm>>
    %dma_wait3A_74 = tpu.memref_squeeze %dma_wait3A_73 : memref<1x64x16384xf32, #tpu.memory_space<hbm>> -> memref<64x16384xf32, #tpu.memory_space<hbm>>
    %dma_wait3A_75 = arith.constant 0 : i32
    %dma_wait3A_76 = arith.constant 0 : i32
    %dma_wait3A_77 = tpu.memref_slice %dma_wait3A_74[%dma_wait3A_75, %dma_wait3A_76] : memref<64x16384xf32, #tpu.memory_space<hbm>> -> memref<64x512xf32, #tpu.memory_space<hbm>>
    %dma_wait3A_78 = tpu.memref_slice %arg11[%dma_wait3A_70] : memref<2x!tpu.dma_semaphore, #tpu.memory_space<semaphore_mem>> -> memref<1x!tpu.dma_semaphore, #tpu.memory_space<semaphore_mem>>
    %dma_wait3A_79 = tpu.memref_squeeze %dma_wait3A_78 : memref<1x!tpu.dma_semaphore, #tpu.memory_space<semaphore_mem>> -> memref<!tpu.dma_semaphore, #tpu.memory_space<semaphore_mem>>
    %dma_wait3A_80 = arith.constant 0 : i32
    %dma_wait3A_81 = arith.constant 0 : i32
    %dma_wait3A_82 = tpu.memref_slice %arg4[%dma_wait3A_69, %dma_wait3A_80, %dma_wait3A_81] : memref<200x64x16384xf32, #tpu.memory_space<hbm>> -> memref<1x64x16384xf32, #tpu.memory_space<hbm>>
    %dma_wait3A_83 = tpu.memref_squeeze %dma_wait3A_82 : memref<1x64x16384xf32, #tpu.memory_space<hbm>> -> memref<64x16384xf32, #tpu.memory_space<hbm>>
    %dma_wait3A_84 = arith.constant 0 : i32
    %dma_wait3A_85 = arith.constant 0 : i32
    %dma_wait3A_86 = tpu.memref_slice %dma_wait3A_83[%dma_wait3A_84, %dma_wait3A_85] : memref<64x16384xf32, #tpu.memory_space<hbm>> -> memref<64x512xf32, #tpu.memory_space<hbm>>
    tpu.wait_dma2 semaphore(%dma_wait3A_79 : memref<!tpu.dma_semaphore, #tpu.memory_space<semaphore_mem>>) src(%arg8 : memref<64x512xf32, #tpu.memory_space<vmem>>) dst(%dma_wait3A_86 : memref<64x512xf32, #tpu.memory_space<hbm>>)
    return
  }
}

</mosaic_0001>

<sc_bundles>
// kernel: kernel.3.cloned.1.call-start
scs
__scs_entry_jumppad:
0x0: {  	(pc) =	sbr.rel $0x88, $3  }
0x1: {  	(tag) =	ssettag $0x0;
	lr =	simm.s32 $0x1  }
0x2: {  	[smem:$0x3F9F] =	sst lr;
	_ =	strace $0xD0000000  }
0x3: {  	_ = 	snop  }
0x4: {  	_ = 	snop  }
0x5: {  	_ = 	snop  }
0x6: {  	_ = 	snop  }
0x7: {  	_ = 	snop  }
__scs_overlays_trampoline_lowered:
0x8: {  	[smem:$0x3FAE] =	sst s0  }
0x9: {  	[smem:$0x3FAF] =	sst s1  }
0xa: {  	[smem:$0x3FB0] =	sst s2  }
0xb: {  	[smem:$0x3FB1] =	sst s3  }
0xc: {  	[smem:$0x3FB2] =	sst s4  }
0xd: {  	[smem:$0x3FB3] =	sst s5  }
0xe: {  	[smem:$0x3FB4] =	sst s6  }
0xf: {  	[smem:$0x3FB5] =	sst s7  }
0x10: {  	[smem:$0x3FB6] =	sst s8  }
0x11: {  	[smem:$0x3FB7] =	sst s9;
	s0 =	simm.s32 @!p0 $0x0  }
0x12: {  	s1 =	sld [smem:$0x3F9D];
	s0 =	simm.s32 @p0 $0x1  }
0x13: {  	[smem:$0x3FB8] =	sst s0;
	s0 =	simm.s32 @!p1 $0x0  }
0x14: {  	s2 =	sld [smem:$0x3F9C];
	s0 =	simm.s32 @p1 $0x1  }
0x15: {  	[smem:$0x3FB9] =	sst s0;
	s0 =	simm.s32 @!p2 $0x0  }
0x16: {  	s3 =	sld [smem:$0x3FDB];
	s0 =	simm.s32 @p2 $0x1  }
0x17: {  	s4 =	simm.s32 $0x1BF5;
	[smem:$0x3FBB] =	sst s0  }
0x18: {  	s0 =	sld [smem:$0x3F9E];
	_ =	swait.ge [sflag:s4], $0x0  }
0x19: {  	s7 =	sld [smem:$0x3F9F]  }
0x1a: {  	s8 =	sadd.s32 $0xFFFFE003, lr  }
0x1b: {  	s9 =	sadd.s32 $0xFFFFFEF7, lr;
	s5 =	simm.s32 $0xFFFFFFFF;
	p2 =	slt.u32 s8, $0xFFFFF086  }
0x1c: {  	p1 =	slt.u32 s9, $0xF7A;
	s5 =	simm.s32 @!p2 $0x0  }
0x1d: {  	s5 =	simm.s32 @p1 $0x1;
	p0 =	seq.s32 s7, s2  }
0x1e: {  	s7 =	smul.u32 @!p0 $0xF7A, s2;
	p2 =	seq.s32 @!p0 s5, $0x0  }
0x1f: {  	s9 =	smul.u32 $0xF7A, s1;
	s8 =	simm.s32 @!p0 $0x1BF5;
	p2 =	por !p2, p0  }
0x20: {  	[sflag:s8] =	ssyncset.s32 @!p0 $0xFFFFF086;
	s6 =	sadd.s32 @!p0 s3, s7;
	s7 =	simm.s32 @!p0 $0x108  }
0x21: {  	s3 =	sadd.s32 s3, s9;
	s6 =	sadd.s32 @!p0 $0x88, s6;
	s7 =	simm.s32 @p2 $0x1082  }
0x22: {  	[simem:s7], [sflag:s8] =	dma.local @!p0 [hbm:s6], $0xF7A  }
0x23: {  	s9 =	sor.u32 $0xD0000000, s2;
	s6 =	simm.s32 $0x108;
	_ =	swait.ge @!p0 [sflag:s8], $0x0  }
0x24: {  	s3 =	sadd.s32 $0x88, s3;
	s6 =	simm.s32 @!p1 $0x1082;
	[sflag:s4] =	ssyncset.s32 $0xFFFFF086  }
0x25: {  	[simem:s6], [sflag:s4] =	dma.local [hbm:s3], $0xF7A  }
0x26: {  	[smem:$0x3F9F] =	sst s1;
	(tag) =	ssettag s2;
	_ =	strace s9  }
0x27: {  	s1 =	sld [smem:$0x3FAF]  }
0x28: {  	s2 =	sld [smem:$0x3FB0]  }
0x29: {  	s4 =	sld [smem:$0x3FB2]  }
0x2a: {  	p0 =	seq.s32 s5, $0x0;
	s5 =	sld [smem:$0x3FB3]  }
0x2b: {  	s6 =	sld [smem:$0x3FB4]  }
0x2c: {  	s7 =	sld [smem:$0x3FB5]  }
0x2d: {  	s3 =	simm.s32 $0x108;
	s8 =	sld [smem:$0x3FB6]  }
0x2e: {  	s3 =	simm.s32 @!p0 $0x1082;
	s9 =	sld [smem:$0x3FB7]  }
0x2f: {  	lr =	sadd.s32 s0, s3;
	s0 =	sld [smem:$0x3FAE]  }
0x30: {  	s3 =	sld [smem:$0x3FB1]  }
0x31: {  	[smem:$0x3FBA] =	sst s10  }
0x32: {  	s10 =	sld [smem:$0x3FB8];
	_ =	sdelay $0x3  }
0x33: {  	p0 =	seq.s32 s10, $0x1;
	s10 =	sld [smem:$0x3FBA];
	_ =	sdelay $0x3  }
0x34: {  	[smem:$0x3FBA] =	sst s10  }
0x35: {  	s10 =	sld [smem:$0x3FB9];
	_ =	sdelay $0x3  }
0x36: {  	p1 =	seq.s32 s10, $0x1;
	s10 =	sld [smem:$0x3FBA];
	_ =	sdelay $0x3  }
0x37: {  	[smem:$0x3FBA] =	sst s10  }
0x38: {  	s10 =	sld [smem:$0x3FBB]  }
0x39: {  	_ = 	snop;
	(pc) =	sbr.ind lr, $3  }
0x3a: {  	_ = 	snop  }
0x3b: {  	_ = 	snop  }
0x3c: {  	p2 =	seq.s32 s10, $0x1;
	s10 =	sld [smem:$0x3FBA]  }
0x3d: {  	_ =	shalt  }
0x3e: {  	_ =	shalt  }
0x3f: {  	_ =	shalt  }
0x40: {  	_ =	shalt  }
0x41: {  	_ =	shalt  }
0x42: {  	_ =	shalt  }
0x43: {  	_ =	shalt  }
0x44: {  	_ =	shalt  }
0x45: {  	_ =	shalt  }
0x46: {  	_ =	shalt  }
0x47: {  	_ =	shalt  }
0x48: {  	_ =	shalt  }
0x49: {  	_ =	shalt  }
0x4a: {  	_ =	shalt  }
0x4b: {  	_ =	shalt  }
0x4c: {  	_ =	shalt  }
0x4d: {  	_ =	shalt  }
0x4e: {  	_ =	shalt  }
0x4f: {  	_ =	shalt  }
0x50: {  	_ =	shalt  }
0x51: {  	_ =	shalt  }
0x52: {  	_ =	shalt  }
0x53: {  	_ =	shalt  }
0x54: {  	_ =	shalt  }
0x55: {  	_ =	shalt  }
0x56: {  	_ =	shalt  }
0x57: {  	_ =	shalt  }
0x58: {  	_ =	shalt  }
0x59: {  	_ =	shalt  }
0x5a: {  	_ =	shalt  }
0x5b: {  	_ =	shalt  }
0x5c: {  	_ =	shalt  }
0x5d: {  	_ =	shalt  }
0x5e: {  	_ =	shalt  }
0x5f: {  	_ =	shalt  }
0x60: {  	_ =	shalt  }
0x61: {  	_ =	shalt  }
0x62: {  	_ =	shalt  }
0x63: {  	_ =	shalt  }
0x64: {  	_ =	shalt  }
0x65: {  	_ =	shalt  }
0x66: {  	_ =	shalt  }
0x67: {  	_ =	shalt  }
0x68: {  	_ =	shalt  }
0x69: {  	_ =	shalt  }
0x6a: {  	_ =	shalt  }
0x6b: {  	_ =	shalt  }
0x6c: {  	_ =	shalt  }
0x6d: {  	_ =	shalt  }
0x6e: {  	_ =	shalt  }
0x6f: {  	_ =	shalt  }
0x70: {  	_ =	shalt  }
0x71: {  	_ =	shalt  }
0x72: {  	_ =	shalt  }
0x73: {  	_ =	shalt  }
0x74: {  	_ =	shalt  }
0x75: {  	_ =	shalt  }
0x76: {  	_ =	shalt  }
0x77: {  	_ =	shalt  }
0x78: {  	_ =	shalt  }
0x79: {  	_ =	shalt  }
0x7a: {  	_ =	shalt  }
0x7b: {  	_ =	shalt  }
0x7c: {  	_ =	shalt  }
0x7d: {  	_ =	shalt  }
0x7e: {  	_ =	shalt  }
0x7f: {  	_ =	shalt  }
0x80: {  	_ =	shalt  }
0x81: {  	_ =	shalt  }
0x82: {  	_ =	shalt  }
0x83: {  	_ =	shalt  }
0x84: {  	_ =	shalt  }
0x85: {  	_ =	shalt  }
0x86: {  	_ =	shalt  }
0x87: {  	_ =	shalt  }
.Lfunc_end0:
.L_simem_size_0:
called_computation_lowered:
.L_overlay_start_0:
0x88: {  	s2 =	sld [smem:$0x3FD9]  }
0x89: {  	s3 =	sld [smem:$0x3FFE];
	_ =	sdelay $0x1  }
0x8a: {  	s1 =	srdreg.scid  }
0x8b: {  	s0 =	sand.u32 $0x1, s1  }
0x8c: {  	s17 =	sshll.u32 s0, $0xA;
	s2 =	sadd.s32 s3, s2  }
0x8d: {  	s2 =	sadd.s32 s2, s17  }
0x8e: {  	[smem:$0x3FC6] =	sst s2  }
0x8f: {  	_ = 	snop  }
0x90: {  	s2 =	sld [smem:$0x3FD0];
	(tm) =	ssettm $0x1  }
0x91: {  	s18 =	sld [smem:$0x3FFB];
	_ =	sdelay $0x3  }
0x92: {  	_ =	strace s18  }
0x93: {  	s3 =	sld [smem:$0x3FFC];
	_ =	sdelay $0x3  }
0x94: {  	_ =	strace s3  }
0x95: {  	s3 =	sld [smem:$0x3FFD];
	_ =	sdelay $0x3  }
0x96: {  	_ =	strace s3  }
0x97: {  	_ =	strace $0x8FFFFFFF  }
0x98: {  	s19 =	sld [smem:$0x3FDB];
	_ =	sdelay $0x1  }
0x99: {  	s4 =	simm.s32 $_scs_section_size  }
0x9a: {  	s5 =	simm.s32 $_size__tile_overlayer_lowered;
	s6 =	simm.s32 $_tile_overlayer_lowered  }
0x9b: {  	s22 =	simm.s32 $0x1BFF;
	s21 =	sshll.u32 s6, $0x1;
	s3 =	sadd.s32 s4, s19  }
0x9c: {  	s7 =	simm.s32 $0x0;
	s20 =	sshll.u32 s5, $0x1;
	s5 =	sadd.s32 s21, s3  }
0x9d: {  	[timem:s7], [sflag:s22] =	dma.local [hbm:s5], s20  }
0x9e: {  	_ =	swait.ge [sflag:s22], s20  }
0x9f: {  	s4 =	ssub.s32 $0x0, s20;
	[sflag:s22] =	ssyncset.done $0x0  }
0xa0: {  	[sflag:s22] =	ssyncadd.s32 s4;
	_ =	sdelay $0x1  }
0xa1: {  	s23 =	simm.s32 $0x1B8B  }
0xa2: {  	_ =	swait.ge [sflag:s23], $0x1  }
0xa3: {  	[sflag:s23] =	ssyncset.done $0x0  }
0xa4: {  	s25 =	simm.s32 $0x1B8E;
	s24 =	sld [smem:$0x3FFE];
	[sflag:s23] =	ssyncadd.s32 $0xFFFFFFFF  }
0xa5: {  	s26 =	simm.s32 $execute0_lowered;
	[smem:$0x3FD2] =	sst s25  }
0xa6: {  	s5 =	sshll.u32 s26, $0x1;
	_ =	strace $0x80000046;
	[dreg:$0x1] =	wrdreg $0xFFFFFFFF  }
0xa7: {  	s28 =	simm.s32 $_size_execute0_lowered;
	s3 =	sadd.s32 s3, s5;
	[dreg:$0x0] =	wrdreg $0x0  }
0xa8: {  	s5 =	sshll.u32 s28, $0x1;
	[dreg:$0x2] =	wrdreg s3  }
0xa9: {  	[dreg:$0x3] =	wrdreg s5  }
0xaa: {  	[dreg:$0x4] =	wrdreg $0xC0  }
0xab: {  	_ =	task [dreg:s7], $0x5FFFF  }
0xac: {  	[dreg:$0x1] =	wrdreg $0xFFFFFFFF  }
0xad: {  	[dreg:$0x0] =	wrdreg $0x60  }
0xae: {  	[dreg:$0x2] =	wrdreg s24  }
0xaf: {  	[dreg:$0x3] =	wrdreg s2  }
0xb0: {  	[dreg:$0x4] =	wrdreg $0x9  }
0xb1: {  	_ =	task.clear_ibuf [dreg:s7], $0x5FFFF;
	_ =	strace $0x90000046  }
0xb2: {  	s29 =	simm.s32 $0x9;
	_ =	strace $0x80000048  }
0xb3: {  	_ =	swait.ge [sflag:s29], $0x1  }
0xb4: {  	[sflag:s29] =	ssyncadd.s32 $0xFFFFFFFF  }
0xb5: {  	_ =	strace $0x90000048  }
0xb6: {  	_ =	sfence  }
0xb7: {  	s30 =	sld [smem:$0x0];
	_ =	sdelay $0x2  }
0xb8: {  	s31 =	sshll.u32 s1, $0xD;
	s1 =	sshrl.u32 s1, $0x2  }
0xb9: {  	s3 =	sand.u32 $0x4000, s31;
	s1 =	sadd.s32 s1, s30  }
0xba: {  	s0 =	sor.u32 s3, s0;
	s1 =	sshll.u32 s1, $0x11  }
0xbb: {  	s0 =	sor.u32 s1, s0  }
0xbc: {  	s0 =	sadd.s32 $0x8F2B, s0  }
0xbd: {  	[sflag:s0] =	ssyncadd.remote.s32 $0x1  }
0xbe: {  	_ =	sfence.sel $0xFFFF  }
0xbf: {  	[dreg:$0x0] =	wrdreg $0xFFFFFFFF;
	(pc) =	sbr.abs _section_cstart, $3  }
0xc0: {  	[dreg:$0x1] =	wrdreg $0xFFFFFFFF  }
0xc1: {  	_ =	task.clear_ibuf [dreg:s7], $0x2FFFF;
	_ =	strace $0x9FFFFFFF  }
0xc2: {  	(tm) =	ssettm $0x7FFFFFFF  }
0xc3: {  	_ =	shalt  }
tec
execute0_lowered:
.L_overlay_start_1:
0x0: {  	(tag) =	ssettag $0x1  }
0x1: {  	s0 =	rddreg [dreg:$0x0];
	s2 =	simm.s32 $0x0;
	s1 =	srdreg.scid  }
0x2: {  	s3 =	stileid.u32;
	[smem:$0x7FF] =	sst s2  }
0x3: {  	s1 =	sand.u32 $0x1, s1;
	s23 =	sshrl.u32 s3, $0x1;
	s3 =	sshll.u32 s3, $0xD  }
0x4: {  	s25 =	sadd.s32 $0x400, s0;
	s28 =	sadd.s32 $0x600, s0;
	s4 =	sshll.u32 s1, $0xC  }
0x5: {  	s24 =	sshll.u32 s23, $0xE;
	s5 =	smul.u32 $0x64000, s23;
	_ =	strace $0x80000047  }
0x6: {  	s1 =	ssub.s32 $0x2, s1;
	[dreg:$0x4] =	wrdreg s25;
	s2 =	smul.u32 $0x19, s23  }
0x7: {  	[dreg:$0x5] =	wrdreg s28;
	s3 =	sor.u32 s4, s3;
	s26 =	sshrl.u32 s1, $0x1  }
0x8: {  	s4 =	ssub.s32 s3, s24;
	s29 =	ssub.s32 s1, s26;
	[dreg:$0x6] =	wrdreg s2  }
.Ltmp0:
0x9: {  	[dreg:$0x3] =	wrdreg s4;
	s4 =	sadd.s32 s5, s4;
	(pc) =	sbr.rel .LBB2_1-.Ltmp0, $4  }
0xa: {  	s0 =	smax.u32 s29, $0x1;
	s30 =	sor.u32 $0x200, s4;
	s31 =	sshrl.u32 s4, $0x3  }
0xb: {  	[dreg:$0x9] =	wrdreg s0;
	s1 =	sshrl.u32 s30, $0x3;
	s2 =	sadd.s32 s28, s31  }
0xc: {  	[dreg:$0x7] =	wrdreg s2;
	s1 =	sadd.s32 s28, s1  }
0xd: {  	s11 =	simm.s32 $0x10400;
	s2 =	simm.s32 $0x0;
	[dreg:$0x8] =	wrdreg s1  }
.LBB2_12:
0xe: {  	s0 =	simm.s32 $0x3  }
0xf: {  	_ =	swait.ge [sflag:s0], $0x8000  }
0x10: {  	[sflag:s0] =	ssyncset.done $0x0  }
0x11: {  	s1 =	simm.s32 $0x4;
	[sflag:s0] =	ssyncadd.s32 $0xFFFF8000  }
0x12: {  	_ =	swait.ge [sflag:s1], $0x8000  }
0x13: {  	s2 =	rddreg [dreg:$0xa]  }
0x14: {  	s31 =	rddreg [dreg:$0x9];
	s2 =	sadd.s32 $0x1, s2  }
0x15: {  	p0 =	sne.s32 s2, s31  }
.Ltmp1:
0x16: {  	_ = 	snop;
	(pc) =	sbr.rel @!p0 .LBB2_13-.Ltmp1, $3  }
0x17: {  	_ =	sdelay $0x1  }
0x18: {  	[sflag:s1] =	ssyncset.done $0x0  }
0x19: {  	[sflag:s1] =	ssyncadd.s32 $0xFFFF8000  }
.LBB2_1:
0x1a: {  	[dreg:$0xa] =	wrdreg s2  }
0x1b: {  	s0 =	simm.s32 $0x0;
	s1 =	rddreg [dreg:$0x4];
	s28 =	simm.s32 $0x5  }
0x1c: {  	[tilespmem:s11], [sflag:$0x5] =	stream.linear.gather [hbm4b:s1+s0], $0x200, $0x38;
	[tilespmem:$0x10600] =	vst v63  }
0x1d: {  	_ =	swait.ge [sflag:s28], $0x200  }
0x1e: {  	[sflag:s28] =	ssyncset.done $0x0  }
0x1f: {  	s29 =	rddreg [dreg:$0x7];
	[sflag:s28] =	ssyncadd.s32 $0xFFFFFE00  }
0x20: {  	[tilespmem:s0], [sflag:$0x1] =	stream.linear.gather [hbm4b:s29+s0], $0x200, $0x38;
	[tilespmem:$0x10600] =	vst v63  }
0x21: {  	s31 =	simm.s32 $0x200;
	s3 =	simm.s32 $0x0;
	s30 =	rddreg [dreg:$0x8]  }
0x22: {  	[tilespmem:s31], [sflag:$0x2] =	stream.linear.gather [hbm4b:s30+s0], $0x200, $0x38;
	[tilespmem:$0x10600] =	vst v63  }
.LBB2_2:
0x23: {  	s0 =	simm.s32 $0x1  }
0x24: {  	_ =	swait.ge [sflag:s0], $0x200  }
0x25: {  	p0 =	seq.s32 s3, $0x0;
	[sflag:s0] =	ssyncset.done $0x0  }
0x26: {  	s1 =	sshll.u32 s3, $0x1;
	[sflag:s0] =	ssyncadd.s32 $0xFFFFFE00;
	s0 =	simm.s32 @!p0 $0x3  }
0x27: {  	p1 =	por $0x0, $0x0;
	_ =	swait.ge @!p0 [sflag:s0], $0x8000;
	[dreg:$0xb] =	wrdreg s3  }
0x28: {  	s2 =	simm.s32 $0x0;
	[dreg:$0xc] =	wrdreg s1;
	[sflag:s0] =	ssyncset.done @!p0 $0x0  }
0x29: {  	s1 =	simm.s32 $0xFFFFFFC0;
	[sflag:s0] =	ssyncadd.s32 @!p0 $0xFFFF8000;
	s0 =	simm.s32 $0x0  }
.LBB2_3:
0x2a: {  	v0 =	vld [tilespmem:s0+$0x0];
	_ =	sdelay $0x4  }
0x2b: {  	v2 =	vmul.u32 $0x41, v0  }
0x2c: {  	s1 =	sadd.s32 $0x40, s1  }
0x2d: {  	s18 =	sand.u32 $0x40, s1;
	v0 =	vadd.s32 $0x1, v2  }
0x2e: {  	[dreg:$0xf] =	wrdreg s0;
	s0 =	sand.u32 $0x180, s1;
	s28 =	sor.u32 $0x10, s18;
	v1 =	vadd.s32 $0x2, v2  }
0x2f: {  	[dreg:$0x13] =	wrdreg s1;
	s1 =	sor.u32 s28, s0;
	v3 =	vadd.s32 $0x3, v2  }
0x30: {  	v15 =	vld [tilespmem:s1+$0x0];
	v4 =	vadd.s32 $0x4, v2  }
0x31: {  	v5 =	vadd.s32 $0x5, v2;
	v7 =	vld.idx.msk [tilespmem:v2+s11+$0x0], $0xffff  }
0x32: {  	v30 =	vadd.s32 $0x6, v2;
	v9 =	vld.idx.msk [tilespmem:v0+s11+$0x0], $0xffff  }
0x33: {  	v31 =	vadd.s32 $0x7, v2;
	v10 =	vld.idx.msk [tilespmem:v1+s11+$0x0], $0xffff  }
0x34: {  	v32 =	vadd.s32 $0x8, v2;
	v11 =	vld.idx.msk [tilespmem:v3+s11+$0x0], $0xffff  }
0x35: {  	v33 =	vadd.s32 $0x9, v2;
	v12 =	vld.idx.msk [tilespmem:v4+s11+$0x0], $0xffff  }
0x36: {  	v34 =	vadd.s32 $0xA, v2;
	v13 =	vld.idx.msk [tilespmem:v5+s11+$0x0], $0xffff  }
0x37: {  	v35 =	vadd.s32 $0xB, v2;
	v14 =	vld.idx.msk [tilespmem:v30+s11+$0x0], $0xffff  }
0x38: {  	v36 =	vadd.s32 $0xC, v2;
	v16 =	vld.idx.msk [tilespmem:v31+s11+$0x0], $0xffff  }
0x39: {  	v37 =	vadd.s32 $0xD, v2;
	v17 =	vld.idx.msk [tilespmem:v32+s11+$0x0], $0xffff  }
0x3a: {  	v38 =	vadd.s32 $0xE, v2;
	v18 =	vld.idx.msk [tilespmem:v33+s11+$0x0], $0xffff  }
0x3b: {  	v39 =	vadd.s32 $0xF, v2;
	v20 =	vld.idx.msk [tilespmem:v34+s11+$0x0], $0xffff  }
0x3c: {  	v40 =	vadd.s32 $0x10, v2;
	v21 =	vld.idx.msk [tilespmem:v35+s11+$0x0], $0xffff  }
0x3d: {  	v41 =	vadd.s32 $0x11, v2;
	v22 =	vld.idx.msk [tilespmem:v36+s11+$0x0], $0xffff  }
0x3e: {  	v42 =	vadd.s32 $0x12, v2;
	v23 =	vld.idx.msk [tilespmem:v37+s11+$0x0], $0xffff  }
0x3f: {  	v43 =	vadd.s32 $0x13, v2;
	v25 =	vld.idx.msk [tilespmem:v38+s11+$0x0], $0xffff  }
0x40: {  	v44 =	vadd.s32 $0x14, v2;
	v26 =	vld.idx.msk [tilespmem:v39+s11+$0x0], $0xffff  }
0x41: {  	v45 =	vadd.s32 $0x15, v2;
	v28 =	vld.idx.msk [tilespmem:v40+s11+$0x0], $0xffff  }
0x42: {  	v46 =	vadd.s32 $0x16, v2;
	v29 =	vld.idx.msk [tilespmem:v41+s11+$0x0], $0xffff  }
0x43: {  	v47 =	vadd.s32 $0x17, v2;
	v31 =	vld.idx.msk [tilespmem:v42+s11+$0x0], $0xffff  }
0x44: {  	v48 =	vadd.s32 $0x18, v2;
	v33 =	vld.idx.msk [tilespmem:v43+s11+$0x0], $0xffff  }
0x45: {  	v6 =	vadd.s32 $0x19, v2;
	v35 =	vld.idx.msk [tilespmem:v44+s11+$0x0], $0xffff  }
0x46: {  	v8 =	vadd.s32 $0x1A, v2;
	v3 =	vld.idx.msk [tilespmem:v45+s11+$0x0], $0xffff  }
0x47: {  	v19 =	vadd.s32 $0x1B, v2;
	v0 =	vld.idx.msk [tilespmem:v46+s11+$0x0], $0xffff  }
0x48: {  	v49 =	vadd.s32 $0x1C, v2;
	v34 =	vld.idx.msk [tilespmem:v47+s11+$0x0], $0xffff  }
0x49: {  	v50 =	vadd.s32 $0x1D, v2;
	v32 =	vld.idx.msk [tilespmem:v48+s11+$0x0], $0xffff  }
0x4a: {  	v51 =	vadd.s32 $0x1E, v2;
	v30 =	vld.idx.msk [tilespmem:v6+s11+$0x0], $0xffff  }
0x4b: {  	v27 =	vld.idx.msk [tilespmem:v8+s11+$0x0], $0xffff;
	v36 =	vadd.s32 $0x1F, v2;
	v1 =	vmul.u32 $0x41, v15  }
0x4c: {  	v24 =	vld.idx.msk [tilespmem:v19+s11+$0x0], $0xffff  }
0x4d: {  	v19 =	vld.idx.msk [tilespmem:v49+s11+$0x0], $0xffff;
	v37 =	vadd.s32 $0x1, v1  }
0x4e: {  	s19 =	sand.u32 $0xC00, s2;
	v15 =	vld.idx.msk [tilespmem:v50+s11+$0x0], $0xffff;
	v38 =	vadd.s32 $0x2, v1  }
0x4f: {  	[dreg:$0x11] =	wrdreg s2;
	s2 =	sadd.s32 $0x400, s19;
	v8 =	vld.idx.msk [tilespmem:v51+s11+$0x0], $0xffff;
	v39 =	vadd.s32 $0x3, v1  }
0x50: {  	[dreg:$0x15] =	wrdreg s2;
	s2 =	sor.u32 s18, s2;
	s1 =	simm.s32 $0x1;
	v52 =	vadd.s32 $0x4, v1;
	v5 =	vld.idx.msk [tilespmem:v36+s11+$0x0], $0xffff  }
0x51: {  	s1 =	simm.s32 @!p1 $0x0;
	v40 =	vadd.s32 $0x5, v1;
	[tilespmem:s2+$0x0] =	vst v7;
	v4 =	vld.idx.msk [tilespmem:v1+s11+$0x0], $0xffff  }
0x52: {  	s3 =	rddreg [dreg:$0x11];
	s1 =	sshll.u32 s1, $0x6;
	v53 =	vadd.s32 $0x6, v1;
	[tilespmem:s2+$0x80] =	vst v9;
	v6 =	vld.idx.msk [tilespmem:v37+s11+$0x0], $0xffff  }
0x53: {  	s4 =	sadd.s32 s1, s3;
	v54 =	vadd.s32 $0x7, v1;
	[tilespmem:s2+$0x100] =	vst v10;
	v7 =	vld.idx.msk [tilespmem:v38+s11+$0x0], $0xffff  }
0x54: {  	s16 =	rddreg [dreg:$0x11];
	s1 =	sor.u32 $0x200, s4;
	v55 =	vadd.s32 $0x8, v1;
	[tilespmem:s2+$0x180] =	vst v11;
	v9 =	vld.idx.msk [tilespmem:v39+s11+$0x0], $0xffff  }
0x55: {  	s17 =	rddreg [dreg:$0x13];
	s14 =	sor.u32 $0x280, s4;
	v56 =	vadd.s32 $0x9, v1;
	[tilespmem:s1+$0x400] =	vst v12;
	v10 =	vld.idx.msk [tilespmem:v52+s11+$0x0], $0xffff  }
0x56: {  	s15 =	sor.u32 $0x300, s4;
	v57 =	vadd.s32 $0xA, v1;
	s2 =	sor.u32 s16, s17;
	v11 =	vld.idx.msk [tilespmem:v40+s11+$0x0], $0xffff;
	[tilespmem:s14+$0x400] =	vst v13  }
0x57: {  	s21 =	sadd.s32 $0x1400, s19;
	v58 =	vadd.s32 $0xB, v1;
	s20 =	sor.u32 $0x380, s2;
	v12 =	vld.idx.msk [tilespmem:v53+s11+$0x0], $0xffff;
	[tilespmem:s15+$0x400] =	vst v14  }
0x58: {  	s23 =	sadd.s32 $0x1480, s19;
	s22 =	sor.u32 s18, s21;
	v59 =	vadd.s32 $0xC, v1;
	v13 =	vld.idx.msk [tilespmem:v54+s11+$0x0], $0xffff;
	[tilespmem:s20+$0x400] =	vst v16  }
0x59: {  	s25 =	sadd.s32 $0x1500, s19;
	s24 =	sor.u32 s18, s23;
	v60 =	vadd.s32 $0xD, v1;
	v14 =	vld.idx.msk [tilespmem:v55+s11+$0x0], $0xffff;
	[tilespmem:s22+$0x0] =	vst v17  }
0x5a: {  	s6 =	sadd.s32 $0x1580, s19;
	s26 =	sor.u32 s18, s25;
	v61 =	vadd.s32 $0xE, v1;
	v16 =	vld.idx.msk [tilespmem:v56+s11+$0x0], $0xffff;
	[tilespmem:s24+$0x0] =	vst v18  }
0x5b: {  	s7 =	sadd.s32 $0x1600, s19;
	s29 =	sor.u32 s18, s6;
	v62 =	vadd.s32 $0xF, v1;
	v17 =	vld.idx.msk [tilespmem:v57+s11+$0x0], $0xffff;
	[tilespmem:s26+$0x0] =	vst v20  }
0x5c: {  	s9 =	sadd.s32 $0x1680, s19;
	s30 =	sor.u32 s18, s7;
	v63 =	vadd.s32 $0x10, v1;
	v18 =	vld.idx.msk [tilespmem:v58+s11+$0x0], $0xffff;
	[tilespmem:s29+$0x0] =	vst v21  }
0x5d: {  	s10 =	sadd.s32 $0x1700, s19;
	s31 =	sor.u32 s18, s9;
	v44 =	vadd.s32 $0x11, v1;
	v20 =	vld.idx.msk [tilespmem:v59+s11+$0x0], $0xffff;
	[tilespmem:s30+$0x0] =	vst v22  }
0x5e: {  	s12 =	sadd.s32 $0x1780, s19;
	v45 =	vadd.s32 $0x12, v1;
	s2 =	sor.u32 s18, s10;
	v21 =	vld.idx.msk [tilespmem:v60+s11+$0x0], $0xffff;
	[tilespmem:s31+$0x0] =	vst v23  }
0x5f: {  	s13 =	sadd.s32 $0x2400, s19;
	s3 =	sor.u32 s18, s12;
	v46 =	vadd.s32 $0x13, v1;
	v22 =	vld.idx.msk [tilespmem:v61+s11+$0x0], $0xffff;
	[tilespmem:s2+$0x0] =	vst v25  }
0x60: {  	s5 =	sor.u32 s18, s13;
	v47 =	vadd.s32 $0x14, v1;
	s15 =	sadd.s32 $0x2480, s19;
	v23 =	vld.idx.msk [tilespmem:v62+s11+$0x0], $0xffff;
	[tilespmem:s3+$0x0] =	vst v26  }
0x61: {  	v50 =	vadd.s32 $0x17, v1;
	s17 =	sadd.s32 $0x2500, s19;
	s8 =	sor.u32 s18, s15;
	v25 =	vld.idx.msk [tilespmem:v63+s11+$0x0], $0xffff;
	[tilespmem:s5+$0x0] =	vst v28  }
0x62: {  	[dreg:$0x17] =	wrdreg s21;
	s14 =	sor.u32 s18, s17;
	v53 =	vadd.s32 $0x1A, v1;
	s20 =	sadd.s32 $0x2580, s19;
	v26 =	vld.idx.msk [tilespmem:v44+s11+$0x0], $0xffff;
	[tilespmem:s8+$0x0] =	vst v29  }
0x63: {  	[smem:$0x7CB] =	sst s23;
	s21 =	sadd.s32 $0x2600, s19;
	v56 =	vadd.s32 $0x1D, v1;
	s16 =	sor.u32 s18, s20;
	v28 =	vld.idx.msk [tilespmem:v45+s11+$0x0], $0xffff;
	[tilespmem:s14+$0x0] =	vst v31  }
0x64: {  	[smem:$0x7CC] =	sst s25;
	s22 =	sor.u32 s18, s21;
	s5 =	sadd.s32 $0x2680, s19;
	v29 =	vld.idx.msk [tilespmem:v46+s11+$0x0], $0xffff;
	[tilespmem:s16+$0x0] =	vst v33  }
0x65: {  	[smem:$0x7CD] =	sst s6;
	v48 =	vadd.s32 $0x15, v1;
	s23 =	sor.u32 s18, s5;
	v31 =	vld.idx.msk [tilespmem:v47+s11+$0x0], $0xffff;
	[tilespmem:s22+$0x0] =	vst v35;
	s22 =	sadd.s32 $0x2700, s19  }
0x66: {  	[smem:$0x7CE] =	sst s7;
	v51 =	vadd.s32 $0x18, v1;
	s14 =	sadd.s32 $0x2780, s19;
	v47 =	vld.idx.msk [tilespmem:v50+s11+$0x0], $0xffff;
	[tilespmem:s23+$0x0] =	vst v3;
	s26 =	sor.u32 s18, s22  }
0x67: {  	v54 =	vadd.s32 $0x1B, v1;
	s30 =	sor.u32 $0x20, s18;
	s3 =	sadd.s32 $0x3400, s19;
	v50 =	vld.idx.msk [tilespmem:v53+s11+$0x0], $0xffff;
	s31 =	sor.u32 s18, s14;
	[tilespmem:s26+$0x0] =	vst v0  }
0x68: {  	v57 =	vadd.s32 $0x1E, v1;
	s24 =	sor.u32 s30, s0;
	s1 =	sor.u32 s18, s3;
	v53 =	vld.idx.msk [tilespmem:v56+s11+$0x0], $0xffff;
	s23 =	sadd.s32 $0x3480, s19;
	[tilespmem:s31+$0x0] =	vst v34  }
0x69: {  	[smem:$0x7CF] =	sst s9;
	v49 =	vadd.s32 $0x16, v1;
	v3 =	vld [tilespmem:s24+$0x0];
	s24 =	sadd.s32 $0x3500, s19;
	s2 =	sor.u32 s18, s23;
	[tilespmem:s1+$0x0] =	vst v32  }
0x6a: {  	[smem:$0x7D0] =	sst s10;
	v52 =	vadd.s32 $0x19, v1;
	v33 =	vld.idx.msk [tilespmem:v48+s11+$0x0], $0xffff;
	s8 =	sor.u32 s18, s24;
	s26 =	sadd.s32 $0x3580, s19;
	[tilespmem:s2+$0x0] =	vst v30  }
0x6b: {  	[smem:$0x7D1] =	sst s12;
	v55 =	vadd.s32 $0x1C, v1;
	v48 =	vld.idx.msk [tilespmem:v51+s11+$0x0], $0xffff;
	s16 =	sor.u32 s18, s26;
	s31 =	sadd.s32 $0x3600, s19;
	[tilespmem:s8+$0x0] =	vst v27  }
0x6c: {  	[smem:$0x7D2] =	sst s13;
	v51 =	vld.idx.msk [tilespmem:v54+s11+$0x0], $0xffff;
	s1 =	sor.u32 s18, s31;
	s2 =	sadd.s32 $0x3680, s19;
	[tilespmem:s16+$0x0] =	vst v24  }
0x6d: {  	[smem:$0x7D6] =	sst s21;
	v58 =	vadd.s32 $0x1F, v1;
	v54 =	vld.idx.msk [tilespmem:v57+s11+$0x0], $0xffff;
	s8 =	sor.u32 s18, s2;
	s16 =	sadd.s32 $0x3700, s19;
	[tilespmem:s1+$0x0] =	vst v19  }
0x6e: {  	[smem:$0x7CA] =	sst s4;
	v35 =	vld.idx.msk [tilespmem:v49+s11+$0x0], $0xffff;
	s1 =	sor.u32 s18, s16;
	[tilespmem:s8+$0x0] =	vst v15;
	s8 =	sadd.s32 $0x3780, s19  }
0x6f: {  	[smem:$0x7D4] =	sst s17;
	s29 =	sor.u32 $0x30, s18;
	v49 =	vld.idx.msk [tilespmem:v52+s11+$0x0], $0xffff;
	[tilespmem:s1+$0x0] =	vst v8;
	s1 =	sor.u32 s18, s8  }
0x70: {  	v59 =	vadd.s32 $0x20, v2;
	s0 =	sor.u32 s29, s0;
	v52 =	vld.idx.msk [tilespmem:v55+s11+$0x0], $0xffff;
	[tilespmem:s1+$0x0] =	vst v5;
	s1 =	rddreg [dreg:$0x15]  }
0x71: {  	[smem:$0x7D3] =	sst s15;
	v60 =	vadd.s32 $0x21, v2;
	v0 =	vld [tilespmem:s0+$0x0];
	s0 =	sor.u32 s28, s1  }
0x72: {  	[smem:$0x7D5] =	sst s20;
	v61 =	vadd.s32 $0x22, v2;
	v55 =	vld.idx.msk [tilespmem:v58+s11+$0x0], $0xffff;
	[tilespmem:s0+$0x0] =	vst v4  }
0x73: {  	v62 =	vadd.s32 $0x23, v2;
	[smem:$0x7DA] =	sst s3;
	[tilespmem:s0+$0x80] =	vst v6  }
0x74: {  	v63 =	vadd.s32 $0x24, v2;
	[smem:$0x7D7] =	sst s5;
	s1 =	sadd.s32 $0x10, s4;
	[tilespmem:s0+$0x100] =	vst v7  }
0x75: {  	[smem:$0x7D9] =	sst s14;
	v30 =	vadd.s32 $0x25, v2;
	v56 =	vld.idx.msk [tilespmem:v59+s11+$0x0], $0xffff;
	[tilespmem:s0+$0x180] =	vst v9;
	s4 =	sor.u32 $0x200, s1  }
0x76: {  	[smem:$0x7D8] =	sst s22;
	v32 =	vadd.s32 $0x26, v2;
	v46 =	vld.idx.msk [tilespmem:v60+s11+$0x0], $0xffff;
	[tilespmem:s4+$0x400] =	vst v10;
	s4 =	sor.u32 $0x280, s1  }
0x77: {  	[smem:$0x7DB] =	sst s23;
	v34 =	vadd.s32 $0x27, v2;
	v44 =	vld.idx.msk [tilespmem:v61+s11+$0x0], $0xffff;
	[tilespmem:s4+$0x400] =	vst v11;
	s4 =	sor.u32 $0x300, s1  }
0x78: {  	v36 =	vadd.s32 $0x28, v2;
	[smem:$0x7DC] =	sst s24;
	v45 =	vld.idx.msk [tilespmem:v62+s11+$0x0], $0xffff;
	s1 =	sor.u32 $0x380, s1;
	[tilespmem:s4+$0x400] =	vst v12  }
0x79: {  	v37 =	vadd.s32 $0x29, v2;
	v15 =	vld.idx.msk [tilespmem:v63+s11+$0x0], $0xffff;
	[tilespmem:s1+$0x400] =	vst v13;
	s1 =	sld [smem:$0x7CB]  }
0x7a: {  	v38 =	vadd.s32 $0x2A, v2;
	v43 =	vld.idx.msk [tilespmem:v30+s11+$0x0], $0xffff;
	s4 =	rddreg [dreg:$0x17]  }
0x7b: {  	v57 =	vadd.s32 $0x2B, v2;
	[smem:$0x7DD] =	sst s26;
	v19 =	vld.idx.msk [tilespmem:v32+s11+$0x0], $0xffff;
	s0 =	sor.u32 s28, s4  }
0x7c: {  	v58 =	vadd.s32 $0x2C, v2;
	[smem:$0x7DE] =	sst s31;
	v42 =	vld.idx.msk [tilespmem:v34+s11+$0x0], $0xffff;
	[tilespmem:s0+$0x0] =	vst v14;
	s0 =	sor.u32 s28, s1  }
0x7d: {  	[smem:$0x7DF] =	sst s2;
	v41 =	vld.idx.msk [tilespmem:v36+s11+$0x0], $0xffff;
	v59 =	vadd.s32 $0x2D, v2;
	s4 =	sor.u32 s28, s25;
	[tilespmem:s0+$0x0] =	vst v16  }
0x7e: {  	s6 =	sor.u32 s28, s6;
	[smem:$0x7E0] =	sst s16;
	v40 =	vld.idx.msk [tilespmem:v37+s11+$0x0], $0xffff;
	v60 =	vadd.s32 $0x2E, v2;
	[tilespmem:s4+$0x0] =	vst v17  }
0x7f: {  	[smem:$0x7E1] =	sst s8;
	v27 =	vld.idx.msk [tilespmem:v38+s11+$0x0], $0xffff;
	v61 =	vadd.s32 $0x2F, v2;
	[tilespmem:s6+$0x0] =	vst v18  }
0x80: {  	v62 =	vadd.s32 $0x30, v2;
	v39 =	vld.idx.msk [tilespmem:v57+s11+$0x0], $0xffff  }
0x81: {  	s7 =	sor.u32 s28, s7;
	v63 =	vadd.s32 $0x31, v2;
	v38 =	vld.idx.msk [tilespmem:v58+s11+$0x0], $0xffff  }
0x82: {  	s9 =	sor.u32 s28, s9;
	v13 =	vadd.s32 $0x33, v2;
	[tilespmem:s7+$0x0] =	vst v20;
	v37 =	vld.idx.msk [tilespmem:v59+s11+$0x0], $0xffff  }
0x83: {  	s25 =	sor.u32 s28, s10;
	v14 =	vadd.s32 $0x34, v2;
	[tilespmem:s9+$0x0] =	vst v21;
	v36 =	vld.idx.msk [tilespmem:v60+s11+$0x0], $0xffff  }
0x84: {  	s1 =	sor.u32 s28, s12;
	v16 =	vadd.s32 $0x35, v2;
	v34 =	vld.idx.msk [tilespmem:v61+s11+$0x0], $0xffff;
	[tilespmem:s25+$0x0] =	vst v22  }
0x85: {  	v12 =	vadd.s32 $0x32, v2;
	s4 =	sor.u32 s28, s13;
	v32 =	vld.idx.msk [tilespmem:v62+s11+$0x0], $0xffff;
	[tilespmem:s1+$0x0] =	vst v23  }
0x86: {  	s6 =	sor.u32 s28, s15;
	v17 =	vadd.s32 $0x36, v2;
	v30 =	vld.idx.msk [tilespmem:v63+s11+$0x0], $0xffff;
	[tilespmem:s4+$0x0] =	vst v25  }
0x87: {  	s7 =	sor.u32 s28, s17;
	v24 =	vld.idx.msk [tilespmem:v13+s11+$0x0], $0xffff;
	v58 =	vadd.s32 $0x3F, v2;
	[tilespmem:s6+$0x0] =	vst v26  }
0x88: {  	s9 =	sor.u32 s28, s20;
	v22 =	vld.idx.msk [tilespmem:v14+s11+$0x0], $0xffff;
	[tilespmem:s7+$0x0] =	vst v28;
	v28 =	vadd.s32 $0x37, v2  }
0x89: {  	s10 =	sor.u32 s28, s21;
	v20 =	vld.idx.msk [tilespmem:v16+s11+$0x0], $0xffff;
	[tilespmem:s9+$0x0] =	vst v29;
	v29 =	vadd.s32 $0x38, v2  }
0x8a: {  	s12 =	sor.u32 s28, s5;
	v57 =	vadd.s32 $0x3E, v2;
	v26 =	vld.idx.msk [tilespmem:v12+s11+$0x0], $0xffff;
	[tilespmem:s10+$0x0] =	vst v31  }
0x8b: {  	s13 =	sor.u32 s28, s22;
	v18 =	vld.idx.msk [tilespmem:v17+s11+$0x0], $0xffff;
	v31 =	vadd.s32 $0x39, v2;
	[tilespmem:s12+$0x0] =	vst v33  }
0x8c: {  	s15 =	sor.u32 s28, s14;
	v5 =	vld.idx.msk [tilespmem:v58+s11+$0x0], $0xffff;
	v33 =	vadd.s32 $0x3A, v2;
	[tilespmem:s13+$0x0] =	vst v35  }
0x8d: {  	s17 =	sor.u32 s28, s3;
	v35 =	vadd.s32 $0x3B, v2;
	[tilespmem:s15+$0x0] =	vst v47;
	v16 =	vld.idx.msk [tilespmem:v28+s11+$0x0], $0xffff  }
0x8e: {  	s20 =	sor.u32 s28, s23;
	v47 =	vadd.s32 $0x3C, v2;
	[tilespmem:s17+$0x0] =	vst v48;
	v14 =	vld.idx.msk [tilespmem:v29+s11+$0x0], $0xffff  }
0x8f: {  	s21 =	sor.u32 s28, s24;
	v48 =	vadd.s32 $0x3D, v2;
	v2 =	vld.idx.msk [tilespmem:v57+s11+$0x0], $0xffff;
	[tilespmem:s20+$0x0] =	vst v49  }
0x90: {  	s22 =	sor.u32 s28, s26;
	v12 =	vld.idx.msk [tilespmem:v31+s11+$0x0], $0xffff;
	[tilespmem:s21+$0x0] =	vst v50  }
0x91: {  	s23 =	sor.u32 s28, s31;
	v10 =	vld.idx.msk [tilespmem:v33+s11+$0x0], $0xffff;
	[tilespmem:s22+$0x0] =	vst v51  }
0x92: {  	s24 =	sor.u32 s28, s2;
	s26 =	sadd.s32 $0x4400, s19;
	v6 =	vld.idx.msk [tilespmem:v35+s11+$0x0], $0xffff;
	[tilespmem:s23+$0x0] =	vst v52  }
0x93: {  	v59 =	vadd.s32 $0x20, v1;
	s1 =	sor.u32 s18, s26;
	v7 =	vld.idx.msk [tilespmem:v47+s11+$0x0], $0xffff;
	[tilespmem:s24+$0x0] =	vst v53  }
0x94: {  	s2 =	sadd.s32 $0x4480, s19;
	v60 =	vadd.s32 $0x21, v1;
	s25 =	sor.u32 s28, s16;
	v4 =	vld.idx.msk [tilespmem:v48+s11+$0x0], $0xffff;
	[tilespmem:s1+$0x0] =	vst v56  }
0x95: {  	s3 =	sor.u32 s18, s2;
	v61 =	vadd.s32 $0x22, v1;
	[tilespmem:s25+$0x0] =	vst v54  }
0x96: {  	v62 =	vadd.s32 $0x23, v1;
	s31 =	sor.u32 s28, s8;
	s4 =	sadd.s32 $0x4500, s19;
	[tilespmem:s3+$0x0] =	vst v46  }
0x97: {  	s5 =	sor.u32 s18, s4;
	s6 =	sadd.s32 $0x4580, s19;
	v33 =	vadd.s32 $0x25, v1;
	[tilespmem:s31+$0x0] =	vst v55  }
0x98: {  	s8 =	sadd.s32 $0x4600, s19;
	s7 =	sor.u32 s18, s6;
	v49 =	vadd.s32 $0x2C, v1;
	[tilespmem:s5+$0x0] =	vst v44;
	v8 =	vld.idx.msk [tilespmem:v59+s11+$0x0], $0xffff  }
0x99: {  	s9 =	sor.u32 s18, s8;
	s10 =	sadd.s32 $0x4680, s19;
	v50 =	vadd.s32 $0x2D, v1;
	v9 =	vld.idx.msk [tilespmem:v60+s11+$0x0], $0xffff;
	[tilespmem:s7+$0x0] =	vst v45  }
0x9a: {  	s12 =	sor.u32 s18, s10;
	s13 =	sadd.s32 $0x4700, s19;
	v51 =	vadd.s32 $0x2E, v1;
	v11 =	vld.idx.msk [tilespmem:v61+s11+$0x0], $0xffff;
	[tilespmem:s9+$0x0] =	vst v15  }
0x9b: {  	v63 =	vadd.s32 $0x24, v1;
	s14 =	sor.u32 s18, s13;
	s15 =	sadd.s32 $0x4780, s19;
	v13 =	vld.idx.msk [tilespmem:v62+s11+$0x0], $0xffff;
	[tilespmem:s12+$0x0] =	vst v43  }
0x9c: {  	s16 =	sor.u32 s18, s15;
	v48 =	vadd.s32 $0x2B, v1;
	s31 =	sadd.s32 $0x5400, s19;
	v17 =	vld.idx.msk [tilespmem:v33+s11+$0x0], $0xffff;
	[tilespmem:s14+$0x0] =	vst v19  }
0x9d: {  	v35 =	vadd.s32 $0x26, v1;
	s25 =	sadd.s32 $0x5480, s19;
	s17 =	sor.u32 s18, s31;
	v29 =	vld.idx.msk [tilespmem:v49+s11+$0x0], $0xffff;
	[tilespmem:s16+$0x0] =	vst v42  }
0x9e: {  	v46 =	vadd.s32 $0x29, v1;
	s20 =	sor.u32 s18, s25;
	v31 =	vld.idx.msk [tilespmem:v50+s11+$0x0], $0xffff;
	s16 =	sadd.s32 $0x5500, s19;
	[tilespmem:s17+$0x0] =	vst v41  }
0x9f: {  	[smem:$0x7E4] =	sst s15;
	s15 =	sadd.s32 $0x5580, s19;
	v44 =	vadd.s32 $0x27, v1;
	v33 =	vld.idx.msk [tilespmem:v51+s11+$0x0], $0xffff;
	s21 =	sor.u32 s18, s16;
	[tilespmem:s20+$0x0] =	vst v40  }
0xa0: {  	s22 =	sor.u32 s18, s15;
	v45 =	vadd.s32 $0x28, v1;
	v15 =	vld.idx.msk [tilespmem:v63+s11+$0x0], $0xffff;
	s14 =	sadd.s32 $0x5600, s19;
	[tilespmem:s21+$0x0] =	vst v27  }
0xa1: {  	[smem:$0x7E3] =	sst s13;
	s13 =	sadd.s32 $0x5680, s19;
	v47 =	vadd.s32 $0x2A, v1;
	v28 =	vld.idx.msk [tilespmem:v48+s11+$0x0], $0xffff;
	s23 =	sor.u32 s18, s14;
	[tilespmem:s22+$0x0] =	vst v39  }
0xa2: {  	v58 =	vadd.s32 $0x35, v1;
	v57 =	vadd.s32 $0x34, v1;
	s24 =	sor.u32 s18, s13;
	v19 =	vld.idx.msk [tilespmem:v35+s11+$0x0], $0xffff;
	v42 =	vadd.s32 $0x3B, v1;
	s21 =	sadd.s32 $0x5700, s19;
	[tilespmem:s23+$0x0] =	vst v38  }
0xa3: {  	[dreg:$0x19] =	wrdreg s26;
	v52 =	vadd.s32 $0x2F, v1;
	v53 =	vadd.s32 $0x30, v1;
	v56 =	vadd.s32 $0x33, v1;
	v25 =	vld.idx.msk [tilespmem:v46+s11+$0x0], $0xffff;
	s26 =	sor.u32 s18, s21;
	s22 =	sadd.s32 $0x5780, s19;
	[tilespmem:s24+$0x0] =	vst v37  }
0xa4: {  	v54 =	vadd.s32 $0x31, v1;
	v55 =	vadd.s32 $0x32, v1;
	v59 =	vadd.s32 $0x36, v1;
	v21 =	vld.idx.msk [tilespmem:v44+s11+$0x0], $0xffff;
	s1 =	sor.u32 s18, s22;
	s23 =	sadd.s32 $0x6400, s19;
	[tilespmem:s26+$0x0] =	vst v36  }
0xa5: {  	[dreg:$0x1b] =	wrdreg s2;
	v60 =	vadd.s32 $0x37, v1;
	v61 =	vadd.s32 $0x38, v1;
	v62 =	vadd.s32 $0x39, v1;
	v23 =	vld.idx.msk [tilespmem:v45+s11+$0x0], $0xffff;
	s2 =	sor.u32 s18, s23;
	s24 =	sadd.s32 $0x6480, s19;
	[tilespmem:s1+$0x0] =	vst v34  }
0xa6: {  	v63 =	vadd.s32 $0x3A, v1;
	v43 =	vadd.s32 $0x3C, v1;
	v46 =	vadd.s32 $0x3F, v1;
	v27 =	vld.idx.msk [tilespmem:v47+s11+$0x0], $0xffff;
	s3 =	sor.u32 s18, s24;
	s26 =	sadd.s32 $0x6500, s19;
	[tilespmem:s2+$0x0] =	vst v32  }
0xa7: {  	[dreg:$0x1c] =	wrdreg s4;
	s12 =	sadd.s32 $0x6580, s19;
	v44 =	vadd.s32 $0x3D, v1;
	v45 =	vadd.s32 $0x3E, v1;
	v1 =	vmul.u32 $0x41, v3;
	v3 =	vld.idx.msk [tilespmem:v42+s11+$0x0], $0xffff;
	s4 =	sor.u32 s18, s26;
	[tilespmem:s3+$0x0] =	vst v30  }
0xa8: {  	[smem:$0x7E2] =	sst s10;
	s10 =	sadd.s32 $0x6600, s19;
	s5 =	sor.u32 s18, s12;
	v34 =	vld.idx.msk [tilespmem:v52+s11+$0x0], $0xffff;
	[tilespmem:s4+$0x0] =	vst v26  }
0xa9: {  	[dreg:$0x1e] =	wrdreg s6;
	s6 =	sor.u32 s18, s10;
	s9 =	sadd.s32 $0x6680, s19;
	v32 =	vld.idx.msk [tilespmem:v53+s11+$0x0], $0xffff;
	[tilespmem:s5+$0x0] =	vst v24  }
0xaa: {  	[smem:$0x7FD] =	sst s8;
	s8 =	sadd.s32 $0x6700, s19;
	s7 =	sor.u32 s18, s9;
	v30 =	vld.idx.msk [tilespmem:v54+s11+$0x0], $0xffff;
	[tilespmem:s6+$0x0] =	vst v22  }
0xab: {  	s17 =	sor.u32 s18, s8;
	v26 =	vld.idx.msk [tilespmem:v55+s11+$0x0], $0xffff;
	[tilespmem:s7+$0x0] =	vst v20;
	s7 =	sadd.s32 $0x6780, s19  }
0xac: {  	v24 =	vld.idx.msk [tilespmem:v56+s11+$0x0], $0xffff;
	s6 =	sadd.s32 $0x7400, s19;
	[tilespmem:s17+$0x0] =	vst v18;
	s0 =	sor.u32 s18, s7  }
0xad: {  	s5 =	sadd.s32 $0x7480, s19;
	v22 =	vld.idx.msk [tilespmem:v57+s11+$0x0], $0xffff;
	s1 =	sor.u32 s18, s6;
	[tilespmem:s0+$0x0] =	vst v16  }
0xae: {  	s3 =	sadd.s32 $0x7500, s19;
	s2 =	sor.u32 s18, s5;
	v20 =	vld.idx.msk [tilespmem:v58+s11+$0x0], $0xffff;
	[tilespmem:s1+$0x0] =	vst v14  }
0xaf: {  	s4 =	sor.u32 s18, s3;
	v18 =	vld.idx.msk [tilespmem:v59+s11+$0x0], $0xffff;
	[tilespmem:s2+$0x0] =	vst v12;
	s2 =	sadd.s32 $0x7580, s19  }
0xb0: {  	v16 =	vld.idx.msk [tilespmem:v60+s11+$0x0], $0xffff;
	s1 =	sadd.s32 $0x7600, s19;
	[tilespmem:s4+$0x0] =	vst v10;
	s17 =	sor.u32 s18, s2;
	s4 =	sadd.s32 $0x7680, s19  }
0xb1: {  	v14 =	vld.idx.msk [tilespmem:v61+s11+$0x0], $0xffff;
	s0 =	sor.u32 s18, s1;
	[tilespmem:s17+$0x0] =	vst v6;
	s17 =	sor.u32 s18, s4  }
0xb2: {  	v12 =	vld.idx.msk [tilespmem:v62+s11+$0x0], $0xffff;
	s20 =	smov.u32 s4;
	[smem:$0x7FA] =	sst s4;
	s4 =	sadd.s32 $0x7700, s19;
	[tilespmem:s0+$0x0] =	vst v7  }
0xb3: {  	v10 =	vld.idx.msk [tilespmem:v63+s11+$0x0], $0xffff;
	s0 =	sadd.s32 $0x7780, s19;
	s19 =	sor.u32 s18, s4;
	[tilespmem:s17+$0x0] =	vst v4  }
0xb4: {  	v6 =	vld.idx.msk [tilespmem:v43+s11+$0x0], $0xffff;
	[smem:$0x7FC] =	sst s0;
	[tilespmem:s19+$0x0] =	vst v2;
	s19 =	sor.u32 s18, s0  }
0xb5: {  	v4 =	vld.idx.msk [tilespmem:v44+s11+$0x0], $0xffff;
	[tilespmem:s19+$0x0] =	vst v5;
	s19 =	rddreg [dreg:$0x19]  }
0xb6: {  	s18 =	smov.u32 s0;
	v2 =	vld.idx.msk [tilespmem:v45+s11+$0x0], $0xffff;
	s0 =	sor.u32 s28, s19;
	s19 =	rddreg [dreg:$0x1b]  }
0xb7: {  	v5 =	vld.idx.msk [tilespmem:v46+s11+$0x0], $0xffff;
	[tilespmem:s0+$0x0] =	vst v8;
	s0 =	sor.u32 s28, s19;
	s19 =	rddreg [dreg:$0x1c]  }
0xb8: {  	[tilespmem:s0+$0x0] =	vst v9;
	s0 =	sor.u32 s28, s19;
	s19 =	rddreg [dreg:$0x1e]  }
0xb9: {  	[tilespmem:s0+$0x0] =	vst v11;
	s0 =	sor.u32 s28, s19;
	s19 =	sld [smem:$0x7FD];
	_ =	sdelay $0x2  }
0xba: {  	v47 =	vadd.s32 $0x1, v1;
	[tilespmem:s0+$0x0] =	vst v13;
	s0 =	sor.u32 s28, s19;
	s19 =	sld [smem:$0x7E2];
	_ =	sdelay $0x1  }
0xbb: {  	v52 =	vadd.s32 $0x6, v1  }
0xbc: {  	v48 =	vadd.s32 $0x2, v1;
	[tilespmem:s0+$0x0] =	vst v15;
	s0 =	sor.u32 s28, s19;
	s19 =	sld [smem:$0x7E3]  }
0xbd: {  	v49 =	vadd.s32 $0x3, v1  }
0xbe: {  	v50 =	vadd.s32 $0x4, v1;
	v7 =	vld.idx.msk [tilespmem:v47+s11+$0x0], $0xffff  }
0xbf: {  	v51 =	vadd.s32 $0x5, v1;
	v8 =	vld.idx.msk [tilespmem:v1+s11+$0x0], $0xffff;
	[tilespmem:s0+$0x0] =	vst v17;
	s0 =	sor.u32 s28, s19;
	s19 =	sld [smem:$0x7E4]  }
0xc0: {  	v57 =	vadd.s32 $0xB, v1;
	v9 =	vld.idx.msk [tilespmem:v52+s11+$0x0], $0xffff  }
0xc1: {  	v53 =	vadd.s32 $0x7, v1;
	v11 =	vld.idx.msk [tilespmem:v48+s11+$0x0], $0xffff  }
0xc2: {  	v54 =	vadd.s32 $0x8, v1;
	v13 =	vld.idx.msk [tilespmem:v49+s11+$0x0], $0xffff;
	[tilespmem:s0+$0x0] =	vst v19;
	s0 =	sor.u32 s28, s19  }
0xc3: {  	v55 =	vadd.s32 $0x9, v1;
	v15 =	vld.idx.msk [tilespmem:v50+s11+$0x0], $0xffff;
	s19 =	sor.u32 s28, s31;
	[tilespmem:s0+$0x0] =	vst v21  }
0xc4: {  	[smem:$0x7E5] =	sst s31;
	v56 =	vadd.s32 $0xA, v1;
	v17 =	vld.idx.msk [tilespmem:v51+s11+$0x0], $0xffff;
	s31 =	sor.u32 s28, s25;
	[tilespmem:s19+$0x0] =	vst v23  }
0xc5: {  	v62 =	vadd.s32 $0x10, v1;
	v19 =	vld.idx.msk [tilespmem:v57+s11+$0x0], $0xffff;
	s0 =	sor.u32 s28, s16;
	[tilespmem:s31+$0x0] =	vst v25  }
0xc6: {  	[smem:$0x7E8] =	sst s15;
	s15 =	sor.u32 s28, s15;
	v58 =	vadd.s32 $0xC, v1;
	v21 =	vld.idx.msk [tilespmem:v53+s11+$0x0], $0xffff;
	[tilespmem:s0+$0x0] =	vst v27  }
0xc7: {  	[smem:$0x7E7] =	sst s16;
	v59 =	vadd.s32 $0xD, v1;
	s16 =	sor.u32 s28, s14;
	v23 =	vld.idx.msk [tilespmem:v54+s11+$0x0], $0xffff;
	[tilespmem:s15+$0x0] =	vst v28  }
0xc8: {  	v60 =	vadd.s32 $0xE, v1;
	s19 =	sor.u32 s28, s13;
	v25 =	vld.idx.msk [tilespmem:v55+s11+$0x0], $0xffff;
	[tilespmem:s16+$0x0] =	vst v29  }
0xc9: {  	[smem:$0x7EB] =	sst s21;
	s21 =	sor.u32 s28, s21;
	v61 =	vadd.s32 $0xF, v1;
	v27 =	vld.idx.msk [tilespmem:v56+s11+$0x0], $0xffff;
	[tilespmem:s19+$0x0] =	vst v31  }
0xca: {  	[smem:$0x7EC] =	sst s22;
	s22 =	sor.u32 s28, s22;
	v63 =	vadd.s32 $0x11, v1;
	v28 =	vld.idx.msk [tilespmem:v62+s11+$0x0], $0xffff;
	[tilespmem:s21+$0x0] =	vst v33  }
0xcb: {  	[smem:$0x7E6] =	sst s25;
	v40 =	vadd.s32 $0x12, v1;
	s25 =	sor.u32 s28, s23;
	v29 =	vld.idx.msk [tilespmem:v58+s11+$0x0], $0xffff;
	[tilespmem:s22+$0x0] =	vst v34  }
0xcc: {  	v41 =	vadd.s32 $0x13, v1;
	s31 =	sor.u32 s28, s24;
	v31 =	vld.idx.msk [tilespmem:v59+s11+$0x0], $0xffff;
	[tilespmem:s25+$0x0] =	vst v32  }
0xcd: {  	v42 =	vadd.s32 $0x14, v1;
	s0 =	sor.u32 s28, s26;
	v33 =	vld.idx.msk [tilespmem:v60+s11+$0x0], $0xffff;
	[tilespmem:s31+$0x0] =	vst v30  }
0xce: {  	[smem:$0x7F0] =	sst s12;
	s12 =	sor.u32 s28, s12;
	v43 =	vadd.s32 $0x15, v1;
	v34 =	vld.idx.msk [tilespmem:v61+s11+$0x0], $0xffff;
	[tilespmem:s0+$0x0] =	vst v26  }
0xcf: {  	[smem:$0x7EA] =	sst s13;
	v44 =	vadd.s32 $0x16, v1;
	s13 =	sor.u32 s28, s10;
	v30 =	vld.idx.msk [tilespmem:v63+s11+$0x0], $0xffff;
	[tilespmem:s12+$0x0] =	vst v24  }
0xd0: {  	[smem:$0x7E9] =	sst s14;
	v45 =	vadd.s32 $0x17, v1;
	s14 =	sor.u32 s28, s9;
	v26 =	vld.idx.msk [tilespmem:v40+s11+$0x0], $0xffff;
	[tilespmem:s13+$0x0] =	vst v22  }
0xd1: {  	v46 =	vadd.s32 $0x18, v1;
	s15 =	sor.u32 s28, s8;
	v24 =	vld.idx.msk [tilespmem:v41+s11+$0x0], $0xffff;
	[tilespmem:s14+$0x0] =	vst v20  }
0xd2: {  	[smem:$0x7F3] =	sst s8;
	v47 =	vadd.s32 $0x19, v1;
	s16 =	sor.u32 s28, s7;
	v22 =	vld.idx.msk [tilespmem:v42+s11+$0x0], $0xffff;
	[tilespmem:s15+$0x0] =	vst v18  }
0xd3: {  	[smem:$0x7F1] =	sst s10;
	v48 =	vadd.s32 $0x1A, v1;
	s19 =	sor.u32 s28, s6;
	v20 =	vld.idx.msk [tilespmem:v43+s11+$0x0], $0xffff;
	[tilespmem:s16+$0x0] =	vst v16  }
0xd4: {  	[smem:$0x7F2] =	sst s9;
	v49 =	vadd.s32 $0x1B, v1;
	s21 =	sor.u32 s28, s5;
	v18 =	vld.idx.msk [tilespmem:v44+s11+$0x0], $0xffff;
	[tilespmem:s19+$0x0] =	vst v14  }
0xd5: {  	[smem:$0x7ED] =	sst s23;
	v50 =	vadd.s32 $0x1C, v1;
	s22 =	sor.u32 s28, s3;
	v16 =	vld.idx.msk [tilespmem:v45+s11+$0x0], $0xffff;
	[tilespmem:s21+$0x0] =	vst v12  }
0xd6: {  	[smem:$0x7EE] =	sst s24;
	v51 =	vadd.s32 $0x1D, v1;
	s23 =	sor.u32 s28, s2;
	v14 =	vld.idx.msk [tilespmem:v46+s11+$0x0], $0xffff;
	[tilespmem:s22+$0x0] =	vst v10  }
0xd7: {  	[smem:$0x7EF] =	sst s26;
	v52 =	vadd.s32 $0x1E, v1;
	s24 =	sor.u32 s28, s1;
	v12 =	vld.idx.msk [tilespmem:v47+s11+$0x0], $0xffff;
	[tilespmem:s23+$0x0] =	vst v3  }
0xd8: {  	[smem:$0x7F7] =	sst s3;
	v53 =	vadd.s32 $0x1F, v1;
	s25 =	sor.u32 s28, s20;
	v10 =	vld.idx.msk [tilespmem:v48+s11+$0x0], $0xffff;
	[tilespmem:s24+$0x0] =	vst v6  }
0xd9: {  	[smem:$0x7F6] =	sst s5;
	s26 =	sor.u32 s28, s4;
	v3 =	vld.idx.msk [tilespmem:v49+s11+$0x0], $0xffff;
	[tilespmem:s25+$0x0] =	vst v4  }
0xda: {  	[smem:$0x7F5] =	sst s6;
	s28 =	sor.u32 s28, s18;
	v6 =	vld.idx.msk [tilespmem:v50+s11+$0x0], $0xffff;
	[tilespmem:s26+$0x0] =	vst v2  }
0xdb: {  	v4 =	vld.idx.msk [tilespmem:v51+s11+$0x0], $0xffff;
	[tilespmem:s28+$0x0] =	vst v5;
	s28 =	rddreg [dreg:$0x15]  }
0xdc: {  	s8 =	sld [smem:$0x7CA];
	v2 =	vld.idx.msk [tilespmem:v52+s11+$0x0], $0xffff;
	s31 =	sor.u32 s30, s28  }
0xdd: {  	[smem:$0x7F4] =	sst s7;
	v5 =	vld.idx.msk [tilespmem:v53+s11+$0x0], $0xffff;
	[tilespmem:s31+$0x0] =	vst v8  }
0xde: {  	v0 =	vmul.u32 $0x41, v0;
	[smem:$0x7F9] =	sst s1;
	[tilespmem:s31+$0x80] =	vst v7  }
0xdf: {  	[smem:$0x7F8] =	sst s2;
	s0 =	sadd.s32 $0x20, s8;
	[tilespmem:s31+$0x100] =	vst v11  }
0xe0: {  	[smem:$0x7FB] =	sst s4;
	s1 =	sor.u32 $0x200, s0;
	v43 =	vadd.s32 $0xE, v0;
	[tilespmem:s31+$0x180] =	vst v13  }
0xe1: {  	s18 =	rddreg [dreg:$0x17];
	s2 =	sor.u32 $0x280, s0;
	[tilespmem:s1+$0x400] =	vst v15  }
0xe2: {  	v54 =	vadd.s32 $0x1, v0;
	s3 =	sor.u32 $0x300, s0;
	s26 =	sld [smem:$0x7CB];
	[tilespmem:s2+$0x400] =	vst v17  }
0xe3: {  	v55 =	vadd.s32 $0x2, v0;
	s4 =	sor.u32 $0x380, s0;
	[tilespmem:s3+$0x400] =	vst v9;
	s3 =	sld [smem:$0x7CC]  }
0xe4: {  	v56 =	vadd.s32 $0x3, v0;
	s5 =	sor.u32 s30, s18;
	s25 =	sld [smem:$0x7CD];
	[tilespmem:s4+$0x400] =	vst v21  }
0xe5: {  	v57 =	vadd.s32 $0x4, v0;
	v32 =	vld.idx.msk [tilespmem:v43+s11+$0x0], $0xffff;
	s6 =	sor.u32 s30, s26;
	s4 =	sld [smem:$0x7CE];
	[tilespmem:s5+$0x0] =	vst v23  }
0xe6: {  	v58 =	vadd.s32 $0x5, v0;
	v8 =	vld.idx.msk [tilespmem:v0+s11+$0x0], $0xffff;
	s5 =	sld [smem:$0x7CF];
	[tilespmem:s6+$0x0] =	vst v25;
	s7 =	sor.u32 s30, s3  }
0xe7: {  	v59 =	vadd.s32 $0x6, v0;
	s9 =	sor.u32 s30, s25;
	v7 =	vld.idx.msk [tilespmem:v54+s11+$0x0], $0xffff;
	s6 =	sld [smem:$0x7D0];
	[tilespmem:s7+$0x0] =	vst v27  }
0xe8: {  	v60 =	vadd.s32 $0x7, v0;
	v11 =	vld.idx.msk [tilespmem:v55+s11+$0x0], $0xffff;
	s10 =	sor.u32 s30, s4;
	s7 =	sld [smem:$0x7D1];
	[tilespmem:s9+$0x0] =	vst v19  }
0xe9: {  	v61 =	vadd.s32 $0x8, v0;
	v13 =	vld.idx.msk [tilespmem:v56+s11+$0x0], $0xffff;
	s12 =	sor.u32 s30, s5;
	[tilespmem:s10+$0x0] =	vst v29;
	s10 =	sld [smem:$0x7D2]  }
0xea: {  	v56 =	vadd.s32 $0x1B, v0;
	v15 =	vld.idx.msk [tilespmem:v57+s11+$0x0], $0xffff;
	s13 =	sor.u32 s30, s6;
	[tilespmem:s12+$0x0] =	vst v31;
	s12 =	sld [smem:$0x7D3]  }
0xeb: {  	v62 =	vadd.s32 $0x9, v0;
	v17 =	vld.idx.msk [tilespmem:v58+s11+$0x0], $0xffff;
	s14 =	sor.u32 s30, s7;
	[tilespmem:s13+$0x0] =	vst v33;
	s13 =	sld [smem:$0x7D4]  }
0xec: {  	v57 =	vadd.s32 $0x1C, v0;
	v9 =	vld.idx.msk [tilespmem:v59+s11+$0x0], $0xffff;
	[tilespmem:s14+$0x0] =	vst v34;
	s15 =	sor.u32 s30, s10;
	s14 =	sld [smem:$0x7D5]  }
0xed: {  	v63 =	vadd.s32 $0xA, v0;
	v21 =	vld.idx.msk [tilespmem:v60+s11+$0x0], $0xffff;
	[tilespmem:s15+$0x0] =	vst v28;
	s16 =	sor.u32 s30, s12;
	s15 =	sld [smem:$0x7D6]  }
0xee: {  	v40 =	vadd.s32 $0xB, v0;
	v23 =	vld.idx.msk [tilespmem:v61+s11+$0x0], $0xffff;
	s9 =	sld [smem:$0x7D7];
	[tilespmem:s16+$0x0] =	vst v30;
	s19 =	sor.u32 s30, s13  }
0xef: {  	v59 =	vadd.s32 $0x1E, v0;
	v36 =	vld.idx.msk [tilespmem:v56+s11+$0x0], $0xffff;
	[tilespmem:s19+$0x0] =	vst v26;
	s20 =	sor.u32 s30, s14;
	s19 =	sld [smem:$0x7D8]  }
0xf0: {  	v41 =	vadd.s32 $0xC, v0;
	v25 =	vld.idx.msk [tilespmem:v62+s11+$0x0], $0xffff;
	[tilespmem:s20+$0x0] =	vst v24;
	s21 =	sor.u32 s30, s15;
	s20 =	sld [smem:$0x7D9]  }
0xf1: {  	v60 =	vadd.s32 $0x1F, v0;
	v37 =	vld.idx.msk [tilespmem:v57+s11+$0x0], $0xffff;
	s22 =	sor.u32 s30, s9;
	[tilespmem:s21+$0x0] =	vst v22;
	s21 =	sld [smem:$0x7DA]  }
0xf2: {  	v42 =	vadd.s32 $0xD, v0;
	v27 =	vld.idx.msk [tilespmem:v63+s11+$0x0], $0xffff;
	[tilespmem:s22+$0x0] =	vst v20;
	s23 =	sor.u32 s30, s19;
	s22 =	sld [smem:$0x7DB]  }
0xf3: {  	v58 =	vadd.s32 $0x1D, v0;
	v19 =	vld.idx.msk [tilespmem:v40+s11+$0x0], $0xffff;
	[tilespmem:s23+$0x0] =	vst v18;
	s24 =	sor.u32 s30, s20;
	s23 =	sld [smem:$0x7DC]  }
0xf4: {  	v44 =	vadd.s32 $0xF, v0;
	v38 =	vld.idx.msk [tilespmem:v59+s11+$0x0], $0xffff;
	[tilespmem:s24+$0x0] =	vst v16;
	s31 =	sor.u32 s30, s21  }
0xf5: {  	v45 =	vadd.s32 $0x10, v0;
	v29 =	vld.idx.msk [tilespmem:v41+s11+$0x0], $0xffff;
	[tilespmem:s31+$0x0] =	vst v14;
	s0 =	sor.u32 s30, s22  }
0xf6: {  	v46 =	vadd.s32 $0x11, v0;
	v35 =	vld.idx.msk [tilespmem:v60+s11+$0x0], $0xffff;
	s24 =	sld [smem:$0x7DD];
	[tilespmem:s0+$0x0] =	vst v12;
	s1 =	sor.u32 s30, s23  }
0xf7: {  	v47 =	vadd.s32 $0x12, v0;
	v31 =	vld.idx.msk [tilespmem:v42+s11+$0x0], $0xffff;
	[tilespmem:s1+$0x0] =	vst v10;
	s1 =	sld [smem:$0x7DE]  }
0xf8: {  	v48 =	vadd.s32 $0x13, v0;
	v33 =	vld.idx.msk [tilespmem:v58+s11+$0x0], $0xffff  }
0xf9: {  	v49 =	vadd.s32 $0x14, v0;
	v34 =	vld.idx.msk [tilespmem:v44+s11+$0x0], $0xffff;
	s2 =	sor.u32 s30, s24  }
0xfa: {  	v50 =	vadd.s32 $0x15, v0;
	v28 =	vld.idx.msk [tilespmem:v45+s11+$0x0], $0xffff;
	[tilespmem:s2+$0x0] =	vst v3;
	s16 =	sor.u32 s30, s1  }
0xfb: {  	v51 =	vadd.s32 $0x16, v0;
	v30 =	vld.idx.msk [tilespmem:v46+s11+$0x0], $0xffff;
	[tilespmem:s16+$0x0] =	vst v6;
	s16 =	sld [smem:$0x7DF]  }
0xfc: {  	v52 =	vadd.s32 $0x17, v0;
	v26 =	vld.idx.msk [tilespmem:v47+s11+$0x0], $0xffff;
	s2 =	sld [smem:$0x7E0]  }
0xfd: {  	v53 =	vadd.s32 $0x18, v0;
	v24 =	vld.idx.msk [tilespmem:v48+s11+$0x0], $0xffff  }
0xfe: {  	v54 =	vadd.s32 $0x19, v0;
	v22 =	vld.idx.msk [tilespmem:v49+s11+$0x0], $0xffff;
	s31 =	sor.u32 s30, s16  }
0xff: {  	v55 =	vadd.s32 $0x1A, v0;
	v20 =	vld.idx.msk [tilespmem:v50+s11+$0x0], $0xffff;
	s0 =	sor.u32 s30, s2;
	[tilespmem:s31+$0x0] =	vst v4  }
0x100: {  	v61 =	vadd.s32 $0x20, v1;
	v18 =	vld.idx.msk [tilespmem:v51+s11+$0x0], $0xffff;
	[tilespmem:s0+$0x0] =	vst v2;
	s0 =	sld [smem:$0x7E1]  }
0x101: {  	v62 =	vadd.s32 $0x21, v1;
	v16 =	vld.idx.msk [tilespmem:v52+s11+$0x0], $0xffff  }
0x102: {  	v63 =	vadd.s32 $0x22, v1;
	v14 =	vld.idx.msk [tilespmem:v53+s11+$0x0], $0xffff  }
0x103: {  	v40 =	vadd.s32 $0x23, v1;
	v12 =	vld.idx.msk [tilespmem:v54+s11+$0x0], $0xffff;
	s31 =	sor.u32 s30, s0  }
0x104: {  	v41 =	vadd.s32 $0x24, v1;
	v10 =	vld.idx.msk [tilespmem:v55+s11+$0x0], $0xffff;
	[tilespmem:s31+$0x0] =	vst v5  }
0x105: {  	v42 =	vadd.s32 $0x25, v1;
	v3 =	vld.idx.msk [tilespmem:v61+s11+$0x0], $0xffff  }
0x106: {  	v43 =	vadd.s32 $0x26, v1;
	v6 =	vld.idx.msk [tilespmem:v62+s11+$0x0], $0xffff  }
0x107: {  	v44 =	vadd.s32 $0x27, v1;
	v4 =	vld.idx.msk [tilespmem:v63+s11+$0x0], $0xffff  }
0x108: {  	v39 =	vadd.s32 $0x3B, v1;
	s28 =	sor.u32 s29, s28;
	v56 =	vadd.s32 $0x33, v1;
	v45 =	vadd.s32 $0x28, v1;
	v2 =	vld.idx.msk [tilespmem:v40+s11+$0x0], $0xffff  }
0x109: {  	v57 =	vadd.s32 $0x34, v1;
	v59 =	vadd.s32 $0x36, v1;
	v46 =	vadd.s32 $0x29, v1;
	[tilespmem:s28+$0x0] =	vst v8;
	v5 =	vld.idx.msk [tilespmem:v41+s11+$0x0], $0xffff  }
0x10a: {  	v60 =	vadd.s32 $0x37, v1;
	v58 =	vadd.s32 $0x35, v1;
	v47 =	vadd.s32 $0x2A, v1;
	[tilespmem:s28+$0x80] =	vst v7;
	v8 =	vld.idx.msk [tilespmem:v42+s11+$0x0], $0xffff  }
0x10b: {  	s8 =	sadd.s32 $0x30, s8;
	v48 =	vadd.s32 $0x2B, v1;
	v49 =	vadd.s32 $0x2C, v1;
	v50 =	vadd.s32 $0x2D, v1;
	[tilespmem:s28+$0x100] =	vst v11;
	v7 =	vld.idx.msk [tilespmem:v43+s11+$0x0], $0xffff  }
0x10c: {  	v51 =	vadd.s32 $0x2E, v1;
	v52 =	vadd.s32 $0x2F, v1;
	v53 =	vadd.s32 $0x30, v1;
	[tilespmem:s28+$0x180] =	vst v13;
	s31 =	sor.u32 $0x200, s8;
	v11 =	vld.idx.msk [tilespmem:v44+s11+$0x0], $0xffff  }
0x10d: {  	v54 =	vadd.s32 $0x31, v1;
	s28 =	sor.u32 $0x280, s8;
	v55 =	vadd.s32 $0x32, v1;
	[tilespmem:s31+$0x400] =	vst v15;
	v13 =	vld.idx.msk [tilespmem:v45+s11+$0x0], $0xffff;
	v61 =	vadd.s32 $0x38, v1  }
0x10e: {  	s31 =	sor.u32 $0x300, s8;
	v15 =	vld.idx.msk [tilespmem:v46+s11+$0x0], $0xffff;
	v62 =	vadd.s32 $0x39, v1;
	v63 =	vadd.s32 $0x3A, v1;
	v40 =	vadd.s32 $0x3C, v1;
	[tilespmem:s28+$0x400] =	vst v17  }
0x10f: {  	s8 =	sor.u32 $0x380, s8;
	v41 =	vadd.s32 $0x3D, v1;
	v42 =	vadd.s32 $0x3E, v1;
	v1 =	vadd.s32 $0x3F, v1;
	v17 =	vld.idx.msk [tilespmem:v47+s11+$0x0], $0xffff;
	[tilespmem:s31+$0x400] =	vst v9  }
0x110: {  	s18 =	sor.u32 s29, s18;
	v9 =	vld.idx.msk [tilespmem:v48+s11+$0x0], $0xffff;
	[tilespmem:s8+$0x400] =	vst v21  }
0x111: {  	s28 =	sor.u32 s29, s26;
	v21 =	vld.idx.msk [tilespmem:v49+s11+$0x0], $0xffff;
	[tilespmem:s18+$0x0] =	vst v23  }
0x112: {  	s31 =	sor.u32 s29, s3;
	v23 =	vld.idx.msk [tilespmem:v50+s11+$0x0], $0xffff;
	[tilespmem:s28+$0x0] =	vst v25  }
0x113: {  	s3 =	sor.u32 s29, s25;
	v25 =	vld.idx.msk [tilespmem:v51+s11+$0x0], $0xffff;
	[tilespmem:s31+$0x0] =	vst v27  }
0x114: {  	s4 =	sor.u32 s29, s4;
	v1 =	vld.idx.msk [tilespmem:v1+s11+$0x0], $0xffff;
	[tilespmem:s3+$0x0] =	vst v19  }
0x115: {  	s5 =	sor.u32 s29, s5;
	v27 =	vld.idx.msk [tilespmem:v52+s11+$0x0], $0xffff;
	[tilespmem:s4+$0x0] =	vst v29  }
0x116: {  	s6 =	sor.u32 s29, s6;
	v19 =	vld.idx.msk [tilespmem:v53+s11+$0x0], $0xffff;
	[tilespmem:s5+$0x0] =	vst v31  }
0x117: {  	s7 =	sor.u32 s29, s7;
	v29 =	vld.idx.msk [tilespmem:v54+s11+$0x0], $0xffff;
	[tilespmem:s6+$0x0] =	vst v32  }
0x118: {  	s10 =	sor.u32 s29, s10;
	v31 =	vld.idx.msk [tilespmem:v40+s11+$0x0], $0xffff;
	[tilespmem:s7+$0x0] =	vst v34  }
0x119: {  	s12 =	sor.u32 s29, s12;
	v32 =	vld.idx.msk [tilespmem:v41+s11+$0x0], $0xffff;
	[tilespmem:s10+$0x0] =	vst v28  }
0x11a: {  	s13 =	sor.u32 s29, s13;
	v34 =	vld.idx.msk [tilespmem:v42+s11+$0x0], $0xffff;
	[tilespmem:s12+$0x0] =	vst v30  }
0x11b: {  	s17 =	sor.u32 s29, s14;
	v28 =	vld.idx.msk [tilespmem:v39+s11+$0x0], $0xffff;
	[tilespmem:s13+$0x0] =	vst v26  }
0x11c: {  	s18 =	sor.u32 s29, s15;
	v26 =	vld.idx.msk [tilespmem:v55+s11+$0x0], $0xffff;
	[tilespmem:s17+$0x0] =	vst v24  }
0x11d: {  	s25 =	sor.u32 s29, s9;
	v24 =	vld.idx.msk [tilespmem:v56+s11+$0x0], $0xffff;
	[tilespmem:s18+$0x0] =	vst v22  }
0x11e: {  	s26 =	sor.u32 s29, s19;
	v22 =	vld.idx.msk [tilespmem:v57+s11+$0x0], $0xffff;
	[tilespmem:s25+$0x0] =	vst v20  }
0x11f: {  	s28 =	sor.u32 s29, s20;
	v20 =	vld.idx.msk [tilespmem:v58+s11+$0x0], $0xffff;
	[tilespmem:s26+$0x0] =	vst v18  }
0x120: {  	s14 =	rddreg [dreg:$0x1b];
	s31 =	sor.u32 s29, s21;
	v18 =	vld.idx.msk [tilespmem:v59+s11+$0x0], $0xffff;
	[tilespmem:s28+$0x0] =	vst v16  }
0x121: {  	s20 =	sld [smem:$0x7FD];
	s3 =	sor.u32 s29, s22;
	v16 =	vld.idx.msk [tilespmem:v60+s11+$0x0], $0xffff;
	[tilespmem:s31+$0x0] =	vst v14  }
0x122: {  	s4 =	sor.u32 s29, s23;
	s12 =	rddreg [dreg:$0x19];
	v14 =	vld.idx.msk [tilespmem:v61+s11+$0x0], $0xffff;
	[tilespmem:s3+$0x0] =	vst v12  }
0x123: {  	s7 =	sor.u32 s29, s16;
	s16 =	rddreg [dreg:$0x1c];
	s13 =	sor.u32 s30, s12;
	v12 =	vld.idx.msk [tilespmem:v62+s11+$0x0], $0xffff;
	[tilespmem:s4+$0x0] =	vst v10  }
0x124: {  	s15 =	sor.u32 s30, s14;
	s18 =	rddreg [dreg:$0x1e];
	v10 =	vld.idx.msk [tilespmem:v63+s11+$0x0], $0xffff;
	[tilespmem:s13+$0x0] =	vst v3  }
0x125: {  	s17 =	sor.u32 s30, s16;
	s31 =	sld [smem:$0x7E2];
	[tilespmem:s15+$0x0] =	vst v6  }
0x126: {  	s19 =	sor.u32 s30, s18;
	s28 =	sld [smem:$0x7E3];
	[tilespmem:s17+$0x0] =	vst v4  }
0x127: {  	s21 =	sor.u32 s30, s20;
	s25 =	sld [smem:$0x7E4];
	[tilespmem:s19+$0x0] =	vst v2  }
0x128: {  	s18 =	sld [smem:$0x7E5];
	s22 =	sor.u32 s30, s31;
	[tilespmem:s21+$0x0] =	vst v5  }
0x129: {  	s23 =	sor.u32 s30, s28;
	s17 =	sld [smem:$0x7E6];
	[tilespmem:s22+$0x0] =	vst v8  }
0x12a: {  	s5 =	sor.u32 s29, s24;
	s16 =	sld [smem:$0x7E7];
	s24 =	sor.u32 s30, s25;
	[tilespmem:s23+$0x0] =	vst v7  }
0x12b: {  	s26 =	sor.u32 s30, s18;
	s3 =	sld [smem:$0x7E8];
	[tilespmem:s24+$0x0] =	vst v11  }
0x12c: {  	s10 =	sor.u32 s29, s0;
	s0 =	sor.u32 s30, s17;
	[tilespmem:s26+$0x0] =	vst v13  }
0x12d: {  	s6 =	sor.u32 s29, s1;
	s1 =	sor.u32 s30, s16;
	[tilespmem:s0+$0x0] =	vst v15  }
0x12e: {  	s9 =	sor.u32 s29, s2;
	s2 =	sor.u32 s30, s3;
	[tilespmem:s1+$0x0] =	vst v17  }
0x12f: {  	[tilespmem:s2+$0x0] =	vst v9;
	s2 =	sld [smem:$0x7E9]  }
0x130: {  	s1 =	sld [smem:$0x7EA];
	_ =	sdelay $0x1  }
0x131: {  	[tilespmem:s5+$0x0] =	vst v36;
	s4 =	sor.u32 s30, s2  }
0x132: {  	s5 =	sor.u32 s30, s1;
	[tilespmem:s4+$0x0] =	vst v21;
	s4 =	sld [smem:$0x7EB]  }
0x133: {  	[tilespmem:s5+$0x0] =	vst v23;
	s5 =	sld [smem:$0x7EC]  }
0x134: {  	[tilespmem:s6+$0x0] =	vst v37  }
0x135: {  	[tilespmem:s7+$0x0] =	vst v33;
	s6 =	sor.u32 s30, s4  }
0x136: {  	[tilespmem:s6+$0x0] =	vst v25;
	s7 =	sor.u32 s30, s5  }
0x137: {  	[tilespmem:s7+$0x0] =	vst v27;
	s7 =	sld [smem:$0x7ED]  }
0x138: {  	s6 =	sld [smem:$0x7EE]  }
0x139: {  	[tilespmem:s9+$0x0] =	vst v38  }
0x13a: {  	v43 =	vadd.s32 $0x20, v0;
	[tilespmem:s10+$0x0] =	vst v35;
	s9 =	sor.u32 s30, s7  }
0x13b: {  	v44 =	vadd.s32 $0x21, v0;
	s0 =	sld [smem:$0x7EF];
	s10 =	sor.u32 s30, s6;
	[tilespmem:s9+$0x0] =	vst v19  }
0x13c: {  	v45 =	vadd.s32 $0x22, v0;
	[tilespmem:s10+$0x0] =	vst v29;
	s10 =	sld [smem:$0x7F0]  }
0x13d: {  	v46 =	vadd.s32 $0x23, v0  }
0x13e: {  	v47 =	vadd.s32 $0x24, v0;
	s12 =	sor.u32 s30, s0  }
0x13f: {  	v48 =	vadd.s32 $0x25, v0;
	v3 =	vld.idx.msk [tilespmem:v43+s11+$0x0], $0xffff;
	[tilespmem:s12+$0x0] =	vst v26;
	s12 =	sld [smem:$0x7F1];
	s13 =	sor.u32 s30, s10  }
0x140: {  	v49 =	vadd.s32 $0x26, v0;
	v6 =	vld.idx.msk [tilespmem:v44+s11+$0x0], $0xffff;
	[tilespmem:s13+$0x0] =	vst v24;
	s13 =	sld [smem:$0x7F2]  }
0x141: {  	v59 =	vadd.s32 $0x30, v0;
	v4 =	vld.idx.msk [tilespmem:v45+s11+$0x0], $0xffff  }
0x142: {  	v60 =	vadd.s32 $0x31, v0;
	v2 =	vld.idx.msk [tilespmem:v46+s11+$0x0], $0xffff;
	s14 =	sor.u32 s30, s12  }
0x143: {  	v61 =	vadd.s32 $0x32, v0;
	v5 =	vld.idx.msk [tilespmem:v47+s11+$0x0], $0xffff;
	[tilespmem:s14+$0x0] =	vst v22;
	s14 =	sld [smem:$0x7F3];
	s15 =	sor.u32 s30, s13  }
0x144: {  	v62 =	vadd.s32 $0x33, v0;
	v8 =	vld.idx.msk [tilespmem:v48+s11+$0x0], $0xffff;
	[tilespmem:s15+$0x0] =	vst v20;
	s15 =	sld [smem:$0x7F4]  }
0x145: {  	v63 =	vadd.s32 $0x34, v0;
	v7 =	vld.idx.msk [tilespmem:v49+s11+$0x0], $0xffff  }
0x146: {  	v50 =	vadd.s32 $0x27, v0;
	v40 =	vld.idx.msk [tilespmem:v59+s11+$0x0], $0xffff;
	s19 =	sor.u32 s30, s14  }
0x147: {  	v41 =	vadd.s32 $0x35, v0;
	v42 =	vld.idx.msk [tilespmem:v60+s11+$0x0], $0xffff;
	[tilespmem:s19+$0x0] =	vst v18;
	s19 =	sld [smem:$0x7F5];
	s20 =	sor.u32 s30, s15  }
0x148: {  	v51 =	vadd.s32 $0x28, v0;
	v44 =	vld.idx.msk [tilespmem:v61+s11+$0x0], $0xffff;
	[tilespmem:s20+$0x0] =	vst v16;
	s20 =	sld [smem:$0x7F6]  }
0x149: {  	v52 =	vadd.s32 $0x29, v0;
	v46 =	vld.idx.msk [tilespmem:v62+s11+$0x0], $0xffff  }
0x14a: {  	v53 =	vadd.s32 $0x2A, v0;
	v48 =	vld.idx.msk [tilespmem:v63+s11+$0x0], $0xffff;
	s21 =	sor.u32 s30, s19  }
0x14b: {  	v54 =	vadd.s32 $0x2B, v0;
	v11 =	vld.idx.msk [tilespmem:v50+s11+$0x0], $0xffff;
	[tilespmem:s21+$0x0] =	vst v14;
	s21 =	sld [smem:$0x7F7];
	s22 =	sor.u32 s30, s20  }
0x14c: {  	v43 =	vadd.s32 $0x36, v0;
	v50 =	vld.idx.msk [tilespmem:v41+s11+$0x0], $0xffff;
	[tilespmem:s22+$0x0] =	vst v12;
	s22 =	sld [smem:$0x7F8]  }
0x14d: {  	v45 =	vadd.s32 $0x37, v0;
	v13 =	vld.idx.msk [tilespmem:v51+s11+$0x0], $0xffff  }
0x14e: {  	v59 =	vadd.s32 $0x3E, v0;
	v15 =	vld.idx.msk [tilespmem:v52+s11+$0x0], $0xffff;
	s23 =	sor.u32 s30, s21  }
0x14f: {  	v51 =	vadd.s32 $0x3A, v0;
	v17 =	vld.idx.msk [tilespmem:v53+s11+$0x0], $0xffff;
	[tilespmem:s23+$0x0] =	vst v10;
	s23 =	sld [smem:$0x7F9];
	s24 =	sor.u32 s30, s22  }
0x150: {  	v55 =	vadd.s32 $0x2C, v0;
	v9 =	vld.idx.msk [tilespmem:v54+s11+$0x0], $0xffff;
	[tilespmem:s24+$0x0] =	vst v28;
	s24 =	sld [smem:$0x7FA]  }
0x151: {  	v53 =	vadd.s32 $0x3B, v0;
	v52 =	vld.idx.msk [tilespmem:v43+s11+$0x0], $0xffff  }
0x152: {  	v56 =	vadd.s32 $0x2D, v0;
	v54 =	vld.idx.msk [tilespmem:v45+s11+$0x0], $0xffff;
	s26 =	sor.u32 s30, s23  }
0x153: {  	v57 =	vadd.s32 $0x2E, v0;
	v30 =	vld.idx.msk [tilespmem:v59+s11+$0x0], $0xffff;
	[tilespmem:s26+$0x0] =	vst v31;
	s9 =	sor.u32 s30, s24  }
0x154: {  	v47 =	vadd.s32 $0x38, v0;
	v60 =	vld.idx.msk [tilespmem:v51+s11+$0x0], $0xffff;
	[tilespmem:s9+$0x0] =	vst v32;
	s9 =	sld [smem:$0x7FB]  }
0x155: {  	v58 =	vadd.s32 $0x2F, v0;
	v21 =	vld.idx.msk [tilespmem:v55+s11+$0x0], $0xffff  }
0x156: {  	v49 =	vadd.s32 $0x39, v0;
	v61 =	vld.idx.msk [tilespmem:v53+s11+$0x0], $0xffff  }
0x157: {  	v55 =	vadd.s32 $0x3C, v0;
	v23 =	vld.idx.msk [tilespmem:v56+s11+$0x0], $0xffff;
	s26 =	sor.u32 s30, s9  }
0x158: {  	v25 =	vld.idx.msk [tilespmem:v57+s11+$0x0], $0xffff;
	v57 =	vadd.s32 $0x3D, v0;
	[tilespmem:s26+$0x0] =	vst v34;
	s26 =	sld [smem:$0x7FC]  }
0x159: {  	v56 =	vld.idx.msk [tilespmem:v47+s11+$0x0], $0xffff;
	v0 =	vadd.s32 $0x3F, v0  }
0x15a: {  	v27 =	vld.idx.msk [tilespmem:v58+s11+$0x0], $0xffff  }
0x15b: {  	v58 =	vld.idx.msk [tilespmem:v49+s11+$0x0], $0xffff;
	s30 =	sor.u32 s30, s26  }
0x15c: {  	v62 =	vld.idx.msk [tilespmem:v55+s11+$0x0], $0xffff;
	[tilespmem:s30+$0x0] =	vst v1;
	s30 =	rddreg [dreg:$0x19]  }
0x15d: {  	v63 =	vld.idx.msk [tilespmem:v57+s11+$0x0], $0xffff;
	s8 =	sor.u32 s29, s30;
	s30 =	rddreg [dreg:$0x1b]  }
0x15e: {  	v0 =	vld.idx.msk [tilespmem:v0+s11+$0x0], $0xffff;
	[tilespmem:s8+$0x0] =	vst v3;
	s8 =	sor.u32 s29, s30;
	s30 =	rddreg [dreg:$0x1c]  }
0x15f: {  	[tilespmem:s8+$0x0] =	vst v6;
	s8 =	sor.u32 s29, s30;
	s30 =	rddreg [dreg:$0x1e]  }
0x160: {  	[tilespmem:s8+$0x0] =	vst v4;
	s8 =	sor.u32 s29, s30;
	s30 =	sld [smem:$0x7FD];
	_ =	sdelay $0x2  }
0x161: {  	[tilespmem:s8+$0x0] =	vst v2;
	s8 =	sor.u32 s29, s30  }
0x162: {  	s31 =	sor.u32 s29, s31;
	[tilespmem:s8+$0x0] =	vst v5  }
0x163: {  	s30 =	sor.u32 s29, s28;
	[tilespmem:s31+$0x0] =	vst v8  }
0x164: {  	s31 =	sor.u32 s29, s25;
	[tilespmem:s30+$0x0] =	vst v7  }
0x165: {  	s25 =	sor.u32 s29, s18;
	[tilespmem:s31+$0x0] =	vst v11  }
0x166: {  	s28 =	sor.u32 s29, s17;
	[tilespmem:s25+$0x0] =	vst v13  }
0x167: {  	s30 =	sor.u32 s29, s16;
	[tilespmem:s28+$0x0] =	vst v15  }
0x168: {  	s31 =	sor.u32 s29, s3;
	[tilespmem:s30+$0x0] =	vst v17  }
0x169: {  	s2 =	sor.u32 s29, s2;
	[tilespmem:s31+$0x0] =	vst v9  }
0x16a: {  	s3 =	sor.u32 s29, s1;
	[tilespmem:s2+$0x0] =	vst v21  }
0x16b: {  	s4 =	sor.u32 s29, s4;
	[tilespmem:s3+$0x0] =	vst v23  }
0x16c: {  	s5 =	sor.u32 s29, s5;
	[tilespmem:s4+$0x0] =	vst v25  }
0x16d: {  	s7 =	sor.u32 s29, s7;
	[tilespmem:s5+$0x0] =	vst v27  }
0x16e: {  	s6 =	sor.u32 s29, s6;
	[tilespmem:s7+$0x0] =	vst v40  }
0x16f: {  	s8 =	sor.u32 s29, s0;
	[tilespmem:s6+$0x0] =	vst v42  }
0x170: {  	s10 =	sor.u32 s29, s10;
	[tilespmem:s8+$0x0] =	vst v44  }
0x171: {  	s12 =	sor.u32 s29, s12;
	[tilespmem:s10+$0x0] =	vst v46  }
0x172: {  	s13 =	sor.u32 s29, s13;
	[tilespmem:s12+$0x0] =	vst v48  }
0x173: {  	s17 =	sor.u32 s29, s14;
	[tilespmem:s13+$0x0] =	vst v50  }
0x174: {  	s18 =	sor.u32 s29, s15;
	[tilespmem:s17+$0x0] =	vst v52  }
0x175: {  	s19 =	sor.u32 s29, s19;
	[tilespmem:s18+$0x0] =	vst v54  }
0x176: {  	s20 =	sor.u32 s29, s20;
	[tilespmem:s19+$0x0] =	vst v56  }
0x177: {  	s21 =	sor.u32 s29, s21;
	s1 =	rddreg [dreg:$0x13];
	[tilespmem:s20+$0x0] =	vst v58  }
0x178: {  	s22 =	sor.u32 s29, s22;
	p2 =	slt.u32 s1, $0x1C0;
	[tilespmem:s21+$0x0] =	vst v60  }
.Ltmp2:
0x179: {  	s23 =	sor.u32 s29, s23;
	[tilespmem:s22+$0x0] =	vst v61;
	(pc) =	sbr.rel @p2 .LBB2_3-.Ltmp2, $4  }
0x17a: {  	s25 =	sor.u32 s29, s24;
	[tilespmem:s23+$0x0] =	vst v62  }
0x17b: {  	s16 =	rddreg [dreg:$0x11];
	s28 =	sor.u32 s29, s9;
	[tilespmem:s25+$0x0] =	vst v63  }
0x17c: {  	s30 =	sor.u32 s29, s26;
	s31 =	rddreg [dreg:$0xf];
	[tilespmem:s28+$0x0] =	vst v30  }
0x17d: {  	p1 =	por !p1, !p1;
	s2 =	sadd.s32 $0x200, s16;
	s0 =	sadd.s32 $0x40, s31;
	[tilespmem:s30+$0x0] =	vst v0  }
0x17e: {  	s6 =	rddreg [dreg:$0xb]  }
0x17f: {  	s3 =	rddreg [dreg:$0x6]  }
0x180: {  	s2 =	rddreg [dreg:$0x3]  }
0x181: {  	s29 =	rddreg [dreg:$0x1]  }
0x182: {  	s0 =	sshrl.u32 s6, $0x2;
	s1 =	sshll.u32 s6, $0xA;
	p1 =	sne.s32 s6, $0x63  }
.Ltmp3:
0x183: {  	s0 =	sadd.s32 s3, s0;
	s1 =	sand.u32 $0xC00, s1;
	(pc) =	sbr.rel @p1 .LBB2_6-.Ltmp3, $4  }
0x184: {  	s30 =	simm.s32 $0x1000;
	s0 =	sshll.u32 s0, $0x11;
	s4 =	sor.u32 s2, s1  }
0x185: {  	s31 =	simm.s32 $0x20000;
	s0 =	sadd.s32 s29, s0;
	[dreg:$0xd] =	wrdreg s4  }
0x186: {  	s5 =	simm.s32 $0x400;
	[dreg:$0xe] =	wrdreg s0;
	s0 =	sadd.s32 s0, s4  }
0x187: {  	[hbm4b:s0+s30] =	stream.strided.scatter [tilespmem:s5], [sflag:$0x3], $0x8000, s31, s30, $0x38;
	[tilespmem:$0x10600] =	vst v63  }
.Ltmp4:
0x188: {  	(pc) =	sbr.rel .LBB2_7-.Ltmp4, $4  }
0x189: {  	s0 =	simm.s32 $0x2  }
0x18a: {  	_ =	swait.ge [sflag:s0], $0x200  }
0x18b: {  	[sflag:s0] =	ssyncset.done $0x0  }
0x18c: {  	[sflag:s0] =	ssyncadd.s32 $0xFFFFFE00  }
.LBB2_6:
0x18d: {  	s0 =	rddreg [dreg:$0xc]  }
0x18e: {  	s0 =	sadd.s32 $0x2, s0  }
0x18f: {  	s1 =	sshrl.u32 s0, $0x3;
	s0 =	sshll.u32 s0, $0x9  }
0x190: {  	s1 =	sadd.s32 s3, s1;
	s0 =	sand.u32 $0xC00, s0  }
0x191: {  	s1 =	sshll.u32 s1, $0xE;
	s0 =	sor.u32 s2, s0  }
0x192: {  	s0 =	sadd.s32 s1, s0  }
0x193: {  	s29 =	rddreg [dreg:$0x5];
	s30 =	simm.s32 $0x0;
	s0 =	sshrl.u32 s0, $0x3  }
.Ltmp5:
0x194: {  	s31 =	simm.s32 $0x2;
	s0 =	sadd.s32 s29, s0;
	(pc) =	sbr.rel @p0 .LBB2_8-.Ltmp5, $4  }
0x195: {  	[tilespmem:s30], [sflag:$0x1] =	stream.linear.gather [hbm4b:s0+s30], $0x200, $0x38;
	[tilespmem:$0x10600] =	vst v63  }
0x196: {  	_ =	swait.ge [sflag:s31], $0x200  }
0x197: {  	[sflag:s31] =	ssyncset.done $0x0  }
0x198: {  	[sflag:s31] =	ssyncadd.s32 $0xFFFFFE00  }
.LBB2_7:
0x199: {  	s0 =	simm.s32 $0x4  }
0x19a: {  	_ =	swait.ge [sflag:s0], $0x8000  }
0x19b: {  	[sflag:s0] =	ssyncset.done $0x0  }
0x19c: {  	[sflag:s0] =	ssyncadd.s32 $0xFFFF8000  }
.LBB2_8:
0x19d: {  	s1 =	simm.s32 $0xFFFFFFC0  }
0x19e: {  	s2 =	simm.s32 $0x0;
	p0 =	por $0x0, $0x0;
	s0 =	simm.s32 $0x200  }
.LBB2_9:
0x19f: {  	v0 =	vld [tilespmem:s0+$0x0];
	_ =	sdelay $0x4  }
0x1a0: {  	v2 =	vmul.u32 $0x41, v0  }
0x1a1: {  	s1 =	sadd.s32 $0x40, s1  }
0x1a2: {  	s19 =	sand.u32 $0x40, s1;
	s14 =	sand.u32 $0x180, s1;
	v0 =	vadd.s32 $0x1, v2  }
0x1a3: {  	[dreg:$0x14] =	wrdreg s1;
	s29 =	sor.u32 $0x10, s19;
	s1 =	sor.u32 $0x200, s14;
	v1 =	vadd.s32 $0x2, v2  }
0x1a4: {  	[dreg:$0x10] =	wrdreg s0;
	s0 =	sor.u32 s29, s1;
	v3 =	vadd.s32 $0x3, v2  }
0x1a5: {  	v15 =	vld [tilespmem:s0+$0x0];
	v4 =	vadd.s32 $0x4, v2  }
0x1a6: {  	v5 =	vadd.s32 $0x5, v2;
	v7 =	vld.idx.msk [tilespmem:v2+s11+$0x0], $0xffff  }
0x1a7: {  	v30 =	vadd.s32 $0x6, v2;
	v9 =	vld.idx.msk [tilespmem:v0+s11+$0x0], $0xffff  }
0x1a8: {  	v31 =	vadd.s32 $0x7, v2;
	v10 =	vld.idx.msk [tilespmem:v1+s11+$0x0], $0xffff  }
0x1a9: {  	v32 =	vadd.s32 $0x8, v2;
	v11 =	vld.idx.msk [tilespmem:v3+s11+$0x0], $0xffff  }
0x1aa: {  	v33 =	vadd.s32 $0x9, v2;
	v12 =	vld.idx.msk [tilespmem:v4+s11+$0x0], $0xffff  }
0x1ab: {  	v34 =	vadd.s32 $0xA, v2;
	v13 =	vld.idx.msk [tilespmem:v5+s11+$0x0], $0xffff  }
0x1ac: {  	v35 =	vadd.s32 $0xB, v2;
	v14 =	vld.idx.msk [tilespmem:v30+s11+$0x0], $0xffff  }
0x1ad: {  	v36 =	vadd.s32 $0xC, v2;
	v16 =	vld.idx.msk [tilespmem:v31+s11+$0x0], $0xffff  }
0x1ae: {  	v37 =	vadd.s32 $0xD, v2;
	v17 =	vld.idx.msk [tilespmem:v32+s11+$0x0], $0xffff  }
0x1af: {  	v38 =	vadd.s32 $0xE, v2;
	v18 =	vld.idx.msk [tilespmem:v33+s11+$0x0], $0xffff  }
0x1b0: {  	v39 =	vadd.s32 $0xF, v2;
	v20 =	vld.idx.msk [tilespmem:v34+s11+$0x0], $0xffff  }
0x1b1: {  	v40 =	vadd.s32 $0x10, v2;
	v21 =	vld.idx.msk [tilespmem:v35+s11+$0x0], $0xffff  }
0x1b2: {  	v41 =	vadd.s32 $0x11, v2;
	v22 =	vld.idx.msk [tilespmem:v36+s11+$0x0], $0xffff  }
0x1b3: {  	v42 =	vadd.s32 $0x12, v2;
	v23 =	vld.idx.msk [tilespmem:v37+s11+$0x0], $0xffff  }
0x1b4: {  	v43 =	vadd.s32 $0x13, v2;
	v25 =	vld.idx.msk [tilespmem:v38+s11+$0x0], $0xffff  }
0x1b5: {  	v44 =	vadd.s32 $0x14, v2;
	v26 =	vld.idx.msk [tilespmem:v39+s11+$0x0], $0xffff  }
0x1b6: {  	v45 =	vadd.s32 $0x15, v2;
	v28 =	vld.idx.msk [tilespmem:v40+s11+$0x0], $0xffff  }
0x1b7: {  	v46 =	vadd.s32 $0x16, v2;
	v29 =	vld.idx.msk [tilespmem:v41+s11+$0x0], $0xffff  }
0x1b8: {  	v47 =	vadd.s32 $0x17, v2;
	v31 =	vld.idx.msk [tilespmem:v42+s11+$0x0], $0xffff  }
0x1b9: {  	v48 =	vadd.s32 $0x18, v2;
	v33 =	vld.idx.msk [tilespmem:v43+s11+$0x0], $0xffff  }
0x1ba: {  	v6 =	vadd.s32 $0x19, v2;
	v35 =	vld.idx.msk [tilespmem:v44+s11+$0x0], $0xffff  }
0x1bb: {  	v8 =	vadd.s32 $0x1A, v2;
	v3 =	vld.idx.msk [tilespmem:v45+s11+$0x0], $0xffff  }
0x1bc: {  	v19 =	vadd.s32 $0x1B, v2;
	v0 =	vld.idx.msk [tilespmem:v46+s11+$0x0], $0xffff  }
0x1bd: {  	v49 =	vadd.s32 $0x1C, v2;
	v34 =	vld.idx.msk [tilespmem:v47+s11+$0x0], $0xffff  }
0x1be: {  	v50 =	vadd.s32 $0x1D, v2;
	v32 =	vld.idx.msk [tilespmem:v48+s11+$0x0], $0xffff  }
0x1bf: {  	v51 =	vadd.s32 $0x1E, v2;
	v30 =	vld.idx.msk [tilespmem:v6+s11+$0x0], $0xffff  }
0x1c0: {  	v27 =	vld.idx.msk [tilespmem:v8+s11+$0x0], $0xffff;
	v36 =	vadd.s32 $0x1F, v2;
	v1 =	vmul.u32 $0x41, v15  }
0x1c1: {  	v24 =	vld.idx.msk [tilespmem:v19+s11+$0x0], $0xffff  }
0x1c2: {  	v19 =	vld.idx.msk [tilespmem:v49+s11+$0x0], $0xffff;
	v37 =	vadd.s32 $0x1, v1  }
0x1c3: {  	s20 =	sand.u32 $0xC00, s2;
	v15 =	vld.idx.msk [tilespmem:v50+s11+$0x0], $0xffff;
	v38 =	vadd.s32 $0x2, v1  }
0x1c4: {  	[dreg:$0x12] =	wrdreg s2;
	s2 =	sadd.s32 $0x8400, s20;
	v8 =	vld.idx.msk [tilespmem:v51+s11+$0x0], $0xffff;
	v39 =	vadd.s32 $0x3, v1  }
0x1c5: {  	[dreg:$0x16] =	wrdreg s2;
	s2 =	sor.u32 s19, s2;
	s0 =	simm.s32 $0x1;
	v52 =	vadd.s32 $0x4, v1;
	v5 =	vld.idx.msk [tilespmem:v36+s11+$0x0], $0xffff  }
0x1c6: {  	s0 =	simm.s32 @!p0 $0x0;
	v40 =	vadd.s32 $0x5, v1;
	[tilespmem:s2+$0x0] =	vst v7;
	v4 =	vld.idx.msk [tilespmem:v1+s11+$0x0], $0xffff  }
0x1c7: {  	s3 =	rddreg [dreg:$0x12];
	s0 =	sshll.u32 s0, $0x6;
	v53 =	vadd.s32 $0x6, v1;
	[tilespmem:s2+$0x80] =	vst v9;
	v6 =	vld.idx.msk [tilespmem:v37+s11+$0x0], $0xffff  }
0x1c8: {  	s5 =	sadd.s32 s0, s3;
	v54 =	vadd.s32 $0x7, v1;
	[tilespmem:s2+$0x100] =	vst v10;
	v7 =	vld.idx.msk [tilespmem:v38+s11+$0x0], $0xffff  }
0x1c9: {  	s17 =	rddreg [dreg:$0x12];
	s0 =	sor.u32 $0x200, s5;
	v55 =	vadd.s32 $0x8, v1;
	[tilespmem:s2+$0x180] =	vst v11;
	v9 =	vld.idx.msk [tilespmem:v39+s11+$0x0], $0xffff  }
0x1ca: {  	s18 =	rddreg [dreg:$0x14];
	s15 =	sor.u32 $0x280, s5;
	v56 =	vadd.s32 $0x9, v1;
	[tilespmem:s0+$0x8400] =	vst v12;
	v10 =	vld.idx.msk [tilespmem:v52+s11+$0x0], $0xffff  }
0x1cb: {  	s16 =	sor.u32 $0x300, s5;
	v57 =	vadd.s32 $0xA, v1;
	s2 =	sor.u32 s17, s18;
	v11 =	vld.idx.msk [tilespmem:v40+s11+$0x0], $0xffff;
	[tilespmem:s15+$0x8400] =	vst v13  }
0x1cc: {  	s22 =	sadd.s32 $0x9400, s20;
	v58 =	vadd.s32 $0xB, v1;
	s21 =	sor.u32 $0x380, s2;
	v12 =	vld.idx.msk [tilespmem:v53+s11+$0x0], $0xffff;
	[tilespmem:s16+$0x8400] =	vst v14  }
0x1cd: {  	s24 =	sadd.s32 $0x9480, s20;
	s23 =	sor.u32 s19, s22;
	v59 =	vadd.s32 $0xC, v1;
	v13 =	vld.idx.msk [tilespmem:v54+s11+$0x0], $0xffff;
	[tilespmem:s21+$0x8400] =	vst v16  }
0x1ce: {  	s28 =	sadd.s32 $0x9500, s20;
	s25 =	sor.u32 s19, s24;
	v60 =	vadd.s32 $0xD, v1;
	v14 =	vld.idx.msk [tilespmem:v55+s11+$0x0], $0xffff;
	[tilespmem:s23+$0x0] =	vst v17  }
0x1cf: {  	s7 =	sadd.s32 $0x9580, s20;
	s26 =	sor.u32 s19, s28;
	v61 =	vadd.s32 $0xE, v1;
	v16 =	vld.idx.msk [tilespmem:v56+s11+$0x0], $0xffff;
	[tilespmem:s25+$0x0] =	vst v18  }
0x1d0: {  	s8 =	sadd.s32 $0x9600, s20;
	s30 =	sor.u32 s19, s7;
	v62 =	vadd.s32 $0xF, v1;
	v17 =	vld.idx.msk [tilespmem:v57+s11+$0x0], $0xffff;
	[tilespmem:s26+$0x0] =	vst v20  }
0x1d1: {  	s10 =	sadd.s32 $0x9680, s20;
	s31 =	sor.u32 s19, s8;
	v63 =	vadd.s32 $0x10, v1;
	v18 =	vld.idx.msk [tilespmem:v58+s11+$0x0], $0xffff;
	[tilespmem:s30+$0x0] =	vst v21  }
0x1d2: {  	s12 =	sadd.s32 $0x9700, s20;
	v44 =	vadd.s32 $0x11, v1;
	s2 =	sor.u32 s19, s10;
	v20 =	vld.idx.msk [tilespmem:v59+s11+$0x0], $0xffff;
	[tilespmem:s31+$0x0] =	vst v22  }
0x1d3: {  	s13 =	sadd.s32 $0x9780, s20;
	s3 =	sor.u32 s19, s12;
	v45 =	vadd.s32 $0x12, v1;
	v21 =	vld.idx.msk [tilespmem:v60+s11+$0x0], $0xffff;
	[tilespmem:s2+$0x0] =	vst v23  }
0x1d4: {  	s4 =	sor.u32 s19, s13;
	s14 =	sadd.s32 $0xA400, s20;
	v46 =	vadd.s32 $0x13, v1;
	v22 =	vld.idx.msk [tilespmem:v61+s11+$0x0], $0xffff;
	[tilespmem:s3+$0x0] =	vst v25  }
0x1d5: {  	s6 =	sor.u32 s19, s14;
	v47 =	vadd.s32 $0x14, v1;
	s16 =	sadd.s32 $0xA480, s20;
	v23 =	vld.idx.msk [tilespmem:v62+s11+$0x0], $0xffff;
	[tilespmem:s4+$0x0] =	vst v26  }
0x1d6: {  	[dreg:$0x18] =	wrdreg s22;
	v50 =	vadd.s32 $0x17, v1;
	s18 =	sadd.s32 $0xA500, s20;
	s9 =	sor.u32 s19, s16;
	v25 =	vld.idx.msk [tilespmem:v63+s11+$0x0], $0xffff;
	[tilespmem:s6+$0x0] =	vst v28  }
0x1d7: {  	[smem:$0x796] =	sst s24;
	s15 =	sor.u32 s19, s18;
	v53 =	vadd.s32 $0x1A, v1;
	s21 =	sadd.s32 $0xA580, s20;
	v26 =	vld.idx.msk [tilespmem:v44+s11+$0x0], $0xffff;
	[tilespmem:s9+$0x0] =	vst v29  }
0x1d8: {  	[smem:$0x797] =	sst s28;
	s22 =	sadd.s32 $0xA600, s20;
	v56 =	vadd.s32 $0x1D, v1;
	s17 =	sor.u32 s19, s21;
	v28 =	vld.idx.msk [tilespmem:v45+s11+$0x0], $0xffff;
	[tilespmem:s15+$0x0] =	vst v31  }
0x1d9: {  	[smem:$0x798] =	sst s7;
	s23 =	sor.u32 s19, s22;
	s6 =	sadd.s32 $0xA680, s20;
	v29 =	vld.idx.msk [tilespmem:v46+s11+$0x0], $0xffff;
	[tilespmem:s17+$0x0] =	vst v33  }
0x1da: {  	[smem:$0x799] =	sst s8;
	v48 =	vadd.s32 $0x15, v1;
	s24 =	sor.u32 s19, s6;
	v31 =	vld.idx.msk [tilespmem:v47+s11+$0x0], $0xffff;
	[tilespmem:s23+$0x0] =	vst v35;
	s23 =	sadd.s32 $0xA700, s20  }
0x1db: {  	[smem:$0x79A] =	sst s10;
	v51 =	vadd.s32 $0x18, v1;
	s15 =	sadd.s32 $0xA780, s20;
	v47 =	vld.idx.msk [tilespmem:v50+s11+$0x0], $0xffff;
	[tilespmem:s24+$0x0] =	vst v3;
	s26 =	sor.u32 s19, s23  }
0x1dc: {  	s0 =	sor.u32 $0x20, s19;
	v54 =	vadd.s32 $0x1B, v1;
	s4 =	sadd.s32 $0xB400, s20;
	v50 =	vld.idx.msk [tilespmem:v53+s11+$0x0], $0xffff;
	s30 =	sor.u32 s19, s15;
	[tilespmem:s26+$0x0] =	vst v0  }
0x1dd: {  	v57 =	vadd.s32 $0x1E, v1;
	s25 =	sor.u32 s0, s1;
	s2 =	sor.u32 s19, s4;
	v53 =	vld.idx.msk [tilespmem:v56+s11+$0x0], $0xffff;
	s24 =	sadd.s32 $0xB480, s20;
	[tilespmem:s30+$0x0] =	vst v34  }
0x1de: {  	[smem:$0x79B] =	sst s12;
	v49 =	vadd.s32 $0x16, v1;
	v3 =	vld [tilespmem:s25+$0x0];
	s25 =	sadd.s32 $0xB500, s20;
	s3 =	sor.u32 s19, s24;
	[tilespmem:s2+$0x0] =	vst v32  }
0x1df: {  	[smem:$0x79C] =	sst s13;
	v52 =	vadd.s32 $0x19, v1;
	v33 =	vld.idx.msk [tilespmem:v48+s11+$0x0], $0xffff;
	s9 =	sor.u32 s19, s25;
	s26 =	sadd.s32 $0xB580, s20;
	[tilespmem:s3+$0x0] =	vst v30  }
0x1e0: {  	[smem:$0x79D] =	sst s14;
	v55 =	vadd.s32 $0x1C, v1;
	v48 =	vld.idx.msk [tilespmem:v51+s11+$0x0], $0xffff;
	s17 =	sor.u32 s19, s26;
	s30 =	sadd.s32 $0xB600, s20;
	[tilespmem:s9+$0x0] =	vst v27  }
0x1e1: {  	[smem:$0x7A1] =	sst s22;
	v51 =	vld.idx.msk [tilespmem:v54+s11+$0x0], $0xffff;
	s2 =	sor.u32 s19, s30;
	s3 =	sadd.s32 $0xB680, s20;
	[tilespmem:s17+$0x0] =	vst v24  }
0x1e2: {  	[smem:$0x795] =	sst s5;
	v58 =	vadd.s32 $0x1F, v1;
	v54 =	vld.idx.msk [tilespmem:v57+s11+$0x0], $0xffff;
	s9 =	sor.u32 s19, s3;
	s17 =	sadd.s32 $0xB700, s20;
	[tilespmem:s2+$0x0] =	vst v19  }
0x1e3: {  	[smem:$0x79F] =	sst s18;
	v35 =	vld.idx.msk [tilespmem:v49+s11+$0x0], $0xffff;
	s2 =	sor.u32 s19, s17;
	[tilespmem:s9+$0x0] =	vst v15;
	s9 =	sadd.s32 $0xB780, s20  }
0x1e4: {  	[smem:$0x79E] =	sst s16;
	s31 =	sor.u32 $0x30, s19;
	v49 =	vld.idx.msk [tilespmem:v52+s11+$0x0], $0xffff;
	[tilespmem:s2+$0x0] =	vst v8;
	s2 =	sor.u32 s19, s9  }
0x1e5: {  	v59 =	vadd.s32 $0x20, v2;
	s1 =	sor.u32 s31, s1;
	v52 =	vld.idx.msk [tilespmem:v55+s11+$0x0], $0xffff;
	[tilespmem:s2+$0x0] =	vst v5;
	s2 =	rddreg [dreg:$0x16]  }
0x1e6: {  	[smem:$0x7A0] =	sst s21;
	v60 =	vadd.s32 $0x21, v2;
	v0 =	vld [tilespmem:s1+$0x0];
	s1 =	sor.u32 s29, s2  }
0x1e7: {  	v61 =	vadd.s32 $0x22, v2;
	[smem:$0x7A5] =	sst s4;
	v55 =	vld.idx.msk [tilespmem:v58+s11+$0x0], $0xffff;
	[tilespmem:s1+$0x0] =	vst v4  }
0x1e8: {  	v62 =	vadd.s32 $0x23, v2;
	[smem:$0x7A2] =	sst s6;
	[tilespmem:s1+$0x80] =	vst v6  }
0x1e9: {  	v63 =	vadd.s32 $0x24, v2;
	[smem:$0x7A4] =	sst s15;
	s2 =	sadd.s32 $0x10, s5;
	[tilespmem:s1+$0x100] =	vst v7  }
0x1ea: {  	[smem:$0x7A3] =	sst s23;
	v30 =	vadd.s32 $0x25, v2;
	v56 =	vld.idx.msk [tilespmem:v59+s11+$0x0], $0xffff;
	[tilespmem:s1+$0x180] =	vst v9;
	s5 =	sor.u32 $0x200, s2  }
0x1eb: {  	[smem:$0x7A6] =	sst s24;
	v32 =	vadd.s32 $0x26, v2;
	v46 =	vld.idx.msk [tilespmem:v60+s11+$0x0], $0xffff;
	[tilespmem:s5+$0x8400] =	vst v10;
	s5 =	sor.u32 $0x280, s2  }
0x1ec: {  	[smem:$0x7A7] =	sst s25;
	v34 =	vadd.s32 $0x27, v2;
	v44 =	vld.idx.msk [tilespmem:v61+s11+$0x0], $0xffff;
	[tilespmem:s5+$0x8400] =	vst v11;
	s5 =	sor.u32 $0x300, s2  }
0x1ed: {  	v36 =	vadd.s32 $0x28, v2;
	[smem:$0x7A8] =	sst s26;
	v45 =	vld.idx.msk [tilespmem:v62+s11+$0x0], $0xffff;
	s2 =	sor.u32 $0x380, s2;
	[tilespmem:s5+$0x8400] =	vst v12  }
0x1ee: {  	v37 =	vadd.s32 $0x29, v2;
	v15 =	vld.idx.msk [tilespmem:v63+s11+$0x0], $0xffff;
	[tilespmem:s2+$0x8400] =	vst v13;
	s2 =	sld [smem:$0x796]  }
0x1ef: {  	v38 =	vadd.s32 $0x2A, v2;
	v43 =	vld.idx.msk [tilespmem:v30+s11+$0x0], $0xffff;
	s5 =	rddreg [dreg:$0x18]  }
0x1f0: {  	v57 =	vadd.s32 $0x2B, v2;
	[smem:$0x7A9] =	sst s30;
	v19 =	vld.idx.msk [tilespmem:v32+s11+$0x0], $0xffff;
	s1 =	sor.u32 s29, s5  }
0x1f1: {  	v58 =	vadd.s32 $0x2C, v2;
	[smem:$0x7AA] =	sst s3;
	v42 =	vld.idx.msk [tilespmem:v34+s11+$0x0], $0xffff;
	[tilespmem:s1+$0x0] =	vst v14;
	s1 =	sor.u32 s29, s2  }
0x1f2: {  	[smem:$0x7AB] =	sst s17;
	v41 =	vld.idx.msk [tilespmem:v36+s11+$0x0], $0xffff;
	v59 =	vadd.s32 $0x2D, v2;
	s5 =	sor.u32 s29, s28;
	[tilespmem:s1+$0x0] =	vst v16  }
0x1f3: {  	[smem:$0x7AC] =	sst s9;
	v40 =	vld.idx.msk [tilespmem:v37+s11+$0x0], $0xffff;
	v60 =	vadd.s32 $0x2E, v2;
	[tilespmem:s5+$0x0] =	vst v17  }
0x1f4: {  	v61 =	vadd.s32 $0x2F, v2;
	v27 =	vld.idx.msk [tilespmem:v38+s11+$0x0], $0xffff  }
0x1f5: {  	s7 =	sor.u32 s29, s7;
	v62 =	vadd.s32 $0x30, v2;
	v39 =	vld.idx.msk [tilespmem:v57+s11+$0x0], $0xffff  }
0x1f6: {  	s8 =	sor.u32 s29, s8;
	v63 =	vadd.s32 $0x31, v2;
	[tilespmem:s7+$0x0] =	vst v18;
	v38 =	vld.idx.msk [tilespmem:v58+s11+$0x0], $0xffff  }
0x1f7: {  	s10 =	sor.u32 s29, s10;
	v13 =	vadd.s32 $0x33, v2;
	v37 =	vld.idx.msk [tilespmem:v59+s11+$0x0], $0xffff;
	[tilespmem:s8+$0x0] =	vst v20  }
0x1f8: {  	s28 =	sor.u32 s29, s12;
	v14 =	vadd.s32 $0x34, v2;
	v36 =	vld.idx.msk [tilespmem:v60+s11+$0x0], $0xffff;
	[tilespmem:s10+$0x0] =	vst v21  }
0x1f9: {  	s2 =	sor.u32 s29, s13;
	v16 =	vadd.s32 $0x35, v2;
	v34 =	vld.idx.msk [tilespmem:v61+s11+$0x0], $0xffff;
	[tilespmem:s28+$0x0] =	vst v22  }
0x1fa: {  	s5 =	sor.u32 s29, s14;
	v17 =	vadd.s32 $0x36, v2;
	v32 =	vld.idx.msk [tilespmem:v62+s11+$0x0], $0xffff;
	[tilespmem:s2+$0x0] =	vst v23  }
0x1fb: {  	s7 =	sor.u32 s29, s16;
	v30 =	vld.idx.msk [tilespmem:v63+s11+$0x0], $0xffff;
	v58 =	vadd.s32 $0x3F, v2;
	[tilespmem:s5+$0x0] =	vst v25  }
0x1fc: {  	v12 =	vadd.s32 $0x32, v2;
	v24 =	vld.idx.msk [tilespmem:v13+s11+$0x0], $0xffff;
	s8 =	sor.u32 s29, s18;
	[tilespmem:s7+$0x0] =	vst v26  }
0x1fd: {  	s10 =	sor.u32 s29, s21;
	v22 =	vld.idx.msk [tilespmem:v14+s11+$0x0], $0xffff;
	[tilespmem:s8+$0x0] =	vst v28;
	v28 =	vadd.s32 $0x37, v2  }
0x1fe: {  	s12 =	sor.u32 s29, s22;
	v20 =	vld.idx.msk [tilespmem:v16+s11+$0x0], $0xffff;
	[tilespmem:s10+$0x0] =	vst v29;
	v29 =	vadd.s32 $0x38, v2  }
0x1ff: {  	s13 =	sor.u32 s29, s6;
	v57 =	vadd.s32 $0x3E, v2;
	v18 =	vld.idx.msk [tilespmem:v17+s11+$0x0], $0xffff;
	[tilespmem:s12+$0x0] =	vst v31  }
0x200: {  	s14 =	sor.u32 s29, s23;
	v5 =	vld.idx.msk [tilespmem:v58+s11+$0x0], $0xffff;
	v31 =	vadd.s32 $0x39, v2;
	[tilespmem:s13+$0x0] =	vst v33  }
0x201: {  	s16 =	sor.u32 s29, s15;
	v26 =	vld.idx.msk [tilespmem:v12+s11+$0x0], $0xffff;
	v33 =	vadd.s32 $0x3A, v2;
	[tilespmem:s14+$0x0] =	vst v35  }
0x202: {  	s18 =	sor.u32 s29, s4;
	v35 =	vadd.s32 $0x3B, v2;
	[tilespmem:s16+$0x0] =	vst v47;
	v16 =	vld.idx.msk [tilespmem:v28+s11+$0x0], $0xffff  }
0x203: {  	s21 =	sor.u32 s29, s24;
	v47 =	vadd.s32 $0x3C, v2;
	[tilespmem:s18+$0x0] =	vst v48;
	v14 =	vld.idx.msk [tilespmem:v29+s11+$0x0], $0xffff  }
0x204: {  	s22 =	sor.u32 s29, s25;
	v48 =	vadd.s32 $0x3D, v2;
	v2 =	vld.idx.msk [tilespmem:v57+s11+$0x0], $0xffff;
	[tilespmem:s21+$0x0] =	vst v49  }
0x205: {  	s23 =	sor.u32 s29, s26;
	v12 =	vld.idx.msk [tilespmem:v31+s11+$0x0], $0xffff;
	[tilespmem:s22+$0x0] =	vst v50  }
0x206: {  	s24 =	sor.u32 s29, s30;
	v10 =	vld.idx.msk [tilespmem:v33+s11+$0x0], $0xffff;
	[tilespmem:s23+$0x0] =	vst v51  }
0x207: {  	s25 =	sor.u32 s29, s3;
	s28 =	sadd.s32 $0xC400, s20;
	v6 =	vld.idx.msk [tilespmem:v35+s11+$0x0], $0xffff;
	[tilespmem:s24+$0x0] =	vst v52  }
0x208: {  	v59 =	vadd.s32 $0x20, v1;
	s2 =	sor.u32 s19, s28;
	v7 =	vld.idx.msk [tilespmem:v47+s11+$0x0], $0xffff;
	[tilespmem:s25+$0x0] =	vst v53  }
0x209: {  	s3 =	sadd.s32 $0xC480, s20;
	s26 =	sor.u32 s29, s17;
	v60 =	vadd.s32 $0x21, v1;
	v4 =	vld.idx.msk [tilespmem:v48+s11+$0x0], $0xffff;
	[tilespmem:s2+$0x0] =	vst v56  }
0x20a: {  	v61 =	vadd.s32 $0x22, v1;
	s4 =	sor.u32 s19, s3;
	[tilespmem:s26+$0x0] =	vst v54  }
0x20b: {  	v62 =	vadd.s32 $0x23, v1;
	s30 =	sor.u32 s29, s9;
	s5 =	sadd.s32 $0xC500, s20;
	[tilespmem:s4+$0x0] =	vst v46  }
0x20c: {  	s6 =	sor.u32 s19, s5;
	s7 =	sadd.s32 $0xC580, s20;
	v33 =	vadd.s32 $0x25, v1;
	[tilespmem:s30+$0x0] =	vst v55  }
0x20d: {  	s9 =	sadd.s32 $0xC600, s20;
	s8 =	sor.u32 s19, s7;
	v49 =	vadd.s32 $0x2C, v1;
	[tilespmem:s6+$0x0] =	vst v44;
	v8 =	vld.idx.msk [tilespmem:v59+s11+$0x0], $0xffff  }
0x20e: {  	s10 =	sor.u32 s19, s9;
	s12 =	sadd.s32 $0xC680, s20;
	v50 =	vadd.s32 $0x2D, v1;
	v9 =	vld.idx.msk [tilespmem:v60+s11+$0x0], $0xffff;
	[tilespmem:s8+$0x0] =	vst v45  }
0x20f: {  	s13 =	sor.u32 s19, s12;
	s14 =	sadd.s32 $0xC700, s20;
	v51 =	vadd.s32 $0x2E, v1;
	v11 =	vld.idx.msk [tilespmem:v61+s11+$0x0], $0xffff;
	[tilespmem:s10+$0x0] =	vst v15  }
0x210: {  	v63 =	vadd.s32 $0x24, v1;
	[dreg:$0x1a] =	wrdreg s28;
	s28 =	sadd.s32 $0xC780, s20;
	s15 =	sor.u32 s19, s14;
	v13 =	vld.idx.msk [tilespmem:v62+s11+$0x0], $0xffff;
	[tilespmem:s13+$0x0] =	vst v43  }
0x211: {  	s17 =	sadd.s32 $0xD400, s20;
	s16 =	sor.u32 s19, s28;
	v48 =	vadd.s32 $0x2B, v1;
	v17 =	vld.idx.msk [tilespmem:v33+s11+$0x0], $0xffff;
	[tilespmem:s15+$0x0] =	vst v19  }
0x212: {  	s18 =	sor.u32 s19, s17;
	v35 =	vadd.s32 $0x26, v1;
	v29 =	vld.idx.msk [tilespmem:v49+s11+$0x0], $0xffff;
	s15 =	sadd.s32 $0xD480, s20;
	[tilespmem:s16+$0x0] =	vst v42  }
0x213: {  	[smem:$0x7AE] =	sst s14;
	s14 =	sadd.s32 $0xD500, s20;
	v46 =	vadd.s32 $0x29, v1;
	v31 =	vld.idx.msk [tilespmem:v50+s11+$0x0], $0xffff;
	s21 =	sor.u32 s19, s15;
	[tilespmem:s18+$0x0] =	vst v41  }
0x214: {  	s22 =	sor.u32 s19, s14;
	v44 =	vadd.s32 $0x27, v1;
	v33 =	vld.idx.msk [tilespmem:v51+s11+$0x0], $0xffff;
	s16 =	sadd.s32 $0xD580, s20;
	[tilespmem:s21+$0x0] =	vst v40  }
0x215: {  	v45 =	vadd.s32 $0x28, v1;
	v15 =	vld.idx.msk [tilespmem:v63+s11+$0x0], $0xffff;
	s13 =	sadd.s32 $0xD600, s20;
	s23 =	sor.u32 s19, s16;
	[tilespmem:s22+$0x0] =	vst v27  }
0x216: {  	[smem:$0x7AD] =	sst s12;
	s12 =	sadd.s32 $0xD680, s20;
	v47 =	vadd.s32 $0x2A, v1;
	v28 =	vld.idx.msk [tilespmem:v48+s11+$0x0], $0xffff;
	s24 =	sor.u32 s19, s13;
	[tilespmem:s23+$0x0] =	vst v39  }
0x217: {  	v58 =	vadd.s32 $0x35, v1;
	v57 =	vadd.s32 $0x34, v1;
	s25 =	sor.u32 s19, s12;
	v19 =	vld.idx.msk [tilespmem:v35+s11+$0x0], $0xffff;
	v42 =	vadd.s32 $0x3B, v1;
	s22 =	sadd.s32 $0xD700, s20;
	[tilespmem:s24+$0x0] =	vst v38  }
0x218: {  	v52 =	vadd.s32 $0x2F, v1;
	v53 =	vadd.s32 $0x30, v1;
	v56 =	vadd.s32 $0x33, v1;
	v25 =	vld.idx.msk [tilespmem:v46+s11+$0x0], $0xffff;
	s26 =	sor.u32 s19, s22;
	s23 =	sadd.s32 $0xD780, s20;
	[tilespmem:s25+$0x0] =	vst v37  }
0x219: {  	v54 =	vadd.s32 $0x31, v1;
	v55 =	vadd.s32 $0x32, v1;
	v59 =	vadd.s32 $0x36, v1;
	v21 =	vld.idx.msk [tilespmem:v44+s11+$0x0], $0xffff;
	s30 =	sor.u32 s19, s23;
	s24 =	sadd.s32 $0xE400, s20;
	[tilespmem:s26+$0x0] =	vst v36  }
0x21a: {  	v60 =	vadd.s32 $0x37, v1;
	v61 =	vadd.s32 $0x38, v1;
	v62 =	vadd.s32 $0x39, v1;
	v23 =	vld.idx.msk [tilespmem:v45+s11+$0x0], $0xffff;
	s2 =	sor.u32 s19, s24;
	s25 =	sadd.s32 $0xE480, s20;
	[tilespmem:s30+$0x0] =	vst v34  }
0x21b: {  	[dreg:$0x1d] =	wrdreg s3;
	v63 =	vadd.s32 $0x3A, v1;
	v43 =	vadd.s32 $0x3C, v1;
	v46 =	vadd.s32 $0x3F, v1;
	v27 =	vld.idx.msk [tilespmem:v47+s11+$0x0], $0xffff;
	s3 =	sor.u32 s19, s25;
	s26 =	sadd.s32 $0xE500, s20;
	[tilespmem:s2+$0x0] =	vst v32  }
0x21c: {  	[smem:$0x7C9] =	sst s9;
	s10 =	sadd.s32 $0xE580, s20;
	v44 =	vadd.s32 $0x3D, v1;
	v45 =	vadd.s32 $0x3E, v1;
	v1 =	vmul.u32 $0x41, v3;
	v3 =	vld.idx.msk [tilespmem:v42+s11+$0x0], $0xffff;
	s4 =	sor.u32 s19, s26;
	[tilespmem:s3+$0x0] =	vst v30  }
0x21d: {  	[dreg:$0x1f] =	wrdreg s5;
	s9 =	sadd.s32 $0xE600, s20;
	s5 =	sor.u32 s19, s10;
	v34 =	vld.idx.msk [tilespmem:v52+s11+$0x0], $0xffff;
	[tilespmem:s4+$0x0] =	vst v26  }
0x21e: {  	s6 =	sor.u32 s19, s9;
	s30 =	sadd.s32 $0xE680, s20;
	v32 =	vld.idx.msk [tilespmem:v53+s11+$0x0], $0xffff;
	[tilespmem:s5+$0x0] =	vst v24  }
0x21f: {  	[smem:$0x7C8] =	sst s7;
	s8 =	sadd.s32 $0xE700, s20;
	s7 =	sor.u32 s19, s30;
	v30 =	vld.idx.msk [tilespmem:v54+s11+$0x0], $0xffff;
	[tilespmem:s6+$0x0] =	vst v22  }
0x220: {  	[smem:$0x7BE] =	sst s8;
	s18 =	sor.u32 s19, s8;
	s8 =	sadd.s32 $0xE780, s20;
	v26 =	vld.idx.msk [tilespmem:v55+s11+$0x0], $0xffff;
	[tilespmem:s7+$0x0] =	vst v20  }
0x221: {  	s1 =	sor.u32 s19, s8;
	v24 =	vld.idx.msk [tilespmem:v56+s11+$0x0], $0xffff;
	s7 =	sadd.s32 $0xF400, s20;
	[tilespmem:s18+$0x0] =	vst v18  }
0x222: {  	v22 =	vld.idx.msk [tilespmem:v57+s11+$0x0], $0xffff;
	s6 =	sadd.s32 $0xF480, s20;
	s2 =	sor.u32 s19, s7;
	[tilespmem:s1+$0x0] =	vst v16  }
0x223: {  	s4 =	sadd.s32 $0xF500, s20;
	v20 =	vld.idx.msk [tilespmem:v58+s11+$0x0], $0xffff;
	s3 =	sor.u32 s19, s6;
	[tilespmem:s2+$0x0] =	vst v14  }
0x224: {  	s5 =	sor.u32 s19, s4;
	v18 =	vld.idx.msk [tilespmem:v59+s11+$0x0], $0xffff;
	[tilespmem:s3+$0x0] =	vst v12;
	s3 =	sadd.s32 $0xF580, s20  }
0x225: {  	v16 =	vld.idx.msk [tilespmem:v60+s11+$0x0], $0xffff;
	s2 =	sadd.s32 $0xF600, s20;
	[tilespmem:s5+$0x0] =	vst v10;
	s18 =	sor.u32 s19, s3;
	s5 =	sadd.s32 $0xF680, s20  }
0x226: {  	v14 =	vld.idx.msk [tilespmem:v61+s11+$0x0], $0xffff;
	s1 =	sor.u32 s19, s2;
	[tilespmem:s18+$0x0] =	vst v6;
	s18 =	sor.u32 s19, s5  }
0x227: {  	v12 =	vld.idx.msk [tilespmem:v62+s11+$0x0], $0xffff;
	s21 =	smov.u32 s5;
	[smem:$0x7C5] =	sst s5;
	s5 =	sadd.s32 $0xF700, s20;
	[tilespmem:s1+$0x0] =	vst v7  }
0x228: {  	v10 =	vld.idx.msk [tilespmem:v63+s11+$0x0], $0xffff;
	s1 =	sadd.s32 $0xF780, s20;
	[smem:$0x7C6] =	sst s5;
	[tilespmem:s18+$0x0] =	vst v4;
	s18 =	sor.u32 s19, s5  }
0x229: {  	v6 =	vld.idx.msk [tilespmem:v43+s11+$0x0], $0xffff;
	s19 =	sor.u32 s19, s1;
	[smem:$0x7C7] =	sst s1;
	[tilespmem:s18+$0x0] =	vst v2  }
0x22a: {  	s20 =	smov.u32 s5;
	v4 =	vld.idx.msk [tilespmem:v44+s11+$0x0], $0xffff;
	[tilespmem:s19+$0x0] =	vst v5;
	s19 =	rddreg [dreg:$0x1a]  }
0x22b: {  	s5 =	smov.u32 s1;
	v2 =	vld.idx.msk [tilespmem:v45+s11+$0x0], $0xffff;
	s1 =	sor.u32 s29, s19;
	s19 =	rddreg [dreg:$0x1d]  }
0x22c: {  	v5 =	vld.idx.msk [tilespmem:v46+s11+$0x0], $0xffff;
	[tilespmem:s1+$0x0] =	vst v8;
	s1 =	sor.u32 s29, s19;
	s19 =	rddreg [dreg:$0x1f]  }
0x22d: {  	[tilespmem:s1+$0x0] =	vst v9;
	s1 =	sor.u32 s29, s19;
	s19 =	sld [smem:$0x7C8];
	_ =	sdelay $0x2  }
0x22e: {  	[tilespmem:s1+$0x0] =	vst v11;
	s1 =	sor.u32 s29, s19;
	s19 =	sld [smem:$0x7C9]  }
0x22f: {  	v47 =	vadd.s32 $0x1, v1;
	_ =	sdelay $0x1  }
0x230: {  	v52 =	vadd.s32 $0x6, v1;
	[tilespmem:s1+$0x0] =	vst v13;
	s1 =	sor.u32 s29, s19;
	s19 =	sld [smem:$0x7AD]  }
0x231: {  	v48 =	vadd.s32 $0x2, v1  }
0x232: {  	v49 =	vadd.s32 $0x3, v1  }
0x233: {  	v50 =	vadd.s32 $0x4, v1;
	v7 =	vld.idx.msk [tilespmem:v47+s11+$0x0], $0xffff;
	[tilespmem:s1+$0x0] =	vst v15;
	s1 =	sor.u32 s29, s19;
	s19 =	sld [smem:$0x7AE]  }
0x234: {  	v51 =	vadd.s32 $0x5, v1;
	v8 =	vld.idx.msk [tilespmem:v1+s11+$0x0], $0xffff  }
0x235: {  	v57 =	vadd.s32 $0xB, v1;
	v9 =	vld.idx.msk [tilespmem:v52+s11+$0x0], $0xffff  }
0x236: {  	v53 =	vadd.s32 $0x7, v1;
	v11 =	vld.idx.msk [tilespmem:v48+s11+$0x0], $0xffff;
	[tilespmem:s1+$0x0] =	vst v17;
	s1 =	sor.u32 s29, s19  }
0x237: {  	v54 =	vadd.s32 $0x8, v1;
	v13 =	vld.idx.msk [tilespmem:v49+s11+$0x0], $0xffff;
	s19 =	sor.u32 s29, s28;
	[tilespmem:s1+$0x0] =	vst v19  }
0x238: {  	[smem:$0x7AF] =	sst s28;
	v55 =	vadd.s32 $0x9, v1;
	v15 =	vld.idx.msk [tilespmem:v50+s11+$0x0], $0xffff;
	s28 =	sor.u32 s29, s17;
	[tilespmem:s19+$0x0] =	vst v21  }
0x239: {  	v56 =	vadd.s32 $0xA, v1;
	v17 =	vld.idx.msk [tilespmem:v51+s11+$0x0], $0xffff;
	s1 =	sor.u32 s29, s15;
	[tilespmem:s28+$0x0] =	vst v23  }
0x23a: {  	[smem:$0x7B1] =	sst s15;
	v62 =	vadd.s32 $0x10, v1;
	s15 =	sor.u32 s29, s14;
	v19 =	vld.idx.msk [tilespmem:v57+s11+$0x0], $0xffff;
	[tilespmem:s1+$0x0] =	vst v25  }
0x23b: {  	[smem:$0x7B3] =	sst s16;
	s16 =	sor.u32 s29, s16;
	v58 =	vadd.s32 $0xC, v1;
	v21 =	vld.idx.msk [tilespmem:v53+s11+$0x0], $0xffff;
	[tilespmem:s15+$0x0] =	vst v27  }
0x23c: {  	[smem:$0x7B0] =	sst s17;
	v59 =	vadd.s32 $0xD, v1;
	s17 =	sor.u32 s29, s13;
	v23 =	vld.idx.msk [tilespmem:v54+s11+$0x0], $0xffff;
	[tilespmem:s16+$0x0] =	vst v28  }
0x23d: {  	v60 =	vadd.s32 $0xE, v1;
	s19 =	sor.u32 s29, s12;
	v25 =	vld.idx.msk [tilespmem:v55+s11+$0x0], $0xffff;
	[tilespmem:s17+$0x0] =	vst v29  }
0x23e: {  	[smem:$0x7B6] =	sst s22;
	s22 =	sor.u32 s29, s22;
	v61 =	vadd.s32 $0xF, v1;
	v27 =	vld.idx.msk [tilespmem:v56+s11+$0x0], $0xffff;
	[tilespmem:s19+$0x0] =	vst v31  }
0x23f: {  	[smem:$0x7B7] =	sst s23;
	s23 =	sor.u32 s29, s23;
	v63 =	vadd.s32 $0x11, v1;
	v28 =	vld.idx.msk [tilespmem:v62+s11+$0x0], $0xffff;
	[tilespmem:s22+$0x0] =	vst v33  }
0x240: {  	v40 =	vadd.s32 $0x12, v1;
	[smem:$0x7B8] =	sst s24;
	s24 =	sor.u32 s29, s24;
	v29 =	vld.idx.msk [tilespmem:v58+s11+$0x0], $0xffff;
	[tilespmem:s23+$0x0] =	vst v34  }
0x241: {  	v41 =	vadd.s32 $0x13, v1;
	s28 =	sor.u32 s29, s25;
	v31 =	vld.idx.msk [tilespmem:v59+s11+$0x0], $0xffff;
	[tilespmem:s24+$0x0] =	vst v32  }
0x242: {  	[smem:$0x7B5] =	sst s12;
	v42 =	vadd.s32 $0x14, v1;
	s1 =	sor.u32 s29, s26;
	v33 =	vld.idx.msk [tilespmem:v60+s11+$0x0], $0xffff;
	[tilespmem:s28+$0x0] =	vst v30  }
0x243: {  	v43 =	vadd.s32 $0x15, v1;
	s12 =	sor.u32 s29, s10;
	s15 =	sld [smem:$0x7BE];
	v34 =	vld.idx.msk [tilespmem:v61+s11+$0x0], $0xffff;
	[tilespmem:s1+$0x0] =	vst v26  }
0x244: {  	[smem:$0x7B4] =	sst s13;
	v44 =	vadd.s32 $0x16, v1;
	s13 =	sor.u32 s29, s9;
	v30 =	vld.idx.msk [tilespmem:v63+s11+$0x0], $0xffff;
	[tilespmem:s12+$0x0] =	vst v24  }
0x245: {  	[smem:$0x7B2] =	sst s14;
	v45 =	vadd.s32 $0x17, v1;
	s14 =	sor.u32 s29, s30;
	v26 =	vld.idx.msk [tilespmem:v40+s11+$0x0], $0xffff;
	[tilespmem:s13+$0x0] =	vst v22  }
0x246: {  	v46 =	vadd.s32 $0x18, v1;
	s16 =	sor.u32 s29, s15;
	v24 =	vld.idx.msk [tilespmem:v41+s11+$0x0], $0xffff;
	[tilespmem:s14+$0x0] =	vst v20  }
0x247: {  	v47 =	vadd.s32 $0x19, v1;
	s17 =	sor.u32 s29, s8;
	v22 =	vld.idx.msk [tilespmem:v42+s11+$0x0], $0xffff;
	[tilespmem:s16+$0x0] =	vst v18  }
0x248: {  	v48 =	vadd.s32 $0x1A, v1;
	s19 =	sor.u32 s29, s7;
	v20 =	vld.idx.msk [tilespmem:v43+s11+$0x0], $0xffff;
	[tilespmem:s17+$0x0] =	vst v16  }
0x249: {  	[smem:$0x7BC] =	sst s9;
	v49 =	vadd.s32 $0x1B, v1;
	s22 =	sor.u32 s29, s6;
	v18 =	vld.idx.msk [tilespmem:v44+s11+$0x0], $0xffff;
	[tilespmem:s19+$0x0] =	vst v14  }
0x24a: {  	[smem:$0x7BB] =	sst s10;
	v50 =	vadd.s32 $0x1C, v1;
	s23 =	sor.u32 s29, s4;
	v16 =	vld.idx.msk [tilespmem:v45+s11+$0x0], $0xffff;
	[tilespmem:s22+$0x0] =	vst v12  }
0x24b: {  	[smem:$0x7BF] =	sst s8;
	v51 =	vadd.s32 $0x1D, v1;
	s24 =	sor.u32 s29, s3;
	v14 =	vld.idx.msk [tilespmem:v46+s11+$0x0], $0xffff;
	[tilespmem:s23+$0x0] =	vst v10  }
0x24c: {  	[smem:$0x7B9] =	sst s25;
	v52 =	vadd.s32 $0x1E, v1;
	s25 =	sor.u32 s29, s2;
	v12 =	vld.idx.msk [tilespmem:v47+s11+$0x0], $0xffff;
	[tilespmem:s24+$0x0] =	vst v3  }
0x24d: {  	[smem:$0x7BA] =	sst s26;
	v53 =	vadd.s32 $0x1F, v1;
	s26 =	sor.u32 s29, s21;
	v10 =	vld.idx.msk [tilespmem:v48+s11+$0x0], $0xffff;
	[tilespmem:s25+$0x0] =	vst v6  }
0x24e: {  	[smem:$0x7BD] =	sst s30;
	s28 =	sor.u32 s29, s20;
	v3 =	vld.idx.msk [tilespmem:v49+s11+$0x0], $0xffff;
	[tilespmem:s26+$0x0] =	vst v4  }
0x24f: {  	[smem:$0x7C2] =	sst s4;
	s29 =	sor.u32 s29, s5;
	v6 =	vld.idx.msk [tilespmem:v50+s11+$0x0], $0xffff;
	[tilespmem:s28+$0x0] =	vst v2  }
0x250: {  	v4 =	vld.idx.msk [tilespmem:v51+s11+$0x0], $0xffff;
	[tilespmem:s29+$0x0] =	vst v5;
	s29 =	rddreg [dreg:$0x16]  }
0x251: {  	s9 =	sld [smem:$0x795];
	v2 =	vld.idx.msk [tilespmem:v52+s11+$0x0], $0xffff;
	s30 =	sor.u32 s0, s29  }
0x252: {  	[smem:$0x7C1] =	sst s6;
	v5 =	vld.idx.msk [tilespmem:v53+s11+$0x0], $0xffff;
	[tilespmem:s30+$0x0] =	vst v8  }
0x253: {  	v0 =	vmul.u32 $0x41, v0;
	[smem:$0x7C0] =	sst s7;
	[tilespmem:s30+$0x80] =	vst v7  }
0x254: {  	[smem:$0x7C4] =	sst s2;
	s1 =	sadd.s32 $0x20, s9;
	[tilespmem:s30+$0x100] =	vst v11  }
0x255: {  	[smem:$0x7C3] =	sst s3;
	s2 =	sor.u32 $0x200, s1;
	v43 =	vadd.s32 $0xE, v0;
	[tilespmem:s30+$0x180] =	vst v13  }
0x256: {  	s3 =	sor.u32 $0x280, s1;
	s19 =	rddreg [dreg:$0x18];
	[tilespmem:s2+$0x8400] =	vst v15  }
0x257: {  	v54 =	vadd.s32 $0x1, v0;
	s4 =	sor.u32 $0x300, s1;
	s26 =	sld [smem:$0x796];
	[tilespmem:s3+$0x8400] =	vst v17  }
0x258: {  	v55 =	vadd.s32 $0x2, v0;
	s5 =	sor.u32 $0x380, s1;
	[tilespmem:s4+$0x8400] =	vst v9;
	s4 =	sld [smem:$0x797]  }
0x259: {  	v56 =	vadd.s32 $0x3, v0;
	s6 =	sor.u32 s0, s19;
	s28 =	sld [smem:$0x798];
	[tilespmem:s5+$0x8400] =	vst v21  }
0x25a: {  	v57 =	vadd.s32 $0x4, v0;
	v32 =	vld.idx.msk [tilespmem:v43+s11+$0x0], $0xffff;
	s7 =	sor.u32 s0, s26;
	s5 =	sld [smem:$0x799];
	[tilespmem:s6+$0x0] =	vst v23  }
0x25b: {  	v58 =	vadd.s32 $0x5, v0;
	v8 =	vld.idx.msk [tilespmem:v0+s11+$0x0], $0xffff;
	s6 =	sld [smem:$0x79A];
	[tilespmem:s7+$0x0] =	vst v25;
	s8 =	sor.u32 s0, s4  }
0x25c: {  	v59 =	vadd.s32 $0x6, v0;
	v7 =	vld.idx.msk [tilespmem:v54+s11+$0x0], $0xffff;
	s10 =	sor.u32 s0, s28;
	s7 =	sld [smem:$0x79B];
	[tilespmem:s8+$0x0] =	vst v27  }
0x25d: {  	v60 =	vadd.s32 $0x7, v0;
	v11 =	vld.idx.msk [tilespmem:v55+s11+$0x0], $0xffff;
	s12 =	sor.u32 s0, s5;
	s8 =	sld [smem:$0x79C];
	[tilespmem:s10+$0x0] =	vst v19  }
0x25e: {  	v61 =	vadd.s32 $0x8, v0;
	v13 =	vld.idx.msk [tilespmem:v56+s11+$0x0], $0xffff;
	s13 =	sor.u32 s0, s6;
	[tilespmem:s12+$0x0] =	vst v29;
	s12 =	sld [smem:$0x79D]  }
0x25f: {  	v56 =	vadd.s32 $0x1B, v0;
	v15 =	vld.idx.msk [tilespmem:v57+s11+$0x0], $0xffff;
	s14 =	sor.u32 s0, s7;
	[tilespmem:s13+$0x0] =	vst v31;
	s13 =	sld [smem:$0x79E]  }
0x260: {  	v62 =	vadd.s32 $0x9, v0;
	v17 =	vld.idx.msk [tilespmem:v58+s11+$0x0], $0xffff;
	s15 =	sor.u32 s0, s8;
	[tilespmem:s14+$0x0] =	vst v33;
	s14 =	sld [smem:$0x79F]  }
0x261: {  	v57 =	vadd.s32 $0x1C, v0;
	v9 =	vld.idx.msk [tilespmem:v59+s11+$0x0], $0xffff;
	[tilespmem:s15+$0x0] =	vst v34;
	s16 =	sor.u32 s0, s12;
	s15 =	sld [smem:$0x7A0]  }
0x262: {  	v63 =	vadd.s32 $0xA, v0;
	v21 =	vld.idx.msk [tilespmem:v60+s11+$0x0], $0xffff;
	[tilespmem:s16+$0x0] =	vst v28;
	s17 =	sor.u32 s0, s13;
	s16 =	sld [smem:$0x7A1]  }
0x263: {  	v40 =	vadd.s32 $0xB, v0;
	v23 =	vld.idx.msk [tilespmem:v61+s11+$0x0], $0xffff;
	s10 =	sld [smem:$0x7A2];
	[tilespmem:s17+$0x0] =	vst v30;
	s20 =	sor.u32 s0, s14  }
0x264: {  	v59 =	vadd.s32 $0x1E, v0;
	v36 =	vld.idx.msk [tilespmem:v56+s11+$0x0], $0xffff;
	[tilespmem:s20+$0x0] =	vst v26;
	s21 =	sor.u32 s0, s15;
	s20 =	sld [smem:$0x7A3]  }
0x265: {  	v41 =	vadd.s32 $0xC, v0;
	v25 =	vld.idx.msk [tilespmem:v62+s11+$0x0], $0xffff;
	[tilespmem:s21+$0x0] =	vst v24;
	s22 =	sor.u32 s0, s16;
	s21 =	sld [smem:$0x7A4]  }
0x266: {  	v60 =	vadd.s32 $0x1F, v0;
	v37 =	vld.idx.msk [tilespmem:v57+s11+$0x0], $0xffff;
	s23 =	sor.u32 s0, s10;
	[tilespmem:s22+$0x0] =	vst v22;
	s22 =	sld [smem:$0x7A5]  }
0x267: {  	v42 =	vadd.s32 $0xD, v0;
	v27 =	vld.idx.msk [tilespmem:v63+s11+$0x0], $0xffff;
	[tilespmem:s23+$0x0] =	vst v20;
	s24 =	sor.u32 s0, s20;
	s23 =	sld [smem:$0x7A6]  }
0x268: {  	v58 =	vadd.s32 $0x1D, v0;
	v19 =	vld.idx.msk [tilespmem:v40+s11+$0x0], $0xffff;
	[tilespmem:s24+$0x0] =	vst v18;
	s25 =	sor.u32 s0, s21;
	s24 =	sld [smem:$0x7A7]  }
0x269: {  	v44 =	vadd.s32 $0xF, v0;
	v38 =	vld.idx.msk [tilespmem:v59+s11+$0x0], $0xffff;
	[tilespmem:s25+$0x0] =	vst v16;
	s30 =	sor.u32 s0, s22  }
0x26a: {  	v45 =	vadd.s32 $0x10, v0;
	v29 =	vld.idx.msk [tilespmem:v41+s11+$0x0], $0xffff;
	[tilespmem:s30+$0x0] =	vst v14;
	s1 =	sor.u32 s0, s23  }
0x26b: {  	v46 =	vadd.s32 $0x11, v0;
	v35 =	vld.idx.msk [tilespmem:v60+s11+$0x0], $0xffff;
	s25 =	sld [smem:$0x7A8];
	[tilespmem:s1+$0x0] =	vst v12;
	s2 =	sor.u32 s0, s24  }
0x26c: {  	v47 =	vadd.s32 $0x12, v0;
	v31 =	vld.idx.msk [tilespmem:v42+s11+$0x0], $0xffff;
	[tilespmem:s2+$0x0] =	vst v10;
	s2 =	sld [smem:$0x7A9]  }
0x26d: {  	v48 =	vadd.s32 $0x13, v0;
	v33 =	vld.idx.msk [tilespmem:v58+s11+$0x0], $0xffff  }
0x26e: {  	v49 =	vadd.s32 $0x14, v0;
	v34 =	vld.idx.msk [tilespmem:v44+s11+$0x0], $0xffff;
	s3 =	sor.u32 s0, s25  }
0x26f: {  	v50 =	vadd.s32 $0x15, v0;
	v28 =	vld.idx.msk [tilespmem:v45+s11+$0x0], $0xffff;
	[tilespmem:s3+$0x0] =	vst v3;
	s17 =	sor.u32 s0, s2  }
0x270: {  	v51 =	vadd.s32 $0x16, v0;
	v30 =	vld.idx.msk [tilespmem:v46+s11+$0x0], $0xffff;
	[tilespmem:s17+$0x0] =	vst v6;
	s17 =	sld [smem:$0x7AA]  }
0x271: {  	v52 =	vadd.s32 $0x17, v0;
	v26 =	vld.idx.msk [tilespmem:v47+s11+$0x0], $0xffff;
	s3 =	sld [smem:$0x7AB]  }
0x272: {  	v53 =	vadd.s32 $0x18, v0;
	v24 =	vld.idx.msk [tilespmem:v48+s11+$0x0], $0xffff  }
0x273: {  	v54 =	vadd.s32 $0x19, v0;
	v22 =	vld.idx.msk [tilespmem:v49+s11+$0x0], $0xffff;
	s30 =	sor.u32 s0, s17  }
0x274: {  	v55 =	vadd.s32 $0x1A, v0;
	v20 =	vld.idx.msk [tilespmem:v50+s11+$0x0], $0xffff;
	s1 =	sor.u32 s0, s3;
	[tilespmem:s30+$0x0] =	vst v4  }
0x275: {  	v61 =	vadd.s32 $0x20, v1;
	v18 =	vld.idx.msk [tilespmem:v51+s11+$0x0], $0xffff;
	[tilespmem:s1+$0x0] =	vst v2;
	s1 =	sld [smem:$0x7AC]  }
0x276: {  	v62 =	vadd.s32 $0x21, v1;
	v16 =	vld.idx.msk [tilespmem:v52+s11+$0x0], $0xffff  }
0x277: {  	v63 =	vadd.s32 $0x22, v1;
	v14 =	vld.idx.msk [tilespmem:v53+s11+$0x0], $0xffff  }
0x278: {  	v40 =	vadd.s32 $0x23, v1;
	v12 =	vld.idx.msk [tilespmem:v54+s11+$0x0], $0xffff;
	s30 =	sor.u32 s0, s1  }
0x279: {  	v41 =	vadd.s32 $0x24, v1;
	v10 =	vld.idx.msk [tilespmem:v55+s11+$0x0], $0xffff;
	[tilespmem:s30+$0x0] =	vst v5  }
0x27a: {  	v42 =	vadd.s32 $0x25, v1;
	v3 =	vld.idx.msk [tilespmem:v61+s11+$0x0], $0xffff  }
0x27b: {  	v43 =	vadd.s32 $0x26, v1;
	v6 =	vld.idx.msk [tilespmem:v62+s11+$0x0], $0xffff  }
0x27c: {  	v44 =	vadd.s32 $0x27, v1;
	v4 =	vld.idx.msk [tilespmem:v63+s11+$0x0], $0xffff  }
0x27d: {  	v39 =	vadd.s32 $0x3B, v1;
	s29 =	sor.u32 s31, s29;
	v56 =	vadd.s32 $0x33, v1;
	v45 =	vadd.s32 $0x28, v1;
	v2 =	vld.idx.msk [tilespmem:v40+s11+$0x0], $0xffff  }
0x27e: {  	v57 =	vadd.s32 $0x34, v1;
	v59 =	vadd.s32 $0x36, v1;
	v46 =	vadd.s32 $0x29, v1;
	[tilespmem:s29+$0x0] =	vst v8;
	v5 =	vld.idx.msk [tilespmem:v41+s11+$0x0], $0xffff  }
0x27f: {  	v60 =	vadd.s32 $0x37, v1;
	v58 =	vadd.s32 $0x35, v1;
	v47 =	vadd.s32 $0x2A, v1;
	[tilespmem:s29+$0x80] =	vst v7;
	v8 =	vld.idx.msk [tilespmem:v42+s11+$0x0], $0xffff  }
0x280: {  	s9 =	sadd.s32 $0x30, s9;
	v48 =	vadd.s32 $0x2B, v1;
	v49 =	vadd.s32 $0x2C, v1;
	v50 =	vadd.s32 $0x2D, v1;
	[tilespmem:s29+$0x100] =	vst v11;
	v7 =	vld.idx.msk [tilespmem:v43+s11+$0x0], $0xffff  }
0x281: {  	v51 =	vadd.s32 $0x2E, v1;
	v52 =	vadd.s32 $0x2F, v1;
	v53 =	vadd.s32 $0x30, v1;
	[tilespmem:s29+$0x180] =	vst v13;
	s30 =	sor.u32 $0x200, s9;
	v11 =	vld.idx.msk [tilespmem:v44+s11+$0x0], $0xffff  }
0x282: {  	v54 =	vadd.s32 $0x31, v1;
	s29 =	sor.u32 $0x280, s9;
	v55 =	vadd.s32 $0x32, v1;
	[tilespmem:s30+$0x8400] =	vst v15;
	v13 =	vld.idx.msk [tilespmem:v45+s11+$0x0], $0xffff;
	v61 =	vadd.s32 $0x38, v1  }
0x283: {  	s30 =	sor.u32 $0x300, s9;
	v15 =	vld.idx.msk [tilespmem:v46+s11+$0x0], $0xffff;
	v62 =	vadd.s32 $0x39, v1;
	v63 =	vadd.s32 $0x3A, v1;
	v40 =	vadd.s32 $0x3C, v1;
	[tilespmem:s29+$0x8400] =	vst v17  }
0x284: {  	s9 =	sor.u32 $0x380, s9;
	v41 =	vadd.s32 $0x3D, v1;
	v42 =	vadd.s32 $0x3E, v1;
	v1 =	vadd.s32 $0x3F, v1;
	v17 =	vld.idx.msk [tilespmem:v47+s11+$0x0], $0xffff;
	[tilespmem:s30+$0x8400] =	vst v9  }
0x285: {  	s19 =	sor.u32 s31, s19;
	v9 =	vld.idx.msk [tilespmem:v48+s11+$0x0], $0xffff;
	[tilespmem:s9+$0x8400] =	vst v21  }
0x286: {  	s29 =	sor.u32 s31, s26;
	v21 =	vld.idx.msk [tilespmem:v49+s11+$0x0], $0xffff;
	[tilespmem:s19+$0x0] =	vst v23  }
0x287: {  	s30 =	sor.u32 s31, s4;
	v23 =	vld.idx.msk [tilespmem:v50+s11+$0x0], $0xffff;
	[tilespmem:s29+$0x0] =	vst v25  }
0x288: {  	s4 =	sor.u32 s31, s28;
	v25 =	vld.idx.msk [tilespmem:v51+s11+$0x0], $0xffff;
	[tilespmem:s30+$0x0] =	vst v27  }
0x289: {  	s5 =	sor.u32 s31, s5;
	v1 =	vld.idx.msk [tilespmem:v1+s11+$0x0], $0xffff;
	[tilespmem:s4+$0x0] =	vst v19  }
0x28a: {  	s6 =	sor.u32 s31, s6;
	v27 =	vld.idx.msk [tilespmem:v52+s11+$0x0], $0xffff;
	[tilespmem:s5+$0x0] =	vst v29  }
0x28b: {  	s7 =	sor.u32 s31, s7;
	v19 =	vld.idx.msk [tilespmem:v53+s11+$0x0], $0xffff;
	[tilespmem:s6+$0x0] =	vst v31  }
0x28c: {  	s8 =	sor.u32 s31, s8;
	v29 =	vld.idx.msk [tilespmem:v54+s11+$0x0], $0xffff;
	[tilespmem:s7+$0x0] =	vst v32  }
0x28d: {  	s12 =	sor.u32 s31, s12;
	v31 =	vld.idx.msk [tilespmem:v40+s11+$0x0], $0xffff;
	[tilespmem:s8+$0x0] =	vst v34  }
0x28e: {  	s13 =	sor.u32 s31, s13;
	v32 =	vld.idx.msk [tilespmem:v41+s11+$0x0], $0xffff;
	[tilespmem:s12+$0x0] =	vst v28  }
0x28f: {  	s14 =	sor.u32 s31, s14;
	v34 =	vld.idx.msk [tilespmem:v42+s11+$0x0], $0xffff;
	[tilespmem:s13+$0x0] =	vst v30  }
0x290: {  	s15 =	sor.u32 s31, s15;
	v28 =	vld.idx.msk [tilespmem:v39+s11+$0x0], $0xffff;
	[tilespmem:s14+$0x0] =	vst v26  }
0x291: {  	s18 =	sor.u32 s31, s16;
	v26 =	vld.idx.msk [tilespmem:v55+s11+$0x0], $0xffff;
	[tilespmem:s15+$0x0] =	vst v24  }
0x292: {  	s19 =	sor.u32 s31, s10;
	v24 =	vld.idx.msk [tilespmem:v56+s11+$0x0], $0xffff;
	[tilespmem:s18+$0x0] =	vst v22  }
0x293: {  	s20 =	sor.u32 s31, s20;
	v22 =	vld.idx.msk [tilespmem:v57+s11+$0x0], $0xffff;
	[tilespmem:s19+$0x0] =	vst v20  }
0x294: {  	s26 =	sor.u32 s31, s21;
	v20 =	vld.idx.msk [tilespmem:v58+s11+$0x0], $0xffff;
	[tilespmem:s20+$0x0] =	vst v18  }
0x295: {  	s28 =	sor.u32 s31, s22;
	v18 =	vld.idx.msk [tilespmem:v59+s11+$0x0], $0xffff;
	[tilespmem:s26+$0x0] =	vst v16  }
0x296: {  	s16 =	sld [smem:$0x7C8];
	s29 =	sor.u32 s31, s23;
	v16 =	vld.idx.msk [tilespmem:v60+s11+$0x0], $0xffff;
	[tilespmem:s28+$0x0] =	vst v14  }
0x297: {  	s30 =	sor.u32 s31, s24;
	s8 =	sor.u32 s31, s1;
	s1 =	rddreg [dreg:$0x1a];
	v14 =	vld.idx.msk [tilespmem:v61+s11+$0x0], $0xffff;
	[tilespmem:s29+$0x0] =	vst v12  }
0x298: {  	s10 =	sor.u32 s0, s1;
	s12 =	rddreg [dreg:$0x1d];
	v12 =	vld.idx.msk [tilespmem:v62+s11+$0x0], $0xffff;
	[tilespmem:s30+$0x0] =	vst v10  }
0x299: {  	s4 =	sor.u32 s31, s25;
	s14 =	rddreg [dreg:$0x1f];
	v10 =	vld.idx.msk [tilespmem:v63+s11+$0x0], $0xffff;
	[tilespmem:s10+$0x0] =	vst v3  }
0x29a: {  	s13 =	sor.u32 s0, s12;
	s18 =	sld [smem:$0x7C9];
	[tilespmem:s4+$0x0] =	vst v36  }
0x29b: {  	s15 =	sor.u32 s0, s14;
	s30 =	sld [smem:$0x7AD];
	[tilespmem:s13+$0x0] =	vst v6  }
0x29c: {  	s6 =	sor.u32 s31, s17;
	s17 =	sor.u32 s0, s16;
	s29 =	sld [smem:$0x7AE];
	[tilespmem:s15+$0x0] =	vst v4  }
0x29d: {  	s19 =	sor.u32 s0, s18;
	s28 =	sld [smem:$0x7AF];
	[tilespmem:s17+$0x0] =	vst v2  }
0x29e: {  	s20 =	sor.u32 s0, s30;
	[tilespmem:s19+$0x0] =	vst v5;
	s19 =	sld [smem:$0x7B0]  }
0x29f: {  	s18 =	sld [smem:$0x7B1];
	s21 =	sor.u32 s0, s29;
	[tilespmem:s20+$0x0] =	vst v8  }
0x2a0: {  	s22 =	sor.u32 s0, s28;
	s17 =	sld [smem:$0x7B2];
	[tilespmem:s21+$0x0] =	vst v7  }
0x2a1: {  	s4 =	sld [smem:$0x7B3];
	[tilespmem:s22+$0x0] =	vst v11;
	s23 =	sor.u32 s0, s19  }
0x2a2: {  	s7 =	sor.u32 s31, s3;
	s3 =	sld [smem:$0x7B4];
	s24 =	sor.u32 s0, s18;
	[tilespmem:s23+$0x0] =	vst v13  }
0x2a3: {  	s25 =	sor.u32 s0, s17;
	[tilespmem:s24+$0x0] =	vst v15  }
0x2a4: {  	s26 =	sor.u32 s0, s4;
	[tilespmem:s25+$0x0] =	vst v17  }
0x2a5: {  	s5 =	sor.u32 s31, s2;
	s2 =	sor.u32 s0, s3;
	[tilespmem:s26+$0x0] =	vst v9  }
0x2a6: {  	[tilespmem:s2+$0x0] =	vst v21;
	s2 =	sld [smem:$0x7B5];
	_ =	sdelay $0x2  }
0x2a7: {  	[tilespmem:s5+$0x0] =	vst v37;
	s5 =	sor.u32 s0, s2  }
0x2a8: {  	[tilespmem:s5+$0x0] =	vst v23;
	s5 =	sld [smem:$0x7B6];
	_ =	sdelay $0x2  }
0x2a9: {  	[tilespmem:s6+$0x0] =	vst v33;
	s6 =	sor.u32 s0, s5  }
0x2aa: {  	[tilespmem:s6+$0x0] =	vst v25;
	s6 =	sld [smem:$0x7B7];
	_ =	sdelay $0x2  }
0x2ab: {  	[tilespmem:s7+$0x0] =	vst v38;
	s7 =	sor.u32 s0, s6  }
0x2ac: {  	[tilespmem:s7+$0x0] =	vst v27;
	s7 =	sld [smem:$0x7B8];
	_ =	sdelay $0x2  }
0x2ad: {  	[tilespmem:s8+$0x0] =	vst v35;
	s8 =	sor.u32 s0, s7  }
0x2ae: {  	[tilespmem:s8+$0x0] =	vst v19;
	s8 =	sld [smem:$0x7B9];
	_ =	sdelay $0x2  }
0x2af: {  	s10 =	sor.u32 s0, s8  }
0x2b0: {  	[tilespmem:s10+$0x0] =	vst v29;
	s10 =	sld [smem:$0x7BA];
	_ =	sdelay $0x2  }
0x2b1: {  	s12 =	sor.u32 s0, s10  }
0x2b2: {  	[tilespmem:s12+$0x0] =	vst v26;
	s12 =	sld [smem:$0x7BB];
	_ =	sdelay $0x2  }
0x2b3: {  	s13 =	sor.u32 s0, s12  }
0x2b4: {  	[tilespmem:s13+$0x0] =	vst v24;
	s13 =	sld [smem:$0x7BC];
	_ =	sdelay $0x2  }
0x2b5: {  	s14 =	sor.u32 s0, s13  }
0x2b6: {  	[tilespmem:s14+$0x0] =	vst v22;
	s14 =	sld [smem:$0x7BD];
	_ =	sdelay $0x2  }
0x2b7: {  	s15 =	sor.u32 s0, s14  }
0x2b8: {  	[tilespmem:s15+$0x0] =	vst v20;
	s15 =	sld [smem:$0x7BE];
	_ =	sdelay $0x2  }
0x2b9: {  	s16 =	sor.u32 s0, s15  }
0x2ba: {  	[tilespmem:s16+$0x0] =	vst v18;
	s16 =	sld [smem:$0x7BF]  }
0x2bb: {  	v43 =	vadd.s32 $0x20, v0  }
0x2bc: {  	v44 =	vadd.s32 $0x21, v0  }
0x2bd: {  	v45 =	vadd.s32 $0x22, v0;
	s20 =	sor.u32 s0, s16  }
0x2be: {  	v46 =	vadd.s32 $0x23, v0;
	[tilespmem:s20+$0x0] =	vst v16;
	s20 =	sld [smem:$0x7C0]  }
0x2bf: {  	v47 =	vadd.s32 $0x24, v0  }
0x2c0: {  	v48 =	vadd.s32 $0x25, v0;
	v3 =	vld.idx.msk [tilespmem:v43+s11+$0x0], $0xffff  }
0x2c1: {  	v49 =	vadd.s32 $0x26, v0;
	v6 =	vld.idx.msk [tilespmem:v44+s11+$0x0], $0xffff;
	s21 =	sor.u32 s0, s20  }
0x2c2: {  	v59 =	vadd.s32 $0x30, v0;
	v4 =	vld.idx.msk [tilespmem:v45+s11+$0x0], $0xffff;
	[tilespmem:s21+$0x0] =	vst v14;
	s21 =	sld [smem:$0x7C1]  }
0x2c3: {  	v60 =	vadd.s32 $0x31, v0;
	v2 =	vld.idx.msk [tilespmem:v46+s11+$0x0], $0xffff  }
0x2c4: {  	v61 =	vadd.s32 $0x32, v0;
	v5 =	vld.idx.msk [tilespmem:v47+s11+$0x0], $0xffff  }
0x2c5: {  	v62 =	vadd.s32 $0x33, v0;
	v8 =	vld.idx.msk [tilespmem:v48+s11+$0x0], $0xffff;
	s22 =	sor.u32 s0, s21  }
0x2c6: {  	v63 =	vadd.s32 $0x34, v0;
	v7 =	vld.idx.msk [tilespmem:v49+s11+$0x0], $0xffff;
	[tilespmem:s22+$0x0] =	vst v12;
	s22 =	sld [smem:$0x7C2]  }
0x2c7: {  	v50 =	vadd.s32 $0x27, v0;
	v40 =	vld.idx.msk [tilespmem:v59+s11+$0x0], $0xffff  }
0x2c8: {  	v41 =	vadd.s32 $0x35, v0;
	v42 =	vld.idx.msk [tilespmem:v60+s11+$0x0], $0xffff  }
0x2c9: {  	v51 =	vadd.s32 $0x28, v0;
	v44 =	vld.idx.msk [tilespmem:v61+s11+$0x0], $0xffff;
	s23 =	sor.u32 s0, s22  }
0x2ca: {  	v52 =	vadd.s32 $0x29, v0;
	v46 =	vld.idx.msk [tilespmem:v62+s11+$0x0], $0xffff;
	[tilespmem:s23+$0x0] =	vst v10;
	s23 =	sld [smem:$0x7C3]  }
0x2cb: {  	v53 =	vadd.s32 $0x2A, v0;
	v48 =	vld.idx.msk [tilespmem:v63+s11+$0x0], $0xffff  }
0x2cc: {  	v54 =	vadd.s32 $0x2B, v0;
	v11 =	vld.idx.msk [tilespmem:v50+s11+$0x0], $0xffff  }
0x2cd: {  	v43 =	vadd.s32 $0x36, v0;
	v50 =	vld.idx.msk [tilespmem:v41+s11+$0x0], $0xffff;
	s24 =	sor.u32 s0, s23  }
0x2ce: {  	v45 =	vadd.s32 $0x37, v0;
	v13 =	vld.idx.msk [tilespmem:v51+s11+$0x0], $0xffff;
	[tilespmem:s24+$0x0] =	vst v28;
	s24 =	sld [smem:$0x7C4]  }
0x2cf: {  	v59 =	vadd.s32 $0x3E, v0;
	v15 =	vld.idx.msk [tilespmem:v52+s11+$0x0], $0xffff  }
0x2d0: {  	v55 =	vadd.s32 $0x2C, v0;
	v17 =	vld.idx.msk [tilespmem:v53+s11+$0x0], $0xffff  }
0x2d1: {  	v51 =	vadd.s32 $0x3A, v0;
	v9 =	vld.idx.msk [tilespmem:v54+s11+$0x0], $0xffff;
	s25 =	sor.u32 s0, s24  }
0x2d2: {  	v53 =	vadd.s32 $0x3B, v0;
	v52 =	vld.idx.msk [tilespmem:v43+s11+$0x0], $0xffff;
	[tilespmem:s25+$0x0] =	vst v31;
	s25 =	sld [smem:$0x7C5]  }
0x2d3: {  	v56 =	vadd.s32 $0x2D, v0;
	v54 =	vld.idx.msk [tilespmem:v45+s11+$0x0], $0xffff  }
0x2d4: {  	v57 =	vadd.s32 $0x2E, v0;
	v30 =	vld.idx.msk [tilespmem:v59+s11+$0x0], $0xffff  }
0x2d5: {  	v47 =	vadd.s32 $0x38, v0;
	v21 =	vld.idx.msk [tilespmem:v55+s11+$0x0], $0xffff;
	s26 =	sor.u32 s0, s25  }
0x2d6: {  	v55 =	vadd.s32 $0x3C, v0;
	v60 =	vld.idx.msk [tilespmem:v51+s11+$0x0], $0xffff;
	[tilespmem:s26+$0x0] =	vst v32;
	s26 =	sld [smem:$0x7C6]  }
0x2d7: {  	v58 =	vadd.s32 $0x2F, v0;
	v61 =	vld.idx.msk [tilespmem:v53+s11+$0x0], $0xffff  }
0x2d8: {  	v49 =	vadd.s32 $0x39, v0;
	v23 =	vld.idx.msk [tilespmem:v56+s11+$0x0], $0xffff  }
0x2d9: {  	v25 =	vld.idx.msk [tilespmem:v57+s11+$0x0], $0xffff;
	v57 =	vadd.s32 $0x3D, v0;
	s9 =	sor.u32 s0, s26  }
0x2da: {  	v56 =	vld.idx.msk [tilespmem:v47+s11+$0x0], $0xffff;
	v0 =	vadd.s32 $0x3F, v0;
	[tilespmem:s9+$0x0] =	vst v34;
	s9 =	sld [smem:$0x7C7]  }
0x2db: {  	v62 =	vld.idx.msk [tilespmem:v55+s11+$0x0], $0xffff  }
0x2dc: {  	v27 =	vld.idx.msk [tilespmem:v58+s11+$0x0], $0xffff  }
0x2dd: {  	v58 =	vld.idx.msk [tilespmem:v49+s11+$0x0], $0xffff;
	s0 =	sor.u32 s0, s9  }
0x2de: {  	v63 =	vld.idx.msk [tilespmem:v57+s11+$0x0], $0xffff;
	[tilespmem:s0+$0x0] =	vst v1;
	s0 =	sor.u32 s31, s1  }
0x2df: {  	v0 =	vld.idx.msk [tilespmem:v0+s11+$0x0], $0xffff;
	[tilespmem:s0+$0x0] =	vst v3;
	s0 =	rddreg [dreg:$0x1d]  }
0x2e0: {  	s0 =	sor.u32 s31, s0  }
0x2e1: {  	[tilespmem:s0+$0x0] =	vst v6;
	s0 =	rddreg [dreg:$0x1f]  }
0x2e2: {  	s0 =	sor.u32 s31, s0  }
0x2e3: {  	[tilespmem:s0+$0x0] =	vst v4;
	s0 =	sld [smem:$0x7C8];
	_ =	sdelay $0x2  }
0x2e4: {  	s0 =	sor.u32 s31, s0  }
0x2e5: {  	[tilespmem:s0+$0x0] =	vst v2;
	s0 =	sld [smem:$0x7C9];
	_ =	sdelay $0x2  }
0x2e6: {  	s0 =	sor.u32 s31, s0  }
0x2e7: {  	s30 =	sor.u32 s31, s30;
	[tilespmem:s0+$0x0] =	vst v5  }
0x2e8: {  	s29 =	sor.u32 s31, s29;
	[tilespmem:s30+$0x0] =	vst v8  }
0x2e9: {  	s30 =	sor.u32 s31, s28;
	[tilespmem:s29+$0x0] =	vst v7  }
0x2ea: {  	s19 =	sor.u32 s31, s19;
	[tilespmem:s30+$0x0] =	vst v11  }
0x2eb: {  	s28 =	sor.u32 s31, s18;
	[tilespmem:s19+$0x0] =	vst v13  }
0x2ec: {  	s29 =	sor.u32 s31, s17;
	[tilespmem:s28+$0x0] =	vst v15  }
0x2ed: {  	s30 =	sor.u32 s31, s4;
	[tilespmem:s29+$0x0] =	vst v17  }
0x2ee: {  	s3 =	sor.u32 s31, s3;
	[tilespmem:s30+$0x0] =	vst v9  }
0x2ef: {  	s4 =	sor.u32 s31, s2;
	[tilespmem:s3+$0x0] =	vst v21  }
0x2f0: {  	s5 =	sor.u32 s31, s5;
	[tilespmem:s4+$0x0] =	vst v23  }
0x2f1: {  	s6 =	sor.u32 s31, s6;
	[tilespmem:s5+$0x0] =	vst v25  }
0x2f2: {  	s7 =	sor.u32 s31, s7;
	[tilespmem:s6+$0x0] =	vst v27  }
0x2f3: {  	s8 =	sor.u32 s31, s8;
	[tilespmem:s7+$0x0] =	vst v40  }
0x2f4: {  	s10 =	sor.u32 s31, s10;
	[tilespmem:s8+$0x0] =	vst v42  }
0x2f5: {  	s12 =	sor.u32 s31, s12;
	[tilespmem:s10+$0x0] =	vst v44  }
0x2f6: {  	s13 =	sor.u32 s31, s13;
	[tilespmem:s12+$0x0] =	vst v46  }
0x2f7: {  	s14 =	sor.u32 s31, s14;
	[tilespmem:s13+$0x0] =	vst v48  }
0x2f8: {  	s17 =	sor.u32 s31, s15;
	[tilespmem:s14+$0x0] =	vst v50  }
0x2f9: {  	s19 =	sor.u32 s31, s16;
	[tilespmem:s17+$0x0] =	vst v52  }
0x2fa: {  	s20 =	sor.u32 s31, s20;
	[tilespmem:s19+$0x0] =	vst v54  }
0x2fb: {  	s21 =	sor.u32 s31, s21;
	[tilespmem:s20+$0x0] =	vst v56  }
0x2fc: {  	s22 =	sor.u32 s31, s22;
	s1 =	rddreg [dreg:$0x14];
	[tilespmem:s21+$0x0] =	vst v58  }
0x2fd: {  	s23 =	sor.u32 s31, s23;
	p1 =	slt.u32 s1, $0x1C0;
	[tilespmem:s22+$0x0] =	vst v60  }
.Ltmp6:
0x2fe: {  	s24 =	sor.u32 s31, s24;
	[tilespmem:s23+$0x0] =	vst v61;
	(pc) =	sbr.rel @p1 .LBB2_9-.Ltmp6, $4  }
0x2ff: {  	s28 =	sor.u32 s31, s25;
	[tilespmem:s24+$0x0] =	vst v62  }
0x300: {  	s18 =	rddreg [dreg:$0x12];
	s29 =	sor.u32 s31, s26;
	[tilespmem:s28+$0x0] =	vst v63  }
0x301: {  	s30 =	sor.u32 s31, s9;
	s31 =	rddreg [dreg:$0x10];
	[tilespmem:s29+$0x0] =	vst v30  }
0x302: {  	p0 =	por !p0, !p0;
	s2 =	sadd.s32 $0x200, s18;
	s0 =	sadd.s32 $0x40, s31;
	[tilespmem:s30+$0x0] =	vst v0  }
0x303: {  	s0 =	rddreg [dreg:$0xd]  }
0x304: {  	s1 =	rddreg [dreg:$0xe]  }
0x305: {  	s31 =	simm.s32 $0x1000;
	s0 =	sadd.s32 s0, s1  }
0x306: {  	s2 =	simm.s32 $0x20000;
	s3 =	simm.s32 $0x8400;
	s0 =	sadd.s32 $0x200, s0  }
0x307: {  	[hbm4b:s0+s31] =	stream.strided.scatter [tilespmem:s3], [sflag:$0x4], $0x8000, s2, s31, $0x38;
	[tilespmem:$0x10600] =	vst v63  }
0x308: {  	s3 =	rddreg [dreg:$0xb]  }
0x309: {  	p0 =	seq.s32 s3, $0x63  }
.Ltmp7:
0x30a: {  	_ = 	snop;
	(pc) =	sbr.rel @p0 .LBB2_12-.Ltmp7, $1  }
0x30b: {  	_ =	sdelay $0x3  }
0x30c: {  	s0 =	rddreg [dreg:$0xc]  }
0x30d: {  	s0 =	sadd.s32 $0x3, s0  }
0x30e: {  	s2 =	rddreg [dreg:$0x6];
	s1 =	sshrl.u32 s0, $0x3;
	s0 =	sshll.u32 s0, $0x9  }
0x30f: {  	s28 =	rddreg [dreg:$0x3];
	s1 =	sadd.s32 s2, s1;
	s0 =	sand.u32 $0xE00, s0  }
.Ltmp8:
0x310: {  	s1 =	sshll.u32 s1, $0xE;
	s0 =	sor.u32 s28, s0;
	(pc) =	sbr.rel .LBB2_2-.Ltmp8, $4  }
0x311: {  	s0 =	sadd.s32 s1, s0  }
0x312: {  	s29 =	rddreg [dreg:$0x5];
	s30 =	simm.s32 $0x0;
	s0 =	sshrl.u32 s0, $0x3  }
0x313: {  	s31 =	simm.s32 $0x200;
	s3 =	sadd.s32 $0x1, s3;
	s0 =	sadd.s32 s29, s0  }
0x314: {  	[tilespmem:s31], [sflag:$0x2] =	stream.linear.gather [hbm4b:s0+s30], $0x200, $0x38;
	[tilespmem:$0x10600] =	vst v63  }
.LBB2_13:
0x315: {  	_ =	sfence.sel $0x180000  }
0x316: {  	[bflag:$0x0] =	sbarrier.arrive $0xFFFF  }
0x317: {  	_ =	strace $0x90000047  }
0x318: {  	s0 =	stileid.u32;
	[bflag:$0x2] =	sbarrier.arrive $0xFFFF  }
0x319: {  	p0 =	sne.s32 s0, $0x0;
	s0 =	rddreg [dreg:$0x2]  }
0x31a: {  	s0 =	sadd.s32 @!p0 $0x100000, s0  }
0x31b: {  	[sflag:s0] =	ssyncadd.tile.s32 @!p0 $0x1;
	_ =	shalt  }
.Lfunc_end2:
_tile_overlayer_lowered:
.L_overlay_start_2:
0x31c: {  	(tag) =	ssettag $0x2  }
0x31d: {  	s0 =	rddreg [dreg:$0x0];
	s2 =	stileid.u32  }
0x31e: {  	s1 =	rddreg [dreg:$0x1];
	p0 =	sne.s32 s2, $0x0  }
0x31f: {  	s3 =	rddreg [dreg:$0x2];
	[bflag:$0x3] =	sbarrier.arrive $0xFFFF;
	s2 =	simm.s32 @!p0 $0x1C05  }
0x320: {  	[timem:s3], [sflag:s2] =	dma.local @!p0 [hbm:s0], s1  }
0x321: {  	s0 =	simm.s32 @!p0 $0x5  }
0x322: {  	_ =	swait.ge @!p0 [sflag:s0], s1  }
0x323: {  	s1 =	ssub.s32 @!p0 $0x0, s1;
	[sflag:s0] =	ssyncset.done @!p0 $0x0  }
0x324: {  	[sflag:s0] =	ssyncadd.s32 @!p0 s1  }
0x325: {  	[bflag:$0x3] =	sbarrier.arrive $0xFFFF  }
0x326: {  	_ =	shalt  }

</sc_bundles>
